<compile_context>
chip_gen: v7x
topology: tpu7x:2x2x1
jax: 0.10.2.dev20260603
libtpu: 0.0.44.dev20260713+nightly
codegen_flags: <defaults>
</compile_context>

<pallas_src>
import functools

import jax
import jax.numpy as jnp
from jax import lax
from jax.experimental import pallas as pl
from jax.experimental.pallas import tpu as pltpu
from jax.experimental.pallas import tpu_sc as plsc

B = 16384
D = 32
NC, NS = 2, 16
NW = NC * NS
BPW = B // NW
GROUP = 16
RING = 3


def _sc_gather(u, i, ugT, igT, umT, imT):
    mesh = plsc.VectorSubcoreMesh(core_axis_name="c", subcore_axis_name="s")
    row = jax.ShapeDtypeStruct((D, B), jnp.float32)

    @functools.partial(
        pl.kernel,
        mesh=mesh,
        out_type=(row, row, row, row),
        compiler_params=pltpu.CompilerParams(needs_layout_passes=False),
        scratch_types=[
            pltpu.VMEM((BPW,), jnp.int32),
            pltpu.VMEM((BPW,), jnp.int32),
            pltpu.VMEM((D, BPW), jnp.float32),
            pltpu.VMEM((D, BPW), jnp.float32),
            pltpu.VMEM((D, BPW), jnp.float32),
            pltpu.VMEM((D, BPW), jnp.float32),
        ]
        + [pltpu.VMEM((D, 128), jnp.float32)] * (4 * RING)
        + [pltpu.SemaphoreType.DMA] * RING,
    )
    def k(u_hbm, i_hbm, ug_t, ig_t, um_t, im_t,
          ug_o, ig_o, um_o, im_o,
          u_v, i_v, bug, big, bum, bim, *rest):
        rings = rest[:4 * RING]
        sems = rest[4 * RING:]
        outs = (bug, bum, big, bim)
        wid = lax.axis_index("s") * NC + lax.axis_index("c")
        base = wid * BPW
        pltpu.sync_copy(u_hbm.at[pl.ds(base, BPW)], u_v)
        pltpu.sync_copy(i_hbm.at[pl.ds(base, BPW)], i_v)
        rows_lo = lax.iota(jnp.int32, GROUP)
        rows_hi = rows_lo + GROUP

        def step(g, _):
            uvec = u_v[pl.ds(g * GROUP, GROUP)]
            ivec = i_v[pl.ds(g * GROUP, GROUP)]
            us = [uvec[k_] for k_ in range(GROUP)]
            is_ = [ivec[k_] for k_ in range(GROUP)]

            def fire_one(k_):
                s = k_ % RING
                utc = pl.multiple_of((us[k_] >> 7) << 7, 128)
                itc = pl.multiple_of((is_[k_] >> 7) << 7, 128)
                return [
                    pltpu.async_copy(ug_t.at[:, pl.ds(utc, 128)],
                                     rings[0 * RING + s], sems[s]),
                    pltpu.async_copy(um_t.at[:, pl.ds(utc, 128)],
                                     rings[1 * RING + s], sems[s]),
                    pltpu.async_copy(ig_t.at[:, pl.ds(itc, 128)],
                                     rings[2 * RING + s], sems[s]),
                    pltpu.async_copy(im_t.at[:, pl.ds(itc, 128)],
                                     rings[3 * RING + s], sems[s]),
                ]

            def extract_one(k_, cps):
                s = k_ % RING
                for c in cps:
                    c.wait()
                slot = g * GROUP + k_
                cols_s = jnp.full((GROUP,), slot, jnp.int32)
                uc = jnp.full((GROUP,), us[k_] & 127, jnp.int32)
                ic = jnp.full((GROUP,), is_[k_] & 127, jnp.int32)
                for t, (out, cvec) in enumerate(
                        zip(outs, (uc, uc, ic, ic))):
                    buf = rings[t * RING + s]
                    v_lo = plsc.load_gather(buf, [rows_lo, cvec])
                    v_hi = plsc.load_gather(buf, [rows_hi, cvec])
                    plsc.store_scatter(out, [rows_lo, cols_s], v_lo)
                    plsc.store_scatter(out, [rows_hi, cols_s], v_hi)

            pending = {}
            for k_ in range(RING - 1):
                pending[k_] = fire_one(k_)
            for k_ in range(GROUP):
                if k_ + RING - 1 < GROUP:
                    pending[k_ + RING - 1] = fire_one(k_ + RING - 1)
                extract_one(k_, pending.pop(k_))
            return 0

        lax.fori_loop(0, BPW // GROUP, step, 0)
        dst = pl.ds(base, BPW)
        pltpu.sync_copy(bug, ug_o.at[:, dst])
        pltpu.sync_copy(bum, um_o.at[:, dst])
        pltpu.sync_copy(big, ig_o.at[:, dst])
        pltpu.sync_copy(bim, im_o.at[:, dst])

    return k(u, i, ugT, igT, umT, imT)


BLK = 8192


def _tc_mlp(ugT, igT, umT, imT, w1t, b1, w2t, b2, w3t, b3, wg, wx, bout):
    def body(ug_ref, ig_ref, um_ref, im_ref, w1_ref, b1_ref, w2_ref, b2_ref,
             w3_ref, b3_ref, wg_ref, wx_ref, bo_ref, o_ref):
        gmf = ug_ref[...] * ig_ref[...]
        x = jnp.concatenate([um_ref[...], im_ref[...]], axis=0)
        x = jnp.maximum(
            jnp.dot(w1_ref[...], x, preferred_element_type=jnp.float32)
            + b1_ref[...], 0.0)
        x = jnp.maximum(
            jnp.dot(w2_ref[...], x, preferred_element_type=jnp.float32)
            + b2_ref[...], 0.0)
        x = jnp.maximum(
            jnp.dot(w3_ref[...], x, preferred_element_type=jnp.float32)
            + b3_ref[...], 0.0)
        o = (jnp.dot(wg_ref[...], gmf, preferred_element_type=jnp.float32)
             + jnp.dot(wx_ref[...], x, preferred_element_type=jnp.float32)
             + bo_ref[...])
        o_ref[...] = 1.0 / (1.0 + jnp.exp(-o))

    blk_spec = pl.BlockSpec((D, BLK), lambda n: (0, n))
    full = lambda s: pl.BlockSpec(s, lambda n: tuple(0 for _ in s))
    return pl.pallas_call(
        body,
        grid=(B // BLK,),
        in_specs=[
            blk_spec, blk_spec, blk_spec, blk_spec,
            full((128, 64)), full((128, 1)),
            full((64, 128)), full((64, 1)),
            full((32, 64)), full((32, 1)),
            full((1, 32)), full((1, 32)), full((1, 1)),
        ],
        out_specs=pl.BlockSpec((1, BLK), lambda n: (0, n)),
        out_shape=jax.ShapeDtypeStruct((1, B), jnp.float32),
    )(ugT, igT, umT, imT, w1t, b1, w2t, b2, w3t, b3, wg, wx, bout)


def kernel(u, i, user_gmf, item_gmf, user_mlp, item_mlp,
           W1, b1, W2, b2, W3, b3, Wout, bout):
    ugT, igT = jnp.transpose(user_gmf), jnp.transpose(item_gmf)
    umT, imT = jnp.transpose(user_mlp), jnp.transpose(item_mlp)
    g_ugT, g_igT, g_umT, g_imT = _sc_gather(u, i, ugT, igT, umT, imT)
    out = _tc_mlp(g_ugT, g_igT, g_umT, g_imT,
                  W1.T, b1.reshape(-1, 1), W2.T, b2.reshape(-1, 1),
                  W3.T, b3.reshape(-1, 1),
                  Wout[:D, 0].reshape(1, D), Wout[D:, 0].reshape(1, D),
                  bout.reshape(1, 1))
    return out.reshape(B)

# --- scband reference (transcript-rebuilt; emitter-appended) ---
"""Pipeline reference for scband-neu-mf-4569845203577 (READ-ONLY COPY).

The authoritative reference and input builder live on the scoring server;
editing this copy changes nothing except your own understanding.
"""

import jax, jax.numpy as jnp
import numpy as np

B = 16384
N_USERS = 1000000
N_ITEMS = 1000000
EG = 32
EM = 32
LAYERS = (128, 64, 32)


def _xavier(key, fan_in, fan_out):
    limit = float(np.sqrt(6.0 / (fan_in + fan_out)))
    return jax.random.uniform(key, (fan_in, fan_out), dtype=jnp.float32, minval=-limit, maxval=limit)


def setup_inputs(seed: int = 0) -> dict:
    key = jax.random.key(seed)
    ks = jax.random.split(key, 12)
    u = jax.random.randint(ks[0], (B,), 0, N_USERS, dtype=jnp.int32)
    i = jax.random.randint(ks[1], (B,), 0, N_ITEMS, dtype=jnp.int32)
    user_gmf = 0.01 * jax.random.normal(ks[2], (N_USERS, EG), dtype=jnp.float32)
    item_gmf = 0.01 * jax.random.normal(ks[3], (N_ITEMS, EG), dtype=jnp.float32)
    user_mlp = 0.01 * jax.random.normal(ks[4], (N_USERS, EM), dtype=jnp.float32)
    item_mlp = 0.01 * jax.random.normal(ks[5], (N_ITEMS, EM), dtype=jnp.float32)
    dims = [EM * 2] + list(LAYERS)
    W1 = _xavier(ks[6], dims[0], dims[1]); b1 = jnp.zeros((dims[1],), jnp.float32)
    W2 = _xavier(ks[7], dims[1], dims[2]); b2 = jnp.zeros((dims[2],), jnp.float32)
    W3 = _xavier(ks[8], dims[2], dims[3]); b3 = jnp.zeros((dims[3],), jnp.float32)
    Wout = _xavier(ks[9], EG + LAYERS[-1], 1); bout = jnp.zeros((1,), jnp.float32)
    return {
        "u": u, "i": i,
        "user_gmf": user_gmf, "item_gmf": item_gmf,
        "user_mlp": user_mlp, "item_mlp": item_mlp,
        "W1": W1, "b1": b1, "W2": W2, "b2": b2, "W3": W3, "b3": b3,
        "Wout": Wout, "bout": bout,
    }


def reference(u, i, user_gmf, item_gmf, user_mlp, item_mlp, W1, b1, W2, b2, W3, b3, Wout, bout):
    # GMF branch: elementwise product of gathered embeddings
    gmf_vec = jnp.take(user_gmf, u, axis=0) * jnp.take(item_gmf, i, axis=0)
    # MLP branch
    x = jnp.concatenate([jnp.take(user_mlp, u, axis=0), jnp.take(item_mlp, i, axis=0)], axis=-1)
    x = jax.nn.relu(x @ W1 + b1)
    x = jax.nn.relu(x @ W2 + b2)
    x = jax.nn.relu(x @ W3 + b3)
    out = jnp.concatenate([gmf_vec, x], axis=-1) @ Wout + bout
    return jax.nn.sigmoid(jnp.squeeze(out, axis=-1))

if __name__ == "__main__":
    import jax
    _d = setup_inputs()
    print(jax.jit(kernel)(*tuple(_d.values())))

</pallas_src>

<mosaic_0001>
#map = affine_map<(d0, d1) -> (0)>
#map1 = affine_map<(d0, d1) -> (0, 0)>
module attributes {stable_mosaic.version = 14 : i64} {
  func.func @k(%arg0: i32, %arg1: i32, %arg2: memref<16384xi32, #tpu.memory_space<hbm>>, %arg3: memref<16384xi32, #tpu.memory_space<hbm>>, %arg4: memref<32x1000000xf32, #tpu.memory_space<hbm>>, %arg5: memref<32x1000000xf32, #tpu.memory_space<hbm>>, %arg6: memref<32x1000000xf32, #tpu.memory_space<hbm>>, %arg7: memref<32x1000000xf32, #tpu.memory_space<hbm>>, %arg8: memref<32x16384xf32, #tpu.memory_space<hbm>>, %arg9: memref<32x16384xf32, #tpu.memory_space<hbm>>, %arg10: memref<32x16384xf32, #tpu.memory_space<hbm>>, %arg11: memref<32x16384xf32, #tpu.memory_space<hbm>>, %arg12: memref<512xi32, #tpu.memory_space<vmem>>, %arg13: memref<512xi32, #tpu.memory_space<vmem>>, %arg14: memref<32x512xf32, #tpu.memory_space<vmem>>, %arg15: memref<32x512xf32, #tpu.memory_space<vmem>>, %arg16: memref<32x512xf32, #tpu.memory_space<vmem>>, %arg17: memref<32x512xf32, #tpu.memory_space<vmem>>, %arg18: memref<32x128xf32, #tpu.memory_space<vmem>>, %arg19: memref<32x128xf32, #tpu.memory_space<vmem>>, %arg20: memref<32x128xf32, #tpu.memory_space<vmem>>, %arg21: memref<32x128xf32, #tpu.memory_space<vmem>>, %arg22: memref<32x128xf32, #tpu.memory_space<vmem>>, %arg23: memref<32x128xf32, #tpu.memory_space<vmem>>, %arg24: memref<32x128xf32, #tpu.memory_space<vmem>>, %arg25: memref<32x128xf32, #tpu.memory_space<vmem>>, %arg26: memref<32x128xf32, #tpu.memory_space<vmem>>, %arg27: memref<32x128xf32, #tpu.memory_space<vmem>>, %arg28: memref<32x128xf32, #tpu.memory_space<vmem>>, %arg29: memref<32x128xf32, #tpu.memory_space<vmem>>, %arg30: memref<!tpu.dma_semaphore, #tpu.memory_space<semaphore_mem>>, %arg31: memref<!tpu.dma_semaphore, #tpu.memory_space<semaphore_mem>>, %arg32: memref<!tpu.dma_semaphore, #tpu.memory_space<semaphore_mem>>) attributes {dimension_semantics = [#tpu.dimension_semantics<core_parallel>, #tpu.dimension_semantics<subcore_parallel>], iteration_bounds = array<i64: 2, 16>, scalar_prefetch = 0 : i64, scratch_operands = 21 : i64, tpu.core_type = #tpu.core_type<sc_vector_subcore>, window_params = [{transform_indices = #map}, {transform_indices = #map}, {transform_indices = #map1}, {transform_indices = #map1}, {transform_indices = #map1}, {transform_indices = #map1}, {transform_indices = #map1}, {transform_indices = #map1}, {transform_indices = #map1}, {transform_indices = #map1}]} {
    %mul3A = arith.constant 2 : i32
    %mul3A_0 = arith.muli %arg1, %mul3A : i32
    %add3A = arith.addi %mul3A_0, %arg0 : i32
    %mul3A_1 = arith.constant 512 : i32
    %mul3A_2 = arith.muli %add3A, %mul3A_1 : i32
    "tpu.region"() ({
      %run_scoped3A = tpu.sem_alloc : memref<!tpu.dma_semaphore, #tpu.memory_space<semaphore_mem>>
      %dma_start3A = tpu.memref_slice %arg2[%mul3A_2] : memref<16384xi32, #tpu.memory_space<hbm>> -> memref<512xi32, #tpu.memory_space<hbm>>
      %dma_start3A_12 = tpu.memref_slice %arg2[%mul3A_2] : memref<16384xi32, #tpu.memory_space<hbm>> -> memref<512xi32, #tpu.memory_space<hbm>>
      tpu.enqueue_dma source(%dma_start3A_12 : memref<512xi32, #tpu.memory_space<hbm>>) target(%arg12 : memref<512xi32, #tpu.memory_space<vmem>>) target_semaphore(%run_scoped3A : memref<!tpu.dma_semaphore, #tpu.memory_space<semaphore_mem>>)
      %dma_wait3A = tpu.memref_slice %arg2[%mul3A_2] : memref<16384xi32, #tpu.memory_space<hbm>> -> memref<512xi32, #tpu.memory_space<hbm>>
      %dma_wait3A_13 = tpu.memref_slice %arg2[%mul3A_2] : memref<16384xi32, #tpu.memory_space<hbm>> -> memref<512xi32, #tpu.memory_space<hbm>>
      tpu.wait_dma2 semaphore(%run_scoped3A : memref<!tpu.dma_semaphore, #tpu.memory_space<semaphore_mem>>) src(%dma_wait3A_13 : memref<512xi32, #tpu.memory_space<hbm>>) dst(%arg12 : memref<512xi32, #tpu.memory_space<vmem>>)
      tpu.yield
    }) : () -> ()
    "tpu.region"() ({
      %run_scoped3A = tpu.sem_alloc : memref<!tpu.dma_semaphore, #tpu.memory_space<semaphore_mem>>
      %dma_start3A = tpu.memref_slice %arg3[%mul3A_2] : memref<16384xi32, #tpu.memory_space<hbm>> -> memref<512xi32, #tpu.memory_space<hbm>>
      %dma_start3A_12 = tpu.memref_slice %arg3[%mul3A_2] : memref<16384xi32, #tpu.memory_space<hbm>> -> memref<512xi32, #tpu.memory_space<hbm>>
      tpu.enqueue_dma source(%dma_start3A_12 : memref<512xi32, #tpu.memory_space<hbm>>) target(%arg13 : memref<512xi32, #tpu.memory_space<vmem>>) target_semaphore(%run_scoped3A : memref<!tpu.dma_semaphore, #tpu.memory_space<semaphore_mem>>)
      %dma_wait3A = tpu.memref_slice %arg3[%mul3A_2] : memref<16384xi32, #tpu.memory_space<hbm>> -> memref<512xi32, #tpu.memory_space<hbm>>
      %dma_wait3A_13 = tpu.memref_slice %arg3[%mul3A_2] : memref<16384xi32, #tpu.memory_space<hbm>> -> memref<512xi32, #tpu.memory_space<hbm>>
      tpu.wait_dma2 semaphore(%run_scoped3A : memref<!tpu.dma_semaphore, #tpu.memory_space<semaphore_mem>>) src(%dma_wait3A_13 : memref<512xi32, #tpu.memory_space<hbm>>) dst(%arg13 : memref<512xi32, #tpu.memory_space<vmem>>)
      tpu.yield
    }) : () -> ()
    %iota3A = tpu.iota {dimensions = array<i32: 0>} : vector<16xi32>
    %add3A_3 = arith.constant 16 : i32
    %add3A_4 = vector.broadcast %add3A_3 : i32 to vector<16xi32>
    %add3A_5 = arith.addi %iota3A, %add3A_4 : vector<16xi32>
    %scan3A = arith.constant 0 : i32
    %scan3A_6 = arith.constant 0 : i32
    %scan3A_7 = arith.constant 32 : i32
    %scan3A_8 = arith.addi %scan3A_6, %scan3A_7 : i32
    %scan3A_9 = arith.constant 1 : i32
    %scan3A_10 = scf.for %scan3A_12 = %scan3A_6 to %scan3A_8 step %scan3A_9 iter_args(%scan3A_13 = %scan3A) -> (i32)  : i32 {
      %mul3A_14 = arith.constant 16 : i32
      %mul3A_15 = arith.muli %scan3A_12, %mul3A_14 : i32
      %get3A = arith.index_cast %mul3A_15 : i32 to index
      %get3A_16 = tpu.vector_load %arg12[%get3A] {strides = array<i32>} : memref<512xi32, #tpu.memory_space<vmem>>, vector<16xi32>,
      %mul3A_17 = arith.constant 16 : i32
      %mul3A_18 = arith.muli %scan3A_12, %mul3A_17 : i32
      %get3A_19 = arith.index_cast %mul3A_18 : i32 to index
      %get3A_20 = tpu.vector_load %arg13[%get3A_19] {strides = array<i32>} : memref<512xi32, #tpu.memory_space<vmem>>, vector<16xi32>,
      %slice3A = vector.extract_strided_slice %get3A_16 {offsets = [0], sizes = [1], strides = [1]} : vector<16xi32> to vector<1xi32>
      %squeeze3A = vector.extract %slice3A[0] : i32 from vector<1xi32>
      %slice3A_21 = vector.extract_strided_slice %get3A_16 {offsets = [1], sizes = [1], strides = [1]} : vector<16xi32> to vector<1xi32>
      %squeeze3A_22 = vector.extract %slice3A_21[0] : i32 from vector<1xi32>
      %slice3A_23 = vector.extract_strided_slice %get3A_16 {offsets = [2], sizes = [1], strides = [1]} : vector<16xi32> to vector<1xi32>
      %squeeze3A_24 = vector.extract %slice3A_23[0] : i32 from vector<1xi32>
      %slice3A_25 = vector.extract_strided_slice %get3A_16 {offsets = [3], sizes = [1], strides = [1]} : vector<16xi32> to vector<1xi32>
      %squeeze3A_26 = vector.extract %slice3A_25[0] : i32 from vector<1xi32>
      %slice3A_27 = vector.extract_strided_slice %get3A_16 {offsets = [4], sizes = [1], strides = [1]} : vector<16xi32> to vector<1xi32>
      %squeeze3A_28 = vector.extract %slice3A_27[0] : i32 from vector<1xi32>
      %slice3A_29 = vector.extract_strided_slice %get3A_16 {offsets = [5], sizes = [1], strides = [1]} : vector<16xi32> to vector<1xi32>
      %squeeze3A_30 = vector.extract %slice3A_29[0] : i32 from vector<1xi32>
      %slice3A_31 = vector.extract_strided_slice %get3A_16 {offsets = [6], sizes = [1], strides = [1]} : vector<16xi32> to vector<1xi32>
      %squeeze3A_32 = vector.extract %slice3A_31[0] : i32 from vector<1xi32>
      %slice3A_33 = vector.extract_strided_slice %get3A_16 {offsets = [7], sizes = [1], strides = [1]} : vector<16xi32> to vector<1xi32>
      %squeeze3A_34 = vector.extract %slice3A_33[0] : i32 from vector<1xi32>
      %slice3A_35 = vector.extract_strided_slice %get3A_16 {offsets = [8], sizes = [1], strides = [1]} : vector<16xi32> to vector<1xi32>
      %squeeze3A_36 = vector.extract %slice3A_35[0] : i32 from vector<1xi32>
      %slice3A_37 = vector.extract_strided_slice %get3A_16 {offsets = [9], sizes = [1], strides = [1]} : vector<16xi32> to vector<1xi32>
      %squeeze3A_38 = vector.extract %slice3A_37[0] : i32 from vector<1xi32>
      %slice3A_39 = vector.extract_strided_slice %get3A_16 {offsets = [10], sizes = [1], strides = [1]} : vector<16xi32> to vector<1xi32>
      %squeeze3A_40 = vector.extract %slice3A_39[0] : i32 from vector<1xi32>
      %slice3A_41 = vector.extract_strided_slice %get3A_16 {offsets = [11], sizes = [1], strides = [1]} : vector<16xi32> to vector<1xi32>
      %squeeze3A_42 = vector.extract %slice3A_41[0] : i32 from vector<1xi32>
      %slice3A_43 = vector.extract_strided_slice %get3A_16 {offsets = [12], sizes = [1], strides = [1]} : vector<16xi32> to vector<1xi32>
      %squeeze3A_44 = vector.extract %slice3A_43[0] : i32 from vector<1xi32>
      %slice3A_45 = vector.extract_strided_slice %get3A_16 {offsets = [13], sizes = [1], strides = [1]} : vector<16xi32> to vector<1xi32>
      %squeeze3A_46 = vector.extract %slice3A_45[0] : i32 from vector<1xi32>
      %slice3A_47 = vector.extract_strided_slice %get3A_16 {offsets = [14], sizes = [1], strides = [1]} : vector<16xi32> to vector<1xi32>
      %squeeze3A_48 = vector.extract %slice3A_47[0] : i32 from vector<1xi32>
      %slice3A_49 = vector.extract_strided_slice %get3A_16 {offsets = [15], sizes = [1], strides = [1]} : vector<16xi32> to vector<1xi32>
      %squeeze3A_50 = vector.extract %slice3A_49[0] : i32 from vector<1xi32>
      %slice3A_51 = vector.extract_strided_slice %get3A_20 {offsets = [0], sizes = [1], strides = [1]} : vector<16xi32> to vector<1xi32>
      %squeeze3A_52 = vector.extract %slice3A_51[0] : i32 from vector<1xi32>
      %slice3A_53 = vector.extract_strided_slice %get3A_20 {offsets = [1], sizes = [1], strides = [1]} : vector<16xi32> to vector<1xi32>
      %squeeze3A_54 = vector.extract %slice3A_53[0] : i32 from vector<1xi32>
      %slice3A_55 = vector.extract_strided_slice %get3A_20 {offsets = [2], sizes = [1], strides = [1]} : vector<16xi32> to vector<1xi32>
      %squeeze3A_56 = vector.extract %slice3A_55[0] : i32 from vector<1xi32>
      %slice3A_57 = vector.extract_strided_slice %get3A_20 {offsets = [3], sizes = [1], strides = [1]} : vector<16xi32> to vector<1xi32>
      %squeeze3A_58 = vector.extract %slice3A_57[0] : i32 from vector<1xi32>
      %slice3A_59 = vector.extract_strided_slice %get3A_20 {offsets = [4], sizes = [1], strides = [1]} : vector<16xi32> to vector<1xi32>
      %squeeze3A_60 = vector.extract %slice3A_59[0] : i32 from vector<1xi32>
      %slice3A_61 = vector.extract_strided_slice %get3A_20 {offsets = [5], sizes = [1], strides = [1]} : vector<16xi32> to vector<1xi32>
      %squeeze3A_62 = vector.extract %slice3A_61[0] : i32 from vector<1xi32>
      %slice3A_63 = vector.extract_strided_slice %get3A_20 {offsets = [6], sizes = [1], strides = [1]} : vector<16xi32> to vector<1xi32>
      %squeeze3A_64 = vector.extract %slice3A_63[0] : i32 from vector<1xi32>
      %slice3A_65 = vector.extract_strided_slice %get3A_20 {offsets = [7], sizes = [1], strides = [1]} : vector<16xi32> to vector<1xi32>
      %squeeze3A_66 = vector.extract %slice3A_65[0] : i32 from vector<1xi32>
      %slice3A_67 = vector.extract_strided_slice %get3A_20 {offsets = [8], sizes = [1], strides = [1]} : vector<16xi32> to vector<1xi32>
      %squeeze3A_68 = vector.extract %slice3A_67[0] : i32 from vector<1xi32>
      %slice3A_69 = vector.extract_strided_slice %get3A_20 {offsets = [9], sizes = [1], strides = [1]} : vector<16xi32> to vector<1xi32>
      %squeeze3A_70 = vector.extract %slice3A_69[0] : i32 from vector<1xi32>
      %slice3A_71 = vector.extract_strided_slice %get3A_20 {offsets = [10], sizes = [1], strides = [1]} : vector<16xi32> to vector<1xi32>
      %squeeze3A_72 = vector.extract %slice3A_71[0] : i32 from vector<1xi32>
      %slice3A_73 = vector.extract_strided_slice %get3A_20 {offsets = [11], sizes = [1], strides = [1]} : vector<16xi32> to vector<1xi32>
      %squeeze3A_74 = vector.extract %slice3A_73[0] : i32 from vector<1xi32>
      %slice3A_75 = vector.extract_strided_slice %get3A_20 {offsets = [12], sizes = [1], strides = [1]} : vector<16xi32> to vector<1xi32>
      %squeeze3A_76 = vector.extract %slice3A_75[0] : i32 from vector<1xi32>
      %slice3A_77 = vector.extract_strided_slice %get3A_20 {offsets = [13], sizes = [1], strides = [1]} : vector<16xi32> to vector<1xi32>
      %squeeze3A_78 = vector.extract %slice3A_77[0] : i32 from vector<1xi32>
      %slice3A_79 = vector.extract_strided_slice %get3A_20 {offsets = [14], sizes = [1], strides = [1]} : vector<16xi32> to vector<1xi32>
      %squeeze3A_80 = vector.extract %slice3A_79[0] : i32 from vector<1xi32>
      %slice3A_81 = vector.extract_strided_slice %get3A_20 {offsets = [15], sizes = [1], strides = [1]} : vector<16xi32> to vector<1xi32>
      %squeeze3A_82 = vector.extract %slice3A_81[0] : i32 from vector<1xi32>
      %shift_right_arithmetic3A = arith.constant 7 : i32
      %shift_right_arithmetic3A_83 = arith.shrsi %squeeze3A, %shift_right_arithmetic3A : i32
      %shift_left3A = arith.constant 7 : i32
      %shift_left3A_84 = arith.shli %shift_right_arithmetic3A_83, %shift_left3A : i32
      %multiple_of3A = tpu.assume_multiple %shift_left3A_84, 128 : i32
      %shift_right_arithmetic3A_85 = arith.constant 7 : i32
      %shift_right_arithmetic3A_86 = arith.shrsi %squeeze3A_52, %shift_right_arithmetic3A_85 : i32
      %shift_left3A_87 = arith.constant 7 : i32
      %shift_left3A_88 = arith.shli %shift_right_arithmetic3A_86, %shift_left3A_87 : i32
      %multiple_of3A_89 = tpu.assume_multiple %shift_left3A_88, 128 : i32
      %dma_start3A = arith.constant 0 : i32
      %dma_start3A_90 = tpu.memref_slice %arg4[%dma_start3A, %multiple_of3A] : memref<32x1000000xf32, #tpu.memory_space<hbm>> -> memref<32x128xf32, #tpu.memory_space<hbm>>
      %dma_start3A_91 = arith.constant 0 : i32
      %dma_start3A_92 = tpu.memref_slice %arg4[%dma_start3A_91, %multiple_of3A] : memref<32x1000000xf32, #tpu.memory_space<hbm>> -> memref<32x128xf32, #tpu.memory_space<hbm>>
      tpu.enqueue_dma source(%dma_start3A_92 : memref<32x128xf32, #tpu.memory_space<hbm>>) target(%arg18 : memref<32x128xf32, #tpu.memory_space<vmem>>) target_semaphore(%arg30 : memref<!tpu.dma_semaphore, #tpu.memory_space<semaphore_mem>>)
      %dma_start3A_93 = arith.constant 0 : i32
      %dma_start3A_94 = tpu.memref_slice %arg6[%dma_start3A_93, %multiple_of3A] : memref<32x1000000xf32, #tpu.memory_space<hbm>> -> memref<32x128xf32, #tpu.memory_space<hbm>>
      %dma_start3A_95 = arith.constant 0 : i32
      %dma_start3A_96 = tpu.memref_slice %arg6[%dma_start3A_95, %multiple_of3A] : memref<32x1000000xf32, #tpu.memory_space<hbm>> -> memref<32x128xf32, #tpu.memory_space<hbm>>
      tpu.enqueue_dma source(%dma_start3A_96 : memref<32x128xf32, #tpu.memory_space<hbm>>) target(%arg21 : memref<32x128xf32, #tpu.memory_space<vmem>>) target_semaphore(%arg30 : memref<!tpu.dma_semaphore, #tpu.memory_space<semaphore_mem>>)
      %dma_start3A_97 = arith.constant 0 : i32
      %dma_start3A_98 = tpu.memref_slice %arg5[%dma_start3A_97, %multiple_of3A_89] : memref<32x1000000xf32, #tpu.memory_space<hbm>> -> memref<32x128xf32, #tpu.memory_space<hbm>>
      %dma_start3A_99 = arith.constant 0 : i32
      %dma_start3A_100 = tpu.memref_slice %arg5[%dma_start3A_99, %multiple_of3A_89] : memref<32x1000000xf32, #tpu.memory_space<hbm>> -> memref<32x128xf32, #tpu.memory_space<hbm>>
      tpu.enqueue_dma source(%dma_start3A_100 : memref<32x128xf32, #tpu.memory_space<hbm>>) target(%arg24 : memref<32x128xf32, #tpu.memory_space<vmem>>) target_semaphore(%arg30 : memref<!tpu.dma_semaphore, #tpu.memory_space<semaphore_mem>>)
      %dma_start3A_101 = arith.constant 0 : i32
      %dma_start3A_102 = tpu.memref_slice %arg7[%dma_start3A_101, %multiple_of3A_89] : memref<32x1000000xf32, #tpu.memory_space<hbm>> -> memref<32x128xf32, #tpu.memory_space<hbm>>
      %dma_start3A_103 = arith.constant 0 : i32
      %dma_start3A_104 = tpu.memref_slice %arg7[%dma_start3A_103, %multiple_of3A_89] : memref<32x1000000xf32, #tpu.memory_space<hbm>> -> memref<32x128xf32, #tpu.memory_space<hbm>>
      tpu.enqueue_dma source(%dma_start3A_104 : memref<32x128xf32, #tpu.memory_space<hbm>>) target(%arg27 : memref<32x128xf32, #tpu.memory_space<vmem>>) target_semaphore(%arg30 : memref<!tpu.dma_semaphore, #tpu.memory_space<semaphore_mem>>)
      %shift_right_arithmetic3A_105 = arith.constant 7 : i32
      %shift_right_arithmetic3A_106 = arith.shrsi %squeeze3A_22, %shift_right_arithmetic3A_105 : i32
      %shift_left3A_107 = arith.constant 7 : i32
      %shift_left3A_108 = arith.shli %shift_right_arithmetic3A_106, %shift_left3A_107 : i32
      %multiple_of3A_109 = tpu.assume_multiple %shift_left3A_108, 128 : i32
      %shift_right_arithmetic3A_110 = arith.constant 7 : i32
      %shift_right_arithmetic3A_111 = arith.shrsi %squeeze3A_54, %shift_right_arithmetic3A_110 : i32
      %shift_left3A_112 = arith.constant 7 : i32
      %shift_left3A_113 = arith.shli %shift_right_arithmetic3A_111, %shift_left3A_112 : i32
      %multiple_of3A_114 = tpu.assume_multiple %shift_left3A_113, 128 : i32
      %dma_start3A_115 = arith.constant 0 : i32
      %dma_start3A_116 = tpu.memref_slice %arg4[%dma_start3A_115, %multiple_of3A_109] : memref<32x1000000xf32, #tpu.memory_space<hbm>> -> memref<32x128xf32, #tpu.memory_space<hbm>>
      %dma_start3A_117 = arith.constant 0 : i32
      %dma_start3A_118 = tpu.memref_slice %arg4[%dma_start3A_117, %multiple_of3A_109] : memref<32x1000000xf32, #tpu.memory_space<hbm>> -> memref<32x128xf32, #tpu.memory_space<hbm>>
      tpu.enqueue_dma source(%dma_start3A_118 : memref<32x128xf32, #tpu.memory_space<hbm>>) target(%arg19 : memref<32x128xf32, #tpu.memory_space<vmem>>) target_semaphore(%arg31 : memref<!tpu.dma_semaphore, #tpu.memory_space<semaphore_mem>>)
      %dma_start3A_119 = arith.constant 0 : i32
      %dma_start3A_120 = tpu.memref_slice %arg6[%dma_start3A_119, %multiple_of3A_109] : memref<32x1000000xf32, #tpu.memory_space<hbm>> -> memref<32x128xf32, #tpu.memory_space<hbm>>
      %dma_start3A_121 = arith.constant 0 : i32
      %dma_start3A_122 = tpu.memref_slice %arg6[%dma_start3A_121, %multiple_of3A_109] : memref<32x1000000xf32, #tpu.memory_space<hbm>> -> memref<32x128xf32, #tpu.memory_space<hbm>>
      tpu.enqueue_dma source(%dma_start3A_122 : memref<32x128xf32, #tpu.memory_space<hbm>>) target(%arg22 : memref<32x128xf32, #tpu.memory_space<vmem>>) target_semaphore(%arg31 : memref<!tpu.dma_semaphore, #tpu.memory_space<semaphore_mem>>)
      %dma_start3A_123 = arith.constant 0 : i32
      %dma_start3A_124 = tpu.memref_slice %arg5[%dma_start3A_123, %multiple_of3A_114] : memref<32x1000000xf32, #tpu.memory_space<hbm>> -> memref<32x128xf32, #tpu.memory_space<hbm>>
      %dma_start3A_125 = arith.constant 0 : i32
      %dma_start3A_126 = tpu.memref_slice %arg5[%dma_start3A_125, %multiple_of3A_114] : memref<32x1000000xf32, #tpu.memory_space<hbm>> -> memref<32x128xf32, #tpu.memory_space<hbm>>
      tpu.enqueue_dma source(%dma_start3A_126 : memref<32x128xf32, #tpu.memory_space<hbm>>) target(%arg25 : memref<32x128xf32, #tpu.memory_space<vmem>>) target_semaphore(%arg31 : memref<!tpu.dma_semaphore, #tpu.memory_space<semaphore_mem>>)
      %dma_start3A_127 = arith.constant 0 : i32
      %dma_start3A_128 = tpu.memref_slice %arg7[%dma_start3A_127, %multiple_of3A_114] : memref<32x1000000xf32, #tpu.memory_space<hbm>> -> memref<32x128xf32, #tpu.memory_space<hbm>>
      %dma_start3A_129 = arith.constant 0 : i32
      %dma_start3A_130 = tpu.memref_slice %arg7[%dma_start3A_129, %multiple_of3A_114] : memref<32x1000000xf32, #tpu.memory_space<hbm>> -> memref<32x128xf32, #tpu.memory_space<hbm>>
      tpu.enqueue_dma source(%dma_start3A_130 : memref<32x128xf32, #tpu.memory_space<hbm>>) target(%arg28 : memref<32x128xf32, #tpu.memory_space<vmem>>) target_semaphore(%arg31 : memref<!tpu.dma_semaphore, #tpu.memory_space<semaphore_mem>>)
      %shift_right_arithmetic3A_131 = arith.constant 7 : i32
      %shift_right_arithmetic3A_132 = arith.shrsi %squeeze3A_24, %shift_right_arithmetic3A_131 : i32
      %shift_left3A_133 = arith.constant 7 : i32
      %shift_left3A_134 = arith.shli %shift_right_arithmetic3A_132, %shift_left3A_133 : i32
      %multiple_of3A_135 = tpu.assume_multiple %shift_left3A_134, 128 : i32
      %shift_right_arithmetic3A_136 = arith.constant 7 : i32
      %shift_right_arithmetic3A_137 = arith.shrsi %squeeze3A_56, %shift_right_arithmetic3A_136 : i32
      %shift_left3A_138 = arith.constant 7 : i32
      %shift_left3A_139 = arith.shli %shift_right_arithmetic3A_137, %shift_left3A_138 : i32
      %multiple_of3A_140 = tpu.assume_multiple %shift_left3A_139, 128 : i32
      %dma_start3A_141 = arith.constant 0 : i32
      %dma_start3A_142 = tpu.memref_slice %arg4[%dma_start3A_141, %multiple_of3A_135] : memref<32x1000000xf32, #tpu.memory_space<hbm>> -> memref<32x128xf32, #tpu.memory_space<hbm>>
      %dma_start3A_143 = arith.constant 0 : i32
      %dma_start3A_144 = tpu.memref_slice %arg4[%dma_start3A_143, %multiple_of3A_135] : memref<32x1000000xf32, #tpu.memory_space<hbm>> -> memref<32x128xf32, #tpu.memory_space<hbm>>
      tpu.enqueue_dma source(%dma_start3A_144 : memref<32x128xf32, #tpu.memory_space<hbm>>) target(%arg20 : memref<32x128xf32, #tpu.memory_space<vmem>>) target_semaphore(%arg32 : memref<!tpu.dma_semaphore, #tpu.memory_space<semaphore_mem>>)
      %dma_start3A_145 = arith.constant 0 : i32
      %dma_start3A_146 = tpu.memref_slice %arg6[%dma_start3A_145, %multiple_of3A_135] : memref<32x1000000xf32, #tpu.memory_space<hbm>> -> memref<32x128xf32, #tpu.memory_space<hbm>>
      %dma_start3A_147 = arith.constant 0 : i32
      %dma_start3A_148 = tpu.memref_slice %arg6[%dma_start3A_147, %multiple_of3A_135] : memref<32x1000000xf32, #tpu.memory_space<hbm>> -> memref<32x128xf32, #tpu.memory_space<hbm>>
      tpu.enqueue_dma source(%dma_start3A_148 : memref<32x128xf32, #tpu.memory_space<hbm>>) target(%arg23 : memref<32x128xf32, #tpu.memory_space<vmem>>) target_semaphore(%arg32 : memref<!tpu.dma_semaphore, #tpu.memory_space<semaphore_mem>>)
      %dma_start3A_149 = arith.constant 0 : i32
      %dma_start3A_150 = tpu.memref_slice %arg5[%dma_start3A_149, %multiple_of3A_140] : memref<32x1000000xf32, #tpu.memory_space<hbm>> -> memref<32x128xf32, #tpu.memory_space<hbm>>
      %dma_start3A_151 = arith.constant 0 : i32
      %dma_start3A_152 = tpu.memref_slice %arg5[%dma_start3A_151, %multiple_of3A_140] : memref<32x1000000xf32, #tpu.memory_space<hbm>> -> memref<32x128xf32, #tpu.memory_space<hbm>>
      tpu.enqueue_dma source(%dma_start3A_152 : memref<32x128xf32, #tpu.memory_space<hbm>>) target(%arg26 : memref<32x128xf32, #tpu.memory_space<vmem>>) target_semaphore(%arg32 : memref<!tpu.dma_semaphore, #tpu.memory_space<semaphore_mem>>)
      %dma_start3A_153 = arith.constant 0 : i32
      %dma_start3A_154 = tpu.memref_slice %arg7[%dma_start3A_153, %multiple_of3A_140] : memref<32x1000000xf32, #tpu.memory_space<hbm>> -> memref<32x128xf32, #tpu.memory_space<hbm>>
      %dma_start3A_155 = arith.constant 0 : i32
      %dma_start3A_156 = tpu.memref_slice %arg7[%dma_start3A_155, %multiple_of3A_140] : memref<32x1000000xf32, #tpu.memory_space<hbm>> -> memref<32x128xf32, #tpu.memory_space<hbm>>
      tpu.enqueue_dma source(%dma_start3A_156 : memref<32x128xf32, #tpu.memory_space<hbm>>) target(%arg29 : memref<32x128xf32, #tpu.memory_space<vmem>>) target_semaphore(%arg32 : memref<!tpu.dma_semaphore, #tpu.memory_space<semaphore_mem>>)
      %dma_wait3A = arith.constant 0 : i32
      %dma_wait3A_157 = tpu.memref_slice %arg4[%dma_wait3A, %multiple_of3A] : memref<32x1000000xf32, #tpu.memory_space<hbm>> -> memref<32x128xf32, #tpu.memory_space<hbm>>
      %dma_wait3A_158 = arith.constant 0 : i32
      %dma_wait3A_159 = tpu.memref_slice %arg4[%dma_wait3A_158, %multiple_of3A] : memref<32x1000000xf32, #tpu.memory_space<hbm>> -> memref<32x128xf32, #tpu.memory_space<hbm>>
      tpu.wait_dma2 semaphore(%arg30 : memref<!tpu.dma_semaphore, #tpu.memory_space<semaphore_mem>>) src(%dma_wait3A_159 : memref<32x128xf32, #tpu.memory_space<hbm>>) dst(%arg18 : memref<32x128xf32, #tpu.memory_space<vmem>>)
      %dma_wait3A_160 = arith.constant 0 : i32
      %dma_wait3A_161 = tpu.memref_slice %arg6[%dma_wait3A_160, %multiple_of3A] : memref<32x1000000xf32, #tpu.memory_space<hbm>> -> memref<32x128xf32, #tpu.memory_space<hbm>>
      %dma_wait3A_162 = arith.constant 0 : i32
      %dma_wait3A_163 = tpu.memref_slice %arg6[%dma_wait3A_162, %multiple_of3A] : memref<32x1000000xf32, #tpu.memory_space<hbm>> -> memref<32x128xf32, #tpu.memory_space<hbm>>
      tpu.wait_dma2 semaphore(%arg30 : memref<!tpu.dma_semaphore, #tpu.memory_space<semaphore_mem>>) src(%dma_wait3A_163 : memref<32x128xf32, #tpu.memory_space<hbm>>) dst(%arg21 : memref<32x128xf32, #tpu.memory_space<vmem>>)
      %dma_wait3A_164 = arith.constant 0 : i32
      %dma_wait3A_165 = tpu.memref_slice %arg5[%dma_wait3A_164, %multiple_of3A_89] : memref<32x1000000xf32, #tpu.memory_space<hbm>> -> memref<32x128xf32, #tpu.memory_space<hbm>>
      %dma_wait3A_166 = arith.constant 0 : i32
      %dma_wait3A_167 = tpu.memref_slice %arg5[%dma_wait3A_166, %multiple_of3A_89] : memref<32x1000000xf32, #tpu.memory_space<hbm>> -> memref<32x128xf32, #tpu.memory_space<hbm>>
      tpu.wait_dma2 semaphore(%arg30 : memref<!tpu.dma_semaphore, #tpu.memory_space<semaphore_mem>>) src(%dma_wait3A_167 : memref<32x128xf32, #tpu.memory_space<hbm>>) dst(%arg24 : memref<32x128xf32, #tpu.memory_space<vmem>>)
      %dma_wait3A_168 = arith.constant 0 : i32
      %dma_wait3A_169 = tpu.memref_slice %arg7[%dma_wait3A_168, %multiple_of3A_89] : memref<32x1000000xf32, #tpu.memory_space<hbm>> -> memref<32x128xf32, #tpu.memory_space<hbm>>
      %dma_wait3A_170 = arith.constant 0 : i32
      %dma_wait3A_171 = tpu.memref_slice %arg7[%dma_wait3A_170, %multiple_of3A_89] : memref<32x1000000xf32, #tpu.memory_space<hbm>> -> memref<32x128xf32, #tpu.memory_space<hbm>>
      tpu.wait_dma2 semaphore(%arg30 : memref<!tpu.dma_semaphore, #tpu.memory_space<semaphore_mem>>) src(%dma_wait3A_171 : memref<32x128xf32, #tpu.memory_space<hbm>>) dst(%arg27 : memref<32x128xf32, #tpu.memory_space<vmem>>)
      %mul3A_172 = arith.constant 16 : i32
      %mul3A_173 = arith.muli %scan3A_12, %mul3A_172 : i32
      %add3A_174 = arith.constant 0 : i32
      %add3A_175 = arith.addi %mul3A_173, %add3A_174 : i32
      %broadcast_in_dim3A = vector.broadcast %add3A_175 : i32 to vector<16xi32>
      %and3A = arith.constant 127 : i32
      %and3A_176 = arith.andi %squeeze3A, %and3A : i32
      %broadcast_in_dim3A_177 = vector.broadcast %and3A_176 : i32 to vector<16xi32>
      %and3A_178 = arith.constant 127 : i32
      %and3A_179 = arith.andi %squeeze3A_52, %and3A_178 : i32
      %broadcast_in_dim3A_180 = vector.broadcast %and3A_179 : i32 to vector<16xi32>
      %gather3A = tpu.vector_load_idx %arg18[%iota3A, %broadcast_in_dim3A_177] : memref<32x128xf32, #tpu.memory_space<vmem>>[vector<16xi32>, vector<16xi32>], vector<16xf32>,
      %gather3A_181 = tpu.vector_load_idx %arg18[%add3A_5, %broadcast_in_dim3A_177] : memref<32x128xf32, #tpu.memory_space<vmem>>[vector<16xi32>, vector<16xi32>], vector<16xf32>,
      tpu.vector_store_idx %arg14[%iota3A, %broadcast_in_dim3A], %gather3A : memref<32x512xf32, #tpu.memory_space<vmem>>[vector<16xi32>, vector<16xi32>], vector<16xf32>,
      tpu.vector_store_idx %arg14[%add3A_5, %broadcast_in_dim3A], %gather3A_181 : memref<32x512xf32, #tpu.memory_space<vmem>>[vector<16xi32>, vector<16xi32>], vector<16xf32>,
      %gather3A_182 = tpu.vector_load_idx %arg21[%iota3A, %broadcast_in_dim3A_177] : memref<32x128xf32, #tpu.memory_space<vmem>>[vector<16xi32>, vector<16xi32>], vector<16xf32>,
      %gather3A_183 = tpu.vector_load_idx %arg21[%add3A_5, %broadcast_in_dim3A_177] : memref<32x128xf32, #tpu.memory_space<vmem>>[vector<16xi32>, vector<16xi32>], vector<16xf32>,
      tpu.vector_store_idx %arg16[%iota3A, %broadcast_in_dim3A], %gather3A_182 : memref<32x512xf32, #tpu.memory_space<vmem>>[vector<16xi32>, vector<16xi32>], vector<16xf32>,
      tpu.vector_store_idx %arg16[%add3A_5, %broadcast_in_dim3A], %gather3A_183 : memref<32x512xf32, #tpu.memory_space<vmem>>[vector<16xi32>, vector<16xi32>], vector<16xf32>,
      %gather3A_184 = tpu.vector_load_idx %arg24[%iota3A, %broadcast_in_dim3A_180] : memref<32x128xf32, #tpu.memory_space<vmem>>[vector<16xi32>, vector<16xi32>], vector<16xf32>,
      %gather3A_185 = tpu.vector_load_idx %arg24[%add3A_5, %broadcast_in_dim3A_180] : memref<32x128xf32, #tpu.memory_space<vmem>>[vector<16xi32>, vector<16xi32>], vector<16xf32>,
      tpu.vector_store_idx %arg15[%iota3A, %broadcast_in_dim3A], %gather3A_184 : memref<32x512xf32, #tpu.memory_space<vmem>>[vector<16xi32>, vector<16xi32>], vector<16xf32>,
      tpu.vector_store_idx %arg15[%add3A_5, %broadcast_in_dim3A], %gather3A_185 : memref<32x512xf32, #tpu.memory_space<vmem>>[vector<16xi32>, vector<16xi32>], vector<16xf32>,
      %gather3A_186 = tpu.vector_load_idx %arg27[%iota3A, %broadcast_in_dim3A_180] : memref<32x128xf32, #tpu.memory_space<vmem>>[vector<16xi32>, vector<16xi32>], vector<16xf32>,
      %gather3A_187 = tpu.vector_load_idx %arg27[%add3A_5, %broadcast_in_dim3A_180] : memref<32x128xf32, #tpu.memory_space<vmem>>[vector<16xi32>, vector<16xi32>], vector<16xf32>,
      tpu.vector_store_idx %arg17[%iota3A, %broadcast_in_dim3A], %gather3A_186 : memref<32x512xf32, #tpu.memory_space<vmem>>[vector<16xi32>, vector<16xi32>], vector<16xf32>,
      tpu.vector_store_idx %arg17[%add3A_5, %broadcast_in_dim3A], %gather3A_187 : memref<32x512xf32, #tpu.memory_space<vmem>>[vector<16xi32>, vector<16xi32>], vector<16xf32>,
      %shift_right_arithmetic3A_188 = arith.constant 7 : i32
      %shift_right_arithmetic3A_189 = arith.shrsi %squeeze3A_26, %shift_right_arithmetic3A_188 : i32
      %shift_left3A_190 = arith.constant 7 : i32
      %shift_left3A_191 = arith.shli %shift_right_arithmetic3A_189, %shift_left3A_190 : i32
      %multiple_of3A_192 = tpu.assume_multiple %shift_left3A_191, 128 : i32
      %shift_right_arithmetic3A_193 = arith.constant 7 : i32
      %shift_right_arithmetic3A_194 = arith.shrsi %squeeze3A_58, %shift_right_arithmetic3A_193 : i32
      %shift_left3A_195 = arith.constant 7 : i32
      %shift_left3A_196 = arith.shli %shift_right_arithmetic3A_194, %shift_left3A_195 : i32
      %multiple_of3A_197 = tpu.assume_multiple %shift_left3A_196, 128 : i32
      %dma_start3A_198 = arith.constant 0 : i32
      %dma_start3A_199 = tpu.memref_slice %arg4[%dma_start3A_198, %multiple_of3A_192] : memref<32x1000000xf32, #tpu.memory_space<hbm>> -> memref<32x128xf32, #tpu.memory_space<hbm>>
      %dma_start3A_200 = arith.constant 0 : i32
      %dma_start3A_201 = tpu.memref_slice %arg4[%dma_start3A_200, %multiple_of3A_192] : memref<32x1000000xf32, #tpu.memory_space<hbm>> -> memref<32x128xf32, #tpu.memory_space<hbm>>
      tpu.enqueue_dma source(%dma_start3A_201 : memref<32x128xf32, #tpu.memory_space<hbm>>) target(%arg18 : memref<32x128xf32, #tpu.memory_space<vmem>>) target_semaphore(%arg30 : memref<!tpu.dma_semaphore, #tpu.memory_space<semaphore_mem>>)
      %dma_start3A_202 = arith.constant 0 : i32
      %dma_start3A_203 = tpu.memref_slice %arg6[%dma_start3A_202, %multiple_of3A_192] : memref<32x1000000xf32, #tpu.memory_space<hbm>> -> memref<32x128xf32, #tpu.memory_space<hbm>>
      %dma_start3A_204 = arith.constant 0 : i32
      %dma_start3A_205 = tpu.memref_slice %arg6[%dma_start3A_204, %multiple_of3A_192] : memref<32x1000000xf32, #tpu.memory_space<hbm>> -> memref<32x128xf32, #tpu.memory_space<hbm>>
      tpu.enqueue_dma source(%dma_start3A_205 : memref<32x128xf32, #tpu.memory_space<hbm>>) target(%arg21 : memref<32x128xf32, #tpu.memory_space<vmem>>) target_semaphore(%arg30 : memref<!tpu.dma_semaphore, #tpu.memory_space<semaphore_mem>>)
      %dma_start3A_206 = arith.constant 0 : i32
      %dma_start3A_207 = tpu.memref_slice %arg5[%dma_start3A_206, %multiple_of3A_197] : memref<32x1000000xf32, #tpu.memory_space<hbm>> -> memref<32x128xf32, #tpu.memory_space<hbm>>
      %dma_start3A_208 = arith.constant 0 : i32
      %dma_start3A_209 = tpu.memref_slice %arg5[%dma_start3A_208, %multiple_of3A_197] : memref<32x1000000xf32, #tpu.memory_space<hbm>> -> memref<32x128xf32, #tpu.memory_space<hbm>>
      tpu.enqueue_dma source(%dma_start3A_209 : memref<32x128xf32, #tpu.memory_space<hbm>>) target(%arg24 : memref<32x128xf32, #tpu.memory_space<vmem>>) target_semaphore(%arg30 : memref<!tpu.dma_semaphore, #tpu.memory_space<semaphore_mem>>)
      %dma_start3A_210 = arith.constant 0 : i32
      %dma_start3A_211 = tpu.memref_slice %arg7[%dma_start3A_210, %multiple_of3A_197] : memref<32x1000000xf32, #tpu.memory_space<hbm>> -> memref<32x128xf32, #tpu.memory_space<hbm>>
      %dma_start3A_212 = arith.constant 0 : i32
      %dma_start3A_213 = tpu.memref_slice %arg7[%dma_start3A_212, %multiple_of3A_197] : memref<32x1000000xf32, #tpu.memory_space<hbm>> -> memref<32x128xf32, #tpu.memory_space<hbm>>
      tpu.enqueue_dma source(%dma_start3A_213 : memref<32x128xf32, #tpu.memory_space<hbm>>) target(%arg27 : memref<32x128xf32, #tpu.memory_space<vmem>>) target_semaphore(%arg30 : memref<!tpu.dma_semaphore, #tpu.memory_space<semaphore_mem>>)
      %dma_wait3A_214 = arith.constant 0 : i32
      %dma_wait3A_215 = tpu.memref_slice %arg4[%dma_wait3A_214, %multiple_of3A_109] : memref<32x1000000xf32, #tpu.memory_space<hbm>> -> memref<32x128xf32, #tpu.memory_space<hbm>>
      %dma_wait3A_216 = arith.constant 0 : i32
      %dma_wait3A_217 = tpu.memref_slice %arg4[%dma_wait3A_216, %multiple_of3A_109] : memref<32x1000000xf32, #tpu.memory_space<hbm>> -> memref<32x128xf32, #tpu.memory_space<hbm>>
      tpu.wait_dma2 semaphore(%arg31 : memref<!tpu.dma_semaphore, #tpu.memory_space<semaphore_mem>>) src(%dma_wait3A_217 : memref<32x128xf32, #tpu.memory_space<hbm>>) dst(%arg19 : memref<32x128xf32, #tpu.memory_space<vmem>>)
      %dma_wait3A_218 = arith.constant 0 : i32
      %dma_wait3A_219 = tpu.memref_slice %arg6[%dma_wait3A_218, %multiple_of3A_109] : memref<32x1000000xf32, #tpu.memory_space<hbm>> -> memref<32x128xf32, #tpu.memory_space<hbm>>
      %dma_wait3A_220 = arith.constant 0 : i32
      %dma_wait3A_221 = tpu.memref_slice %arg6[%dma_wait3A_220, %multiple_of3A_109] : memref<32x1000000xf32, #tpu.memory_space<hbm>> -> memref<32x128xf32, #tpu.memory_space<hbm>>
      tpu.wait_dma2 semaphore(%arg31 : memref<!tpu.dma_semaphore, #tpu.memory_space<semaphore_mem>>) src(%dma_wait3A_221 : memref<32x128xf32, #tpu.memory_space<hbm>>) dst(%arg22 : memref<32x128xf32, #tpu.memory_space<vmem>>)
      %dma_wait3A_222 = arith.constant 0 : i32
      %dma_wait3A_223 = tpu.memref_slice %arg5[%dma_wait3A_222, %multiple_of3A_114] : memref<32x1000000xf32, #tpu.memory_space<hbm>> -> memref<32x128xf32, #tpu.memory_space<hbm>>
      %dma_wait3A_224 = arith.constant 0 : i32
      %dma_wait3A_225 = tpu.memref_slice %arg5[%dma_wait3A_224, %multiple_of3A_114] : memref<32x1000000xf32, #tpu.memory_space<hbm>> -> memref<32x128xf32, #tpu.memory_space<hbm>>
      tpu.wait_dma2 semaphore(%arg31 : memref<!tpu.dma_semaphore, #tpu.memory_space<semaphore_mem>>) src(%dma_wait3A_225 : memref<32x128xf32, #tpu.memory_space<hbm>>) dst(%arg25 : memref<32x128xf32, #tpu.memory_space<vmem>>)
      %dma_wait3A_226 = arith.constant 0 : i32
      %dma_wait3A_227 = tpu.memref_slice %arg7[%dma_wait3A_226, %multiple_of3A_114] : memref<32x1000000xf32, #tpu.memory_space<hbm>> -> memref<32x128xf32, #tpu.memory_space<hbm>>
      %dma_wait3A_228 = arith.constant 0 : i32
      %dma_wait3A_229 = tpu.memref_slice %arg7[%dma_wait3A_228, %multiple_of3A_114] : memref<32x1000000xf32, #tpu.memory_space<hbm>> -> memref<32x128xf32, #tpu.memory_space<hbm>>
      tpu.wait_dma2 semaphore(%arg31 : memref<!tpu.dma_semaphore, #tpu.memory_space<semaphore_mem>>) src(%dma_wait3A_229 : memref<32x128xf32, #tpu.memory_space<hbm>>) dst(%arg28 : memref<32x128xf32, #tpu.memory_space<vmem>>)
      %mul3A_230 = arith.constant 16 : i32
      %mul3A_231 = arith.muli %scan3A_12, %mul3A_230 : i32
      %add3A_232 = arith.constant 1 : i32
      %add3A_233 = arith.addi %mul3A_231, %add3A_232 : i32
      %broadcast_in_dim3A_234 = vector.broadcast %add3A_233 : i32 to vector<16xi32>
      %and3A_235 = arith.constant 127 : i32
      %and3A_236 = arith.andi %squeeze3A_22, %and3A_235 : i32
      %broadcast_in_dim3A_237 = vector.broadcast %and3A_236 : i32 to vector<16xi32>
      %and3A_238 = arith.constant 127 : i32
      %and3A_239 = arith.andi %squeeze3A_54, %and3A_238 : i32
      %broadcast_in_dim3A_240 = vector.broadcast %and3A_239 : i32 to vector<16xi32>
      %gather3A_241 = tpu.vector_load_idx %arg19[%iota3A, %broadcast_in_dim3A_237] : memref<32x128xf32, #tpu.memory_space<vmem>>[vector<16xi32>, vector<16xi32>], vector<16xf32>,
      %gather3A_242 = tpu.vector_load_idx %arg19[%add3A_5, %broadcast_in_dim3A_237] : memref<32x128xf32, #tpu.memory_space<vmem>>[vector<16xi32>, vector<16xi32>], vector<16xf32>,
      tpu.vector_store_idx %arg14[%iota3A, %broadcast_in_dim3A_234], %gather3A_241 : memref<32x512xf32, #tpu.memory_space<vmem>>[vector<16xi32>, vector<16xi32>], vector<16xf32>,
      tpu.vector_store_idx %arg14[%add3A_5, %broadcast_in_dim3A_234], %gather3A_242 : memref<32x512xf32, #tpu.memory_space<vmem>>[vector<16xi32>, vector<16xi32>], vector<16xf32>,
      %gather3A_243 = tpu.vector_load_idx %arg22[%iota3A, %broadcast_in_dim3A_237] : memref<32x128xf32, #tpu.memory_space<vmem>>[vector<16xi32>, vector<16xi32>], vector<16xf32>,
      %gather3A_244 = tpu.vector_load_idx %arg22[%add3A_5, %broadcast_in_dim3A_237] : memref<32x128xf32, #tpu.memory_space<vmem>>[vector<16xi32>, vector<16xi32>], vector<16xf32>,
      tpu.vector_store_idx %arg16[%iota3A, %broadcast_in_dim3A_234], %gather3A_243 : memref<32x512xf32, #tpu.memory_space<vmem>>[vector<16xi32>, vector<16xi32>], vector<16xf32>,
      tpu.vector_store_idx %arg16[%add3A_5, %broadcast_in_dim3A_234], %gather3A_244 : memref<32x512xf32, #tpu.memory_space<vmem>>[vector<16xi32>, vector<16xi32>], vector<16xf32>,
      %gather3A_245 = tpu.vector_load_idx %arg25[%iota3A, %broadcast_in_dim3A_240] : memref<32x128xf32, #tpu.memory_space<vmem>>[vector<16xi32>, vector<16xi32>], vector<16xf32>,
      %gather3A_246 = tpu.vector_load_idx %arg25[%add3A_5, %broadcast_in_dim3A_240] : memref<32x128xf32, #tpu.memory_space<vmem>>[vector<16xi32>, vector<16xi32>], vector<16xf32>,
      tpu.vector_store_idx %arg15[%iota3A, %broadcast_in_dim3A_234], %gather3A_245 : memref<32x512xf32, #tpu.memory_space<vmem>>[vector<16xi32>, vector<16xi32>], vector<16xf32>,
      tpu.vector_store_idx %arg15[%add3A_5, %broadcast_in_dim3A_234], %gather3A_246 : memref<32x512xf32, #tpu.memory_space<vmem>>[vector<16xi32>, vector<16xi32>], vector<16xf32>,
      %gather3A_247 = tpu.vector_load_idx %arg28[%iota3A, %broadcast_in_dim3A_240] : memref<32x128xf32, #tpu.memory_space<vmem>>[vector<16xi32>, vector<16xi32>], vector<16xf32>,
      %gather3A_248 = tpu.vector_load_idx %arg28[%add3A_5, %broadcast_in_dim3A_240] : memref<32x128xf32, #tpu.memory_space<vmem>>[vector<16xi32>, vector<16xi32>], vector<16xf32>,
      tpu.vector_store_idx %arg17[%iota3A, %broadcast_in_dim3A_234], %gather3A_247 : memref<32x512xf32, #tpu.memory_space<vmem>>[vector<16xi32>, vector<16xi32>], vector<16xf32>,
      tpu.vector_store_idx %arg17[%add3A_5, %broadcast_in_dim3A_234], %gather3A_248 : memref<32x512xf32, #tpu.memory_space<vmem>>[vector<16xi32>, vector<16xi32>], vector<16xf32>,
      %shift_right_arithmetic3A_249 = arith.constant 7 : i32
      %shift_right_arithmetic3A_250 = arith.shrsi %squeeze3A_28, %shift_right_arithmetic3A_249 : i32
      %shift_left3A_251 = arith.constant 7 : i32
      %shift_left3A_252 = arith.shli %shift_right_arithmetic3A_250, %shift_left3A_251 : i32
      %multiple_of3A_253 = tpu.assume_multiple %shift_left3A_252, 128 : i32
      %shift_right_arithmetic3A_254 = arith.constant 7 : i32
      %shift_right_arithmetic3A_255 = arith.shrsi %squeeze3A_60, %shift_right_arithmetic3A_254 : i32
      %shift_left3A_256 = arith.constant 7 : i32
      %shift_left3A_257 = arith.shli %shift_right_arithmetic3A_255, %shift_left3A_256 : i32
      %multiple_of3A_258 = tpu.assume_multiple %shift_left3A_257, 128 : i32
      %dma_start3A_259 = arith.constant 0 : i32
      %dma_start3A_260 = tpu.memref_slice %arg4[%dma_start3A_259, %multiple_of3A_253] : memref<32x1000000xf32, #tpu.memory_space<hbm>> -> memref<32x128xf32, #tpu.memory_space<hbm>>
      %dma_start3A_261 = arith.constant 0 : i32
      %dma_start3A_262 = tpu.memref_slice %arg4[%dma_start3A_261, %multiple_of3A_253] : memref<32x1000000xf32, #tpu.memory_space<hbm>> -> memref<32x128xf32, #tpu.memory_space<hbm>>
      tpu.enqueue_dma source(%dma_start3A_262 : memref<32x128xf32, #tpu.memory_space<hbm>>) target(%arg19 : memref<32x128xf32, #tpu.memory_space<vmem>>) target_semaphore(%arg31 : memref<!tpu.dma_semaphore, #tpu.memory_space<semaphore_mem>>)
      %dma_start3A_263 = arith.constant 0 : i32
      %dma_start3A_264 = tpu.memref_slice %arg6[%dma_start3A_263, %multiple_of3A_253] : memref<32x1000000xf32, #tpu.memory_space<hbm>> -> memref<32x128xf32, #tpu.memory_space<hbm>>
      %dma_start3A_265 = arith.constant 0 : i32
      %dma_start3A_266 = tpu.memref_slice %arg6[%dma_start3A_265, %multiple_of3A_253] : memref<32x1000000xf32, #tpu.memory_space<hbm>> -> memref<32x128xf32, #tpu.memory_space<hbm>>
      tpu.enqueue_dma source(%dma_start3A_266 : memref<32x128xf32, #tpu.memory_space<hbm>>) target(%arg22 : memref<32x128xf32, #tpu.memory_space<vmem>>) target_semaphore(%arg31 : memref<!tpu.dma_semaphore, #tpu.memory_space<semaphore_mem>>)
      %dma_start3A_267 = arith.constant 0 : i32
      %dma_start3A_268 = tpu.memref_slice %arg5[%dma_start3A_267, %multiple_of3A_258] : memref<32x1000000xf32, #tpu.memory_space<hbm>> -> memref<32x128xf32, #tpu.memory_space<hbm>>
      %dma_start3A_269 = arith.constant 0 : i32
      %dma_start3A_270 = tpu.memref_slice %arg5[%dma_start3A_269, %multiple_of3A_258] : memref<32x1000000xf32, #tpu.memory_space<hbm>> -> memref<32x128xf32, #tpu.memory_space<hbm>>
      tpu.enqueue_dma source(%dma_start3A_270 : memref<32x128xf32, #tpu.memory_space<hbm>>) target(%arg25 : memref<32x128xf32, #tpu.memory_space<vmem>>) target_semaphore(%arg31 : memref<!tpu.dma_semaphore, #tpu.memory_space<semaphore_mem>>)
      %dma_start3A_271 = arith.constant 0 : i32
      %dma_start3A_272 = tpu.memref_slice %arg7[%dma_start3A_271, %multiple_of3A_258] : memref<32x1000000xf32, #tpu.memory_space<hbm>> -> memref<32x128xf32, #tpu.memory_space<hbm>>
      %dma_start3A_273 = arith.constant 0 : i32
      %dma_start3A_274 = tpu.memref_slice %arg7[%dma_start3A_273, %multiple_of3A_258] : memref<32x1000000xf32, #tpu.memory_space<hbm>> -> memref<32x128xf32, #tpu.memory_space<hbm>>
      tpu.enqueue_dma source(%dma_start3A_274 : memref<32x128xf32, #tpu.memory_space<hbm>>) target(%arg28 : memref<32x128xf32, #tpu.memory_space<vmem>>) target_semaphore(%arg31 : memref<!tpu.dma_semaphore, #tpu.memory_space<semaphore_mem>>)
      %dma_wait3A_275 = arith.constant 0 : i32
      %dma_wait3A_276 = tpu.memref_slice %arg4[%dma_wait3A_275, %multiple_of3A_135] : memref<32x1000000xf32, #tpu.memory_space<hbm>> -> memref<32x128xf32, #tpu.memory_space<hbm>>
      %dma_wait3A_277 = arith.constant 0 : i32
      %dma_wait3A_278 = tpu.memref_slice %arg4[%dma_wait3A_277, %multiple_of3A_135] : memref<32x1000000xf32, #tpu.memory_space<hbm>> -> memref<32x128xf32, #tpu.memory_space<hbm>>
      tpu.wait_dma2 semaphore(%arg32 : memref<!tpu.dma_semaphore, #tpu.memory_space<semaphore_mem>>) src(%dma_wait3A_278 : memref<32x128xf32, #tpu.memory_space<hbm>>) dst(%arg20 : memref<32x128xf32, #tpu.memory_space<vmem>>)
      %dma_wait3A_279 = arith.constant 0 : i32
      %dma_wait3A_280 = tpu.memref_slice %arg6[%dma_wait3A_279, %multiple_of3A_135] : memref<32x1000000xf32, #tpu.memory_space<hbm>> -> memref<32x128xf32, #tpu.memory_space<hbm>>
      %dma_wait3A_281 = arith.constant 0 : i32
      %dma_wait3A_282 = tpu.memref_slice %arg6[%dma_wait3A_281, %multiple_of3A_135] : memref<32x1000000xf32, #tpu.memory_space<hbm>> -> memref<32x128xf32, #tpu.memory_space<hbm>>
      tpu.wait_dma2 semaphore(%arg32 : memref<!tpu.dma_semaphore, #tpu.memory_space<semaphore_mem>>) src(%dma_wait3A_282 : memref<32x128xf32, #tpu.memory_space<hbm>>) dst(%arg23 : memref<32x128xf32, #tpu.memory_space<vmem>>)
      %dma_wait3A_283 = arith.constant 0 : i32
      %dma_wait3A_284 = tpu.memref_slice %arg5[%dma_wait3A_283, %multiple_of3A_140] : memref<32x1000000xf32, #tpu.memory_space<hbm>> -> memref<32x128xf32, #tpu.memory_space<hbm>>
      %dma_wait3A_285 = arith.constant 0 : i32
      %dma_wait3A_286 = tpu.memref_slice %arg5[%dma_wait3A_285, %multiple_of3A_140] : memref<32x1000000xf32, #tpu.memory_space<hbm>> -> memref<32x128xf32, #tpu.memory_space<hbm>>
      tpu.wait_dma2 semaphore(%arg32 : memref<!tpu.dma_semaphore, #tpu.memory_space<semaphore_mem>>) src(%dma_wait3A_286 : memref<32x128xf32, #tpu.memory_space<hbm>>) dst(%arg26 : memref<32x128xf32, #tpu.memory_space<vmem>>)
      %dma_wait3A_287 = arith.constant 0 : i32
      %dma_wait3A_288 = tpu.memref_slice %arg7[%dma_wait3A_287, %multiple_of3A_140] : memref<32x1000000xf32, #tpu.memory_space<hbm>> -> memref<32x128xf32, #tpu.memory_space<hbm>>
      %dma_wait3A_289 = arith.constant 0 : i32
      %dma_wait3A_290 = tpu.memref_slice %arg7[%dma_wait3A_289, %multiple_of3A_140] : memref<32x1000000xf32, #tpu.memory_space<hbm>> -> memref<32x128xf32, #tpu.memory_space<hbm>>
      tpu.wait_dma2 semaphore(%arg32 : memref<!tpu.dma_semaphore, #tpu.memory_space<semaphore_mem>>) src(%dma_wait3A_290 : memref<32x128xf32, #tpu.memory_space<hbm>>) dst(%arg29 : memref<32x128xf32, #tpu.memory_space<vmem>>)
      %mul3A_291 = arith.constant 16 : i32
      %mul3A_292 = arith.muli %scan3A_12, %mul3A_291 : i32
      %add3A_293 = arith.constant 2 : i32
      %add3A_294 = arith.addi %mul3A_292, %add3A_293 : i32
      %broadcast_in_dim3A_295 = vector.broadcast %add3A_294 : i32 to vector<16xi32>
      %and3A_296 = arith.constant 127 : i32
      %and3A_297 = arith.andi %squeeze3A_24, %and3A_296 : i32
      %broadcast_in_dim3A_298 = vector.broadcast %and3A_297 : i32 to vector<16xi32>
      %and3A_299 = arith.constant 127 : i32
      %and3A_300 = arith.andi %squeeze3A_56, %and3A_299 : i32
      %broadcast_in_dim3A_301 = vector.broadcast %and3A_300 : i32 to vector<16xi32>
      %gather3A_302 = tpu.vector_load_idx %arg20[%iota3A, %broadcast_in_dim3A_298] : memref<32x128xf32, #tpu.memory_space<vmem>>[vector<16xi32>, vector<16xi32>], vector<16xf32>,
      %gather3A_303 = tpu.vector_load_idx %arg20[%add3A_5, %broadcast_in_dim3A_298] : memref<32x128xf32, #tpu.memory_space<vmem>>[vector<16xi32>, vector<16xi32>], vector<16xf32>,
      tpu.vector_store_idx %arg14[%iota3A, %broadcast_in_dim3A_295], %gather3A_302 : memref<32x512xf32, #tpu.memory_space<vmem>>[vector<16xi32>, vector<16xi32>], vector<16xf32>,
      tpu.vector_store_idx %arg14[%add3A_5, %broadcast_in_dim3A_295], %gather3A_303 : memref<32x512xf32, #tpu.memory_space<vmem>>[vector<16xi32>, vector<16xi32>], vector<16xf32>,
      %gather3A_304 = tpu.vector_load_idx %arg23[%iota3A, %broadcast_in_dim3A_298] : memref<32x128xf32, #tpu.memory_space<vmem>>[vector<16xi32>, vector<16xi32>], vector<16xf32>,
      %gather3A_305 = tpu.vector_load_idx %arg23[%add3A_5, %broadcast_in_dim3A_298] : memref<32x128xf32, #tpu.memory_space<vmem>>[vector<16xi32>, vector<16xi32>], vector<16xf32>,
      tpu.vector_store_idx %arg16[%iota3A, %broadcast_in_dim3A_295], %gather3A_304 : memref<32x512xf32, #tpu.memory_space<vmem>>[vector<16xi32>, vector<16xi32>], vector<16xf32>,
      tpu.vector_store_idx %arg16[%add3A_5, %broadcast_in_dim3A_295], %gather3A_305 : memref<32x512xf32, #tpu.memory_space<vmem>>[vector<16xi32>, vector<16xi32>], vector<16xf32>,
      %gather3A_306 = tpu.vector_load_idx %arg26[%iota3A, %broadcast_in_dim3A_301] : memref<32x128xf32, #tpu.memory_space<vmem>>[vector<16xi32>, vector<16xi32>], vector<16xf32>,
      %gather3A_307 = tpu.vector_load_idx %arg26[%add3A_5, %broadcast_in_dim3A_301] : memref<32x128xf32, #tpu.memory_space<vmem>>[vector<16xi32>, vector<16xi32>], vector<16xf32>,
      tpu.vector_store_idx %arg15[%iota3A, %broadcast_in_dim3A_295], %gather3A_306 : memref<32x512xf32, #tpu.memory_space<vmem>>[vector<16xi32>, vector<16xi32>], vector<16xf32>,
      tpu.vector_store_idx %arg15[%add3A_5, %broadcast_in_dim3A_295], %gather3A_307 : memref<32x512xf32, #tpu.memory_space<vmem>>[vector<16xi32>, vector<16xi32>], vector<16xf32>,
      %gather3A_308 = tpu.vector_load_idx %arg29[%iota3A, %broadcast_in_dim3A_301] : memref<32x128xf32, #tpu.memory_space<vmem>>[vector<16xi32>, vector<16xi32>], vector<16xf32>,
      %gather3A_309 = tpu.vector_load_idx %arg29[%add3A_5, %broadcast_in_dim3A_301] : memref<32x128xf32, #tpu.memory_space<vmem>>[vector<16xi32>, vector<16xi32>], vector<16xf32>,
      tpu.vector_store_idx %arg17[%iota3A, %broadcast_in_dim3A_295], %gather3A_308 : memref<32x512xf32, #tpu.memory_space<vmem>>[vector<16xi32>, vector<16xi32>], vector<16xf32>,
      tpu.vector_store_idx %arg17[%add3A_5, %broadcast_in_dim3A_295], %gather3A_309 : memref<32x512xf32, #tpu.memory_space<vmem>>[vector<16xi32>, vector<16xi32>], vector<16xf32>,
      %shift_right_arithmetic3A_310 = arith.constant 7 : i32
      %shift_right_arithmetic3A_311 = arith.shrsi %squeeze3A_30, %shift_right_arithmetic3A_310 : i32
      %shift_left3A_312 = arith.constant 7 : i32
      %shift_left3A_313 = arith.shli %shift_right_arithmetic3A_311, %shift_left3A_312 : i32
      %multiple_of3A_314 = tpu.assume_multiple %shift_left3A_313, 128 : i32
      %shift_right_arithmetic3A_315 = arith.constant 7 : i32
      %shift_right_arithmetic3A_316 = arith.shrsi %squeeze3A_62, %shift_right_arithmetic3A_315 : i32
      %shift_left3A_317 = arith.constant 7 : i32
      %shift_left3A_318 = arith.shli %shift_right_arithmetic3A_316, %shift_left3A_317 : i32
      %multiple_of3A_319 = tpu.assume_multiple %shift_left3A_318, 128 : i32
      %dma_start3A_320 = arith.constant 0 : i32
      %dma_start3A_321 = tpu.memref_slice %arg4[%dma_start3A_320, %multiple_of3A_314] : memref<32x1000000xf32, #tpu.memory_space<hbm>> -> memref<32x128xf32, #tpu.memory_space<hbm>>
      %dma_start3A_322 = arith.constant 0 : i32
      %dma_start3A_323 = tpu.memref_slice %arg4[%dma_start3A_322, %multiple_of3A_314] : memref<32x1000000xf32, #tpu.memory_space<hbm>> -> memref<32x128xf32, #tpu.memory_space<hbm>>
      tpu.enqueue_dma source(%dma_start3A_323 : memref<32x128xf32, #tpu.memory_space<hbm>>) target(%arg20 : memref<32x128xf32, #tpu.memory_space<vmem>>) target_semaphore(%arg32 : memref<!tpu.dma_semaphore, #tpu.memory_space<semaphore_mem>>)
      %dma_start3A_324 = arith.constant 0 : i32
      %dma_start3A_325 = tpu.memref_slice %arg6[%dma_start3A_324, %multiple_of3A_314] : memref<32x1000000xf32, #tpu.memory_space<hbm>> -> memref<32x128xf32, #tpu.memory_space<hbm>>
      %dma_start3A_326 = arith.constant 0 : i32
      %dma_start3A_327 = tpu.memref_slice %arg6[%dma_start3A_326, %multiple_of3A_314] : memref<32x1000000xf32, #tpu.memory_space<hbm>> -> memref<32x128xf32, #tpu.memory_space<hbm>>
      tpu.enqueue_dma source(%dma_start3A_327 : memref<32x128xf32, #tpu.memory_space<hbm>>) target(%arg23 : memref<32x128xf32, #tpu.memory_space<vmem>>) target_semaphore(%arg32 : memref<!tpu.dma_semaphore, #tpu.memory_space<semaphore_mem>>)
      %dma_start3A_328 = arith.constant 0 : i32
      %dma_start3A_329 = tpu.memref_slice %arg5[%dma_start3A_328, %multiple_of3A_319] : memref<32x1000000xf32, #tpu.memory_space<hbm>> -> memref<32x128xf32, #tpu.memory_space<hbm>>
      %dma_start3A_330 = arith.constant 0 : i32
      %dma_start3A_331 = tpu.memref_slice %arg5[%dma_start3A_330, %multiple_of3A_319] : memref<32x1000000xf32, #tpu.memory_space<hbm>> -> memref<32x128xf32, #tpu.memory_space<hbm>>
      tpu.enqueue_dma source(%dma_start3A_331 : memref<32x128xf32, #tpu.memory_space<hbm>>) target(%arg26 : memref<32x128xf32, #tpu.memory_space<vmem>>) target_semaphore(%arg32 : memref<!tpu.dma_semaphore, #tpu.memory_space<semaphore_mem>>)
      %dma_start3A_332 = arith.constant 0 : i32
      %dma_start3A_333 = tpu.memref_slice %arg7[%dma_start3A_332, %multiple_of3A_319] : memref<32x1000000xf32, #tpu.memory_space<hbm>> -> memref<32x128xf32, #tpu.memory_space<hbm>>
      %dma_start3A_334 = arith.constant 0 : i32
      %dma_start3A_335 = tpu.memref_slice %arg7[%dma_start3A_334, %multiple_of3A_319] : memref<32x1000000xf32, #tpu.memory_space<hbm>> -> memref<32x128xf32, #tpu.memory_space<hbm>>
      tpu.enqueue_dma source(%dma_start3A_335 : memref<32x128xf32, #tpu.memory_space<hbm>>) target(%arg29 : memref<32x128xf32, #tpu.memory_space<vmem>>) target_semaphore(%arg32 : memref<!tpu.dma_semaphore, #tpu.memory_space<semaphore_mem>>)
      %dma_wait3A_336 = arith.constant 0 : i32
      %dma_wait3A_337 = tpu.memref_slice %arg4[%dma_wait3A_336, %multiple_of3A_192] : memref<32x1000000xf32, #tpu.memory_space<hbm>> -> memref<32x128xf32, #tpu.memory_space<hbm>>
      %dma_wait3A_338 = arith.constant 0 : i32
      %dma_wait3A_339 = tpu.memref_slice %arg4[%dma_wait3A_338, %multiple_of3A_192] : memref<32x1000000xf32, #tpu.memory_space<hbm>> -> memref<32x128xf32, #tpu.memory_space<hbm>>
      tpu.wait_dma2 semaphore(%arg30 : memref<!tpu.dma_semaphore, #tpu.memory_space<semaphore_mem>>) src(%dma_wait3A_339 : memref<32x128xf32, #tpu.memory_space<hbm>>) dst(%arg18 : memref<32x128xf32, #tpu.memory_space<vmem>>)
      %dma_wait3A_340 = arith.constant 0 : i32
      %dma_wait3A_341 = tpu.memref_slice %arg6[%dma_wait3A_340, %multiple_of3A_192] : memref<32x1000000xf32, #tpu.memory_space<hbm>> -> memref<32x128xf32, #tpu.memory_space<hbm>>
      %dma_wait3A_342 = arith.constant 0 : i32
      %dma_wait3A_343 = tpu.memref_slice %arg6[%dma_wait3A_342, %multiple_of3A_192] : memref<32x1000000xf32, #tpu.memory_space<hbm>> -> memref<32x128xf32, #tpu.memory_space<hbm>>
      tpu.wait_dma2 semaphore(%arg30 : memref<!tpu.dma_semaphore, #tpu.memory_space<semaphore_mem>>) src(%dma_wait3A_343 : memref<32x128xf32, #tpu.memory_space<hbm>>) dst(%arg21 : memref<32x128xf32, #tpu.memory_space<vmem>>)
      %dma_wait3A_344 = arith.constant 0 : i32
      %dma_wait3A_345 = tpu.memref_slice %arg5[%dma_wait3A_344, %multiple_of3A_197] : memref<32x1000000xf32, #tpu.memory_space<hbm>> -> memref<32x128xf32, #tpu.memory_space<hbm>>
      %dma_wait3A_346 = arith.constant 0 : i32
      %dma_wait3A_347 = tpu.memref_slice %arg5[%dma_wait3A_346, %multiple_of3A_197] : memref<32x1000000xf32, #tpu.memory_space<hbm>> -> memref<32x128xf32, #tpu.memory_space<hbm>>
      tpu.wait_dma2 semaphore(%arg30 : memref<!tpu.dma_semaphore, #tpu.memory_space<semaphore_mem>>) src(%dma_wait3A_347 : memref<32x128xf32, #tpu.memory_space<hbm>>) dst(%arg24 : memref<32x128xf32, #tpu.memory_space<vmem>>)
      %dma_wait3A_348 = arith.constant 0 : i32
      %dma_wait3A_349 = tpu.memref_slice %arg7[%dma_wait3A_348, %multiple_of3A_197] : memref<32x1000000xf32, #tpu.memory_space<hbm>> -> memref<32x128xf32, #tpu.memory_space<hbm>>
      %dma_wait3A_350 = arith.constant 0 : i32
      %dma_wait3A_351 = tpu.memref_slice %arg7[%dma_wait3A_350, %multiple_of3A_197] : memref<32x1000000xf32, #tpu.memory_space<hbm>> -> memref<32x128xf32, #tpu.memory_space<hbm>>
      tpu.wait_dma2 semaphore(%arg30 : memref<!tpu.dma_semaphore, #tpu.memory_space<semaphore_mem>>) src(%dma_wait3A_351 : memref<32x128xf32, #tpu.memory_space<hbm>>) dst(%arg27 : memref<32x128xf32, #tpu.memory_space<vmem>>)
      %mul3A_352 = arith.constant 16 : i32
      %mul3A_353 = arith.muli %scan3A_12, %mul3A_352 : i32
      %add3A_354 = arith.constant 3 : i32
      %add3A_355 = arith.addi %mul3A_353, %add3A_354 : i32
      %broadcast_in_dim3A_356 = vector.broadcast %add3A_355 : i32 to vector<16xi32>
      %and3A_357 = arith.constant 127 : i32
      %and3A_358 = arith.andi %squeeze3A_26, %and3A_357 : i32
      %broadcast_in_dim3A_359 = vector.broadcast %and3A_358 : i32 to vector<16xi32>
      %and3A_360 = arith.constant 127 : i32
      %and3A_361 = arith.andi %squeeze3A_58, %and3A_360 : i32
      %broadcast_in_dim3A_362 = vector.broadcast %and3A_361 : i32 to vector<16xi32>
      %gather3A_363 = tpu.vector_load_idx %arg18[%iota3A, %broadcast_in_dim3A_359] : memref<32x128xf32, #tpu.memory_space<vmem>>[vector<16xi32>, vector<16xi32>], vector<16xf32>,
      %gather3A_364 = tpu.vector_load_idx %arg18[%add3A_5, %broadcast_in_dim3A_359] : memref<32x128xf32, #tpu.memory_space<vmem>>[vector<16xi32>, vector<16xi32>], vector<16xf32>,
      tpu.vector_store_idx %arg14[%iota3A, %broadcast_in_dim3A_356], %gather3A_363 : memref<32x512xf32, #tpu.memory_space<vmem>>[vector<16xi32>, vector<16xi32>], vector<16xf32>,
      tpu.vector_store_idx %arg14[%add3A_5, %broadcast_in_dim3A_356], %gather3A_364 : memref<32x512xf32, #tpu.memory_space<vmem>>[vector<16xi32>, vector<16xi32>], vector<16xf32>,
      %gather3A_365 = tpu.vector_load_idx %arg21[%iota3A, %broadcast_in_dim3A_359] : memref<32x128xf32, #tpu.memory_space<vmem>>[vector<16xi32>, vector<16xi32>], vector<16xf32>,
      %gather3A_366 = tpu.vector_load_idx %arg21[%add3A_5, %broadcast_in_dim3A_359] : memref<32x128xf32, #tpu.memory_space<vmem>>[vector<16xi32>, vector<16xi32>], vector<16xf32>,
      tpu.vector_store_idx %arg16[%iota3A, %broadcast_in_dim3A_356], %gather3A_365 : memref<32x512xf32, #tpu.memory_space<vmem>>[vector<16xi32>, vector<16xi32>], vector<16xf32>,
      tpu.vector_store_idx %arg16[%add3A_5, %broadcast_in_dim3A_356], %gather3A_366 : memref<32x512xf32, #tpu.memory_space<vmem>>[vector<16xi32>, vector<16xi32>], vector<16xf32>,
      %gather3A_367 = tpu.vector_load_idx %arg24[%iota3A, %broadcast_in_dim3A_362] : memref<32x128xf32, #tpu.memory_space<vmem>>[vector<16xi32>, vector<16xi32>], vector<16xf32>,
      %gather3A_368 = tpu.vector_load_idx %arg24[%add3A_5, %broadcast_in_dim3A_362] : memref<32x128xf32, #tpu.memory_space<vmem>>[vector<16xi32>, vector<16xi32>], vector<16xf32>,
      tpu.vector_store_idx %arg15[%iota3A, %broadcast_in_dim3A_356], %gather3A_367 : memref<32x512xf32, #tpu.memory_space<vmem>>[vector<16xi32>, vector<16xi32>], vector<16xf32>,
      tpu.vector_store_idx %arg15[%add3A_5, %broadcast_in_dim3A_356], %gather3A_368 : memref<32x512xf32, #tpu.memory_space<vmem>>[vector<16xi32>, vector<16xi32>], vector<16xf32>,
      %gather3A_369 = tpu.vector_load_idx %arg27[%iota3A, %broadcast_in_dim3A_362] : memref<32x128xf32, #tpu.memory_space<vmem>>[vector<16xi32>, vector<16xi32>], vector<16xf32>,
      %gather3A_370 = tpu.vector_load_idx %arg27[%add3A_5, %broadcast_in_dim3A_362] : memref<32x128xf32, #tpu.memory_space<vmem>>[vector<16xi32>, vector<16xi32>], vector<16xf32>,
      tpu.vector_store_idx %arg17[%iota3A, %broadcast_in_dim3A_356], %gather3A_369 : memref<32x512xf32, #tpu.memory_space<vmem>>[vector<16xi32>, vector<16xi32>], vector<16xf32>,
      tpu.vector_store_idx %arg17[%add3A_5, %broadcast_in_dim3A_356], %gather3A_370 : memref<32x512xf32, #tpu.memory_space<vmem>>[vector<16xi32>, vector<16xi32>], vector<16xf32>,
      %shift_right_arithmetic3A_371 = arith.constant 7 : i32
      %shift_right_arithmetic3A_372 = arith.shrsi %squeeze3A_32, %shift_right_arithmetic3A_371 : i32
      %shift_left3A_373 = arith.constant 7 : i32
      %shift_left3A_374 = arith.shli %shift_right_arithmetic3A_372, %shift_left3A_373 : i32
      %multiple_of3A_375 = tpu.assume_multiple %shift_left3A_374, 128 : i32
      %shift_right_arithmetic3A_376 = arith.constant 7 : i32
      %shift_right_arithmetic3A_377 = arith.shrsi %squeeze3A_64, %shift_right_arithmetic3A_376 : i32
      %shift_left3A_378 = arith.constant 7 : i32
      %shift_left3A_379 = arith.shli %shift_right_arithmetic3A_377, %shift_left3A_378 : i32
      %multiple_of3A_380 = tpu.assume_multiple %shift_left3A_379, 128 : i32
      %dma_start3A_381 = arith.constant 0 : i32
      %dma_start3A_382 = tpu.memref_slice %arg4[%dma_start3A_381, %multiple_of3A_375] : memref<32x1000000xf32, #tpu.memory_space<hbm>> -> memref<32x128xf32, #tpu.memory_space<hbm>>
      %dma_start3A_383 = arith.constant 0 : i32
      %dma_start3A_384 = tpu.memref_slice %arg4[%dma_start3A_383, %multiple_of3A_375] : memref<32x1000000xf32, #tpu.memory_space<hbm>> -> memref<32x128xf32, #tpu.memory_space<hbm>>
      tpu.enqueue_dma source(%dma_start3A_384 : memref<32x128xf32, #tpu.memory_space<hbm>>) target(%arg18 : memref<32x128xf32, #tpu.memory_space<vmem>>) target_semaphore(%arg30 : memref<!tpu.dma_semaphore, #tpu.memory_space<semaphore_mem>>)
      %dma_start3A_385 = arith.constant 0 : i32
      %dma_start3A_386 = tpu.memref_slice %arg6[%dma_start3A_385, %multiple_of3A_375] : memref<32x1000000xf32, #tpu.memory_space<hbm>> -> memref<32x128xf32, #tpu.memory_space<hbm>>
      %dma_start3A_387 = arith.constant 0 : i32
      %dma_start3A_388 = tpu.memref_slice %arg6[%dma_start3A_387, %multiple_of3A_375] : memref<32x1000000xf32, #tpu.memory_space<hbm>> -> memref<32x128xf32, #tpu.memory_space<hbm>>
      tpu.enqueue_dma source(%dma_start3A_388 : memref<32x128xf32, #tpu.memory_space<hbm>>) target(%arg21 : memref<32x128xf32, #tpu.memory_space<vmem>>) target_semaphore(%arg30 : memref<!tpu.dma_semaphore, #tpu.memory_space<semaphore_mem>>)
      %dma_start3A_389 = arith.constant 0 : i32
      %dma_start3A_390 = tpu.memref_slice %arg5[%dma_start3A_389, %multiple_of3A_380] : memref<32x1000000xf32, #tpu.memory_space<hbm>> -> memref<32x128xf32, #tpu.memory_space<hbm>>
      %dma_start3A_391 = arith.constant 0 : i32
      %dma_start3A_392 = tpu.memref_slice %arg5[%dma_start3A_391, %multiple_of3A_380] : memref<32x1000000xf32, #tpu.memory_space<hbm>> -> memref<32x128xf32, #tpu.memory_space<hbm>>
      tpu.enqueue_dma source(%dma_start3A_392 : memref<32x128xf32, #tpu.memory_space<hbm>>) target(%arg24 : memref<32x128xf32, #tpu.memory_space<vmem>>) target_semaphore(%arg30 : memref<!tpu.dma_semaphore, #tpu.memory_space<semaphore_mem>>)
      %dma_start3A_393 = arith.constant 0 : i32
      %dma_start3A_394 = tpu.memref_slice %arg7[%dma_start3A_393, %multiple_of3A_380] : memref<32x1000000xf32, #tpu.memory_space<hbm>> -> memref<32x128xf32, #tpu.memory_space<hbm>>
      %dma_start3A_395 = arith.constant 0 : i32
      %dma_start3A_396 = tpu.memref_slice %arg7[%dma_start3A_395, %multiple_of3A_380] : memref<32x1000000xf32, #tpu.memory_space<hbm>> -> memref<32x128xf32, #tpu.memory_space<hbm>>
      tpu.enqueue_dma source(%dma_start3A_396 : memref<32x128xf32, #tpu.memory_space<hbm>>) target(%arg27 : memref<32x128xf32, #tpu.memory_space<vmem>>) target_semaphore(%arg30 : memref<!tpu.dma_semaphore, #tpu.memory_space<semaphore_mem>>)
      %dma_wait3A_397 = arith.constant 0 : i32
      %dma_wait3A_398 = tpu.memref_slice %arg4[%dma_wait3A_397, %multiple_of3A_253] : memref<32x1000000xf32, #tpu.memory_space<hbm>> -> memref<32x128xf32, #tpu.memory_space<hbm>>
      %dma_wait3A_399 = arith.constant 0 : i32
      %dma_wait3A_400 = tpu.memref_slice %arg4[%dma_wait3A_399, %multiple_of3A_253] : memref<32x1000000xf32, #tpu.memory_space<hbm>> -> memref<32x128xf32, #tpu.memory_space<hbm>>
      tpu.wait_dma2 semaphore(%arg31 : memref<!tpu.dma_semaphore, #tpu.memory_space<semaphore_mem>>) src(%dma_wait3A_400 : memref<32x128xf32, #tpu.memory_space<hbm>>) dst(%arg19 : memref<32x128xf32, #tpu.memory_space<vmem>>)
      %dma_wait3A_401 = arith.constant 0 : i32
      %dma_wait3A_402 = tpu.memref_slice %arg6[%dma_wait3A_401, %multiple_of3A_253] : memref<32x1000000xf32, #tpu.memory_space<hbm>> -> memref<32x128xf32, #tpu.memory_space<hbm>>
      %dma_wait3A_403 = arith.constant 0 : i32
      %dma_wait3A_404 = tpu.memref_slice %arg6[%dma_wait3A_403, %multiple_of3A_253] : memref<32x1000000xf32, #tpu.memory_space<hbm>> -> memref<32x128xf32, #tpu.memory_space<hbm>>
      tpu.wait_dma2 semaphore(%arg31 : memref<!tpu.dma_semaphore, #tpu.memory_space<semaphore_mem>>) src(%dma_wait3A_404 : memref<32x128xf32, #tpu.memory_space<hbm>>) dst(%arg22 : memref<32x128xf32, #tpu.memory_space<vmem>>)
      %dma_wait3A_405 = arith.constant 0 : i32
      %dma_wait3A_406 = tpu.memref_slice %arg5[%dma_wait3A_405, %multiple_of3A_258] : memref<32x1000000xf32, #tpu.memory_space<hbm>> -> memref<32x128xf32, #tpu.memory_space<hbm>>
      %dma_wait3A_407 = arith.constant 0 : i32
      %dma_wait3A_408 = tpu.memref_slice %arg5[%dma_wait3A_407, %multiple_of3A_258] : memref<32x1000000xf32, #tpu.memory_space<hbm>> -> memref<32x128xf32, #tpu.memory_space<hbm>>
      tpu.wait_dma2 semaphore(%arg31 : memref<!tpu.dma_semaphore, #tpu.memory_space<semaphore_mem>>) src(%dma_wait3A_408 : memref<32x128xf32, #tpu.memory_space<hbm>>) dst(%arg25 : memref<32x128xf32, #tpu.memory_space<vmem>>)
      %dma_wait3A_409 = arith.constant 0 : i32
      %dma_wait3A_410 = tpu.memref_slice %arg7[%dma_wait3A_409, %multiple_of3A_258] : memref<32x1000000xf32, #tpu.memory_space<hbm>> -> memref<32x128xf32, #tpu.memory_space<hbm>>
      %dma_wait3A_411 = arith.constant 0 : i32
      %dma_wait3A_412 = tpu.memref_slice %arg7[%dma_wait3A_411, %multiple_of3A_258] : memref<32x1000000xf32, #tpu.memory_space<hbm>> -> memref<32x128xf32, #tpu.memory_space<hbm>>
      tpu.wait_dma2 semaphore(%arg31 : memref<!tpu.dma_semaphore, #tpu.memory_space<semaphore_mem>>) src(%dma_wait3A_412 : memref<32x128xf32, #tpu.memory_space<hbm>>) dst(%arg28 : memref<32x128xf32, #tpu.memory_space<vmem>>)
      %mul3A_413 = arith.constant 16 : i32
      %mul3A_414 = arith.muli %scan3A_12, %mul3A_413 : i32
      %add3A_415 = arith.constant 4 : i32
      %add3A_416 = arith.addi %mul3A_414, %add3A_415 : i32
      %broadcast_in_dim3A_417 = vector.broadcast %add3A_416 : i32 to vector<16xi32>
      %and3A_418 = arith.constant 127 : i32
      %and3A_419 = arith.andi %squeeze3A_28, %and3A_418 : i32
      %broadcast_in_dim3A_420 = vector.broadcast %and3A_419 : i32 to vector<16xi32>
      %and3A_421 = arith.constant 127 : i32
      %and3A_422 = arith.andi %squeeze3A_60, %and3A_421 : i32
      %broadcast_in_dim3A_423 = vector.broadcast %and3A_422 : i32 to vector<16xi32>
      %gather3A_424 = tpu.vector_load_idx %arg19[%iota3A, %broadcast_in_dim3A_420] : memref<32x128xf32, #tpu.memory_space<vmem>>[vector<16xi32>, vector<16xi32>], vector<16xf32>,
      %gather3A_425 = tpu.vector_load_idx %arg19[%add3A_5, %broadcast_in_dim3A_420] : memref<32x128xf32, #tpu.memory_space<vmem>>[vector<16xi32>, vector<16xi32>], vector<16xf32>,
      tpu.vector_store_idx %arg14[%iota3A, %broadcast_in_dim3A_417], %gather3A_424 : memref<32x512xf32, #tpu.memory_space<vmem>>[vector<16xi32>, vector<16xi32>], vector<16xf32>,
      tpu.vector_store_idx %arg14[%add3A_5, %broadcast_in_dim3A_417], %gather3A_425 : memref<32x512xf32, #tpu.memory_space<vmem>>[vector<16xi32>, vector<16xi32>], vector<16xf32>,
      %gather3A_426 = tpu.vector_load_idx %arg22[%iota3A, %broadcast_in_dim3A_420] : memref<32x128xf32, #tpu.memory_space<vmem>>[vector<16xi32>, vector<16xi32>], vector<16xf32>,
      %gather3A_427 = tpu.vector_load_idx %arg22[%add3A_5, %broadcast_in_dim3A_420] : memref<32x128xf32, #tpu.memory_space<vmem>>[vector<16xi32>, vector<16xi32>], vector<16xf32>,
      tpu.vector_store_idx %arg16[%iota3A, %broadcast_in_dim3A_417], %gather3A_426 : memref<32x512xf32, #tpu.memory_space<vmem>>[vector<16xi32>, vector<16xi32>], vector<16xf32>,
      tpu.vector_store_idx %arg16[%add3A_5, %broadcast_in_dim3A_417], %gather3A_427 : memref<32x512xf32, #tpu.memory_space<vmem>>[vector<16xi32>, vector<16xi32>], vector<16xf32>,
      %gather3A_428 = tpu.vector_load_idx %arg25[%iota3A, %broadcast_in_dim3A_423] : memref<32x128xf32, #tpu.memory_space<vmem>>[vector<16xi32>, vector<16xi32>], vector<16xf32>,
      %gather3A_429 = tpu.vector_load_idx %arg25[%add3A_5, %broadcast_in_dim3A_423] : memref<32x128xf32, #tpu.memory_space<vmem>>[vector<16xi32>, vector<16xi32>], vector<16xf32>,
      tpu.vector_store_idx %arg15[%iota3A, %broadcast_in_dim3A_417], %gather3A_428 : memref<32x512xf32, #tpu.memory_space<vmem>>[vector<16xi32>, vector<16xi32>], vector<16xf32>,
      tpu.vector_store_idx %arg15[%add3A_5, %broadcast_in_dim3A_417], %gather3A_429 : memref<32x512xf32, #tpu.memory_space<vmem>>[vector<16xi32>, vector<16xi32>], vector<16xf32>,
      %gather3A_430 = tpu.vector_load_idx %arg28[%iota3A, %broadcast_in_dim3A_423] : memref<32x128xf32, #tpu.memory_space<vmem>>[vector<16xi32>, vector<16xi32>], vector<16xf32>,
      %gather3A_431 = tpu.vector_load_idx %arg28[%add3A_5, %broadcast_in_dim3A_423] : memref<32x128xf32, #tpu.memory_space<vmem>>[vector<16xi32>, vector<16xi32>], vector<16xf32>,
      tpu.vector_store_idx %arg17[%iota3A, %broadcast_in_dim3A_417], %gather3A_430 : memref<32x512xf32, #tpu.memory_space<vmem>>[vector<16xi32>, vector<16xi32>], vector<16xf32>,
      tpu.vector_store_idx %arg17[%add3A_5, %broadcast_in_dim3A_417], %gather3A_431 : memref<32x512xf32, #tpu.memory_space<vmem>>[vector<16xi32>, vector<16xi32>], vector<16xf32>,
      %shift_right_arithmetic3A_432 = arith.constant 7 : i32
      %shift_right_arithmetic3A_433 = arith.shrsi %squeeze3A_34, %shift_right_arithmetic3A_432 : i32
      %shift_left3A_434 = arith.constant 7 : i32
      %shift_left3A_435 = arith.shli %shift_right_arithmetic3A_433, %shift_left3A_434 : i32
      %multiple_of3A_436 = tpu.assume_multiple %shift_left3A_435, 128 : i32
      %shift_right_arithmetic3A_437 = arith.constant 7 : i32
      %shift_right_arithmetic3A_438 = arith.shrsi %squeeze3A_66, %shift_right_arithmetic3A_437 : i32
      %shift_left3A_439 = arith.constant 7 : i32
      %shift_left3A_440 = arith.shli %shift_right_arithmetic3A_438, %shift_left3A_439 : i32
      %multiple_of3A_441 = tpu.assume_multiple %shift_left3A_440, 128 : i32
      %dma_start3A_442 = arith.constant 0 : i32
      %dma_start3A_443 = tpu.memref_slice %arg4[%dma_start3A_442, %multiple_of3A_436] : memref<32x1000000xf32, #tpu.memory_space<hbm>> -> memref<32x128xf32, #tpu.memory_space<hbm>>
      %dma_start3A_444 = arith.constant 0 : i32
      %dma_start3A_445 = tpu.memref_slice %arg4[%dma_start3A_444, %multiple_of3A_436] : memref<32x1000000xf32, #tpu.memory_space<hbm>> -> memref<32x128xf32, #tpu.memory_space<hbm>>
      tpu.enqueue_dma source(%dma_start3A_445 : memref<32x128xf32, #tpu.memory_space<hbm>>) target(%arg19 : memref<32x128xf32, #tpu.memory_space<vmem>>) target_semaphore(%arg31 : memref<!tpu.dma_semaphore, #tpu.memory_space<semaphore_mem>>)
      %dma_start3A_446 = arith.constant 0 : i32
      %dma_start3A_447 = tpu.memref_slice %arg6[%dma_start3A_446, %multiple_of3A_436] : memref<32x1000000xf32, #tpu.memory_space<hbm>> -> memref<32x128xf32, #tpu.memory_space<hbm>>
      %dma_start3A_448 = arith.constant 0 : i32
      %dma_start3A_449 = tpu.memref_slice %arg6[%dma_start3A_448, %multiple_of3A_436] : memref<32x1000000xf32, #tpu.memory_space<hbm>> -> memref<32x128xf32, #tpu.memory_space<hbm>>
      tpu.enqueue_dma source(%dma_start3A_449 : memref<32x128xf32, #tpu.memory_space<hbm>>) target(%arg22 : memref<32x128xf32, #tpu.memory_space<vmem>>) target_semaphore(%arg31 : memref<!tpu.dma_semaphore, #tpu.memory_space<semaphore_mem>>)
      %dma_start3A_450 = arith.constant 0 : i32
      %dma_start3A_451 = tpu.memref_slice %arg5[%dma_start3A_450, %multiple_of3A_441] : memref<32x1000000xf32, #tpu.memory_space<hbm>> -> memref<32x128xf32, #tpu.memory_space<hbm>>
      %dma_start3A_452 = arith.constant 0 : i32
      %dma_start3A_453 = tpu.memref_slice %arg5[%dma_start3A_452, %multiple_of3A_441] : memref<32x1000000xf32, #tpu.memory_space<hbm>> -> memref<32x128xf32, #tpu.memory_space<hbm>>
      tpu.enqueue_dma source(%dma_start3A_453 : memref<32x128xf32, #tpu.memory_space<hbm>>) target(%arg25 : memref<32x128xf32, #tpu.memory_space<vmem>>) target_semaphore(%arg31 : memref<!tpu.dma_semaphore, #tpu.memory_space<semaphore_mem>>)
      %dma_start3A_454 = arith.constant 0 : i32
      %dma_start3A_455 = tpu.memref_slice %arg7[%dma_start3A_454, %multiple_of3A_441] : memref<32x1000000xf32, #tpu.memory_space<hbm>> -> memref<32x128xf32, #tpu.memory_space<hbm>>
      %dma_start3A_456 = arith.constant 0 : i32
      %dma_start3A_457 = tpu.memref_slice %arg7[%dma_start3A_456, %multiple_of3A_441] : memref<32x1000000xf32, #tpu.memory_space<hbm>> -> memref<32x128xf32, #tpu.memory_space<hbm>>
      tpu.enqueue_dma source(%dma_start3A_457 : memref<32x128xf32, #tpu.memory_space<hbm>>) target(%arg28 : memref<32x128xf32, #tpu.memory_space<vmem>>) target_semaphore(%arg31 : memref<!tpu.dma_semaphore, #tpu.memory_space<semaphore_mem>>)
      %dma_wait3A_458 = arith.constant 0 : i32
      %dma_wait3A_459 = tpu.memref_slice %arg4[%dma_wait3A_458, %multiple_of3A_314] : memref<32x1000000xf32, #tpu.memory_space<hbm>> -> memref<32x128xf32, #tpu.memory_space<hbm>>
      %dma_wait3A_460 = arith.constant 0 : i32
      %dma_wait3A_461 = tpu.memref_slice %arg4[%dma_wait3A_460, %multiple_of3A_314] : memref<32x1000000xf32, #tpu.memory_space<hbm>> -> memref<32x128xf32, #tpu.memory_space<hbm>>
      tpu.wait_dma2 semaphore(%arg32 : memref<!tpu.dma_semaphore, #tpu.memory_space<semaphore_mem>>) src(%dma_wait3A_461 : memref<32x128xf32, #tpu.memory_space<hbm>>) dst(%arg20 : memref<32x128xf32, #tpu.memory_space<vmem>>)
      %dma_wait3A_462 = arith.constant 0 : i32
      %dma_wait3A_463 = tpu.memref_slice %arg6[%dma_wait3A_462, %multiple_of3A_314] : memref<32x1000000xf32, #tpu.memory_space<hbm>> -> memref<32x128xf32, #tpu.memory_space<hbm>>
      %dma_wait3A_464 = arith.constant 0 : i32
      %dma_wait3A_465 = tpu.memref_slice %arg6[%dma_wait3A_464, %multiple_of3A_314] : memref<32x1000000xf32, #tpu.memory_space<hbm>> -> memref<32x128xf32, #tpu.memory_space<hbm>>
      tpu.wait_dma2 semaphore(%arg32 : memref<!tpu.dma_semaphore, #tpu.memory_space<semaphore_mem>>) src(%dma_wait3A_465 : memref<32x128xf32, #tpu.memory_space<hbm>>) dst(%arg23 : memref<32x128xf32, #tpu.memory_space<vmem>>)
      %dma_wait3A_466 = arith.constant 0 : i32
      %dma_wait3A_467 = tpu.memref_slice %arg5[%dma_wait3A_466, %multiple_of3A_319] : memref<32x1000000xf32, #tpu.memory_space<hbm>> -> memref<32x128xf32, #tpu.memory_space<hbm>>
      %dma_wait3A_468 = arith.constant 0 : i32
      %dma_wait3A_469 = tpu.memref_slice %arg5[%dma_wait3A_468, %multiple_of3A_319] : memref<32x1000000xf32, #tpu.memory_space<hbm>> -> memref<32x128xf32, #tpu.memory_space<hbm>>
      tpu.wait_dma2 semaphore(%arg32 : memref<!tpu.dma_semaphore, #tpu.memory_space<semaphore_mem>>) src(%dma_wait3A_469 : memref<32x128xf32, #tpu.memory_space<hbm>>) dst(%arg26 : memref<32x128xf32, #tpu.memory_space<vmem>>)
      %dma_wait3A_470 = arith.constant 0 : i32
      %dma_wait3A_471 = tpu.memref_slice %arg7[%dma_wait3A_470, %multiple_of3A_319] : memref<32x1000000xf32, #tpu.memory_space<hbm>> -> memref<32x128xf32, #tpu.memory_space<hbm>>
      %dma_wait3A_472 = arith.constant 0 : i32
      %dma_wait3A_473 = tpu.memref_slice %arg7[%dma_wait3A_472, %multiple_of3A_319] : memref<32x1000000xf32, #tpu.memory_space<hbm>> -> memref<32x128xf32, #tpu.memory_space<hbm>>
      tpu.wait_dma2 semaphore(%arg32 : memref<!tpu.dma_semaphore, #tpu.memory_space<semaphore_mem>>) src(%dma_wait3A_473 : memref<32x128xf32, #tpu.memory_space<hbm>>) dst(%arg29 : memref<32x128xf32, #tpu.memory_space<vmem>>)
      %mul3A_474 = arith.constant 16 : i32
      %mul3A_475 = arith.muli %scan3A_12, %mul3A_474 : i32
      %add3A_476 = arith.constant 5 : i32
      %add3A_477 = arith.addi %mul3A_475, %add3A_476 : i32
      %broadcast_in_dim3A_478 = vector.broadcast %add3A_477 : i32 to vector<16xi32>
      %and3A_479 = arith.constant 127 : i32
      %and3A_480 = arith.andi %squeeze3A_30, %and3A_479 : i32
      %broadcast_in_dim3A_481 = vector.broadcast %and3A_480 : i32 to vector<16xi32>
      %and3A_482 = arith.constant 127 : i32
      %and3A_483 = arith.andi %squeeze3A_62, %and3A_482 : i32
      %broadcast_in_dim3A_484 = vector.broadcast %and3A_483 : i32 to vector<16xi32>
      %gather3A_485 = tpu.vector_load_idx %arg20[%iota3A, %broadcast_in_dim3A_481] : memref<32x128xf32, #tpu.memory_space<vmem>>[vector<16xi32>, vector<16xi32>], vector<16xf32>,
      %gather3A_486 = tpu.vector_load_idx %arg20[%add3A_5, %broadcast_in_dim3A_481] : memref<32x128xf32, #tpu.memory_space<vmem>>[vector<16xi32>, vector<16xi32>], vector<16xf32>,
      tpu.vector_store_idx %arg14[%iota3A, %broadcast_in_dim3A_478], %gather3A_485 : memref<32x512xf32, #tpu.memory_space<vmem>>[vector<16xi32>, vector<16xi32>], vector<16xf32>,
      tpu.vector_store_idx %arg14[%add3A_5, %broadcast_in_dim3A_478], %gather3A_486 : memref<32x512xf32, #tpu.memory_space<vmem>>[vector<16xi32>, vector<16xi32>], vector<16xf32>,
      %gather3A_487 = tpu.vector_load_idx %arg23[%iota3A, %broadcast_in_dim3A_481] : memref<32x128xf32, #tpu.memory_space<vmem>>[vector<16xi32>, vector<16xi32>], vector<16xf32>,
      %gather3A_488 = tpu.vector_load_idx %arg23[%add3A_5, %broadcast_in_dim3A_481] : memref<32x128xf32, #tpu.memory_space<vmem>>[vector<16xi32>, vector<16xi32>], vector<16xf32>,
      tpu.vector_store_idx %arg16[%iota3A, %broadcast_in_dim3A_478], %gather3A_487 : memref<32x512xf32, #tpu.memory_space<vmem>>[vector<16xi32>, vector<16xi32>], vector<16xf32>,
      tpu.vector_store_idx %arg16[%add3A_5, %broadcast_in_dim3A_478], %gather3A_488 : memref<32x512xf32, #tpu.memory_space<vmem>>[vector<16xi32>, vector<16xi32>], vector<16xf32>,
      %gather3A_489 = tpu.vector_load_idx %arg26[%iota3A, %broadcast_in_dim3A_484] : memref<32x128xf32, #tpu.memory_space<vmem>>[vector<16xi32>, vector<16xi32>], vector<16xf32>,
      %gather3A_490 = tpu.vector_load_idx %arg26[%add3A_5, %broadcast_in_dim3A_484] : memref<32x128xf32, #tpu.memory_space<vmem>>[vector<16xi32>, vector<16xi32>], vector<16xf32>,
      tpu.vector_store_idx %arg15[%iota3A, %broadcast_in_dim3A_478], %gather3A_489 : memref<32x512xf32, #tpu.memory_space<vmem>>[vector<16xi32>, vector<16xi32>], vector<16xf32>,
      tpu.vector_store_idx %arg15[%add3A_5, %broadcast_in_dim3A_478], %gather3A_490 : memref<32x512xf32, #tpu.memory_space<vmem>>[vector<16xi32>, vector<16xi32>], vector<16xf32>,
      %gather3A_491 = tpu.vector_load_idx %arg29[%iota3A, %broadcast_in_dim3A_484] : memref<32x128xf32, #tpu.memory_space<vmem>>[vector<16xi32>, vector<16xi32>], vector<16xf32>,
      %gather3A_492 = tpu.vector_load_idx %arg29[%add3A_5, %broadcast_in_dim3A_484] : memref<32x128xf32, #tpu.memory_space<vmem>>[vector<16xi32>, vector<16xi32>], vector<16xf32>,
      tpu.vector_store_idx %arg17[%iota3A, %broadcast_in_dim3A_478], %gather3A_491 : memref<32x512xf32, #tpu.memory_space<vmem>>[vector<16xi32>, vector<16xi32>], vector<16xf32>,
      tpu.vector_store_idx %arg17[%add3A_5, %broadcast_in_dim3A_478], %gather3A_492 : memref<32x512xf32, #tpu.memory_space<vmem>>[vector<16xi32>, vector<16xi32>], vector<16xf32>,
      %shift_right_arithmetic3A_493 = arith.constant 7 : i32
      %shift_right_arithmetic3A_494 = arith.shrsi %squeeze3A_36, %shift_right_arithmetic3A_493 : i32
      %shift_left3A_495 = arith.constant 7 : i32
      %shift_left3A_496 = arith.shli %shift_right_arithmetic3A_494, %shift_left3A_495 : i32
      %multiple_of3A_497 = tpu.assume_multiple %shift_left3A_496, 128 : i32
      %shift_right_arithmetic3A_498 = arith.constant 7 : i32
      %shift_right_arithmetic3A_499 = arith.shrsi %squeeze3A_68, %shift_right_arithmetic3A_498 : i32
      %shift_left3A_500 = arith.constant 7 : i32
      %shift_left3A_501 = arith.shli %shift_right_arithmetic3A_499, %shift_left3A_500 : i32
      %multiple_of3A_502 = tpu.assume_multiple %shift_left3A_501, 128 : i32
      %dma_start3A_503 = arith.constant 0 : i32
      %dma_start3A_504 = tpu.memref_slice %arg4[%dma_start3A_503, %multiple_of3A_497] : memref<32x1000000xf32, #tpu.memory_space<hbm>> -> memref<32x128xf32, #tpu.memory_space<hbm>>
      %dma_start3A_505 = arith.constant 0 : i32
      %dma_start3A_506 = tpu.memref_slice %arg4[%dma_start3A_505, %multiple_of3A_497] : memref<32x1000000xf32, #tpu.memory_space<hbm>> -> memref<32x128xf32, #tpu.memory_space<hbm>>
      tpu.enqueue_dma source(%dma_start3A_506 : memref<32x128xf32, #tpu.memory_space<hbm>>) target(%arg20 : memref<32x128xf32, #tpu.memory_space<vmem>>) target_semaphore(%arg32 : memref<!tpu.dma_semaphore, #tpu.memory_space<semaphore_mem>>)
      %dma_start3A_507 = arith.constant 0 : i32
      %dma_start3A_508 = tpu.memref_slice %arg6[%dma_start3A_507, %multiple_of3A_497] : memref<32x1000000xf32, #tpu.memory_space<hbm>> -> memref<32x128xf32, #tpu.memory_space<hbm>>
      %dma_start3A_509 = arith.constant 0 : i32
      %dma_start3A_510 = tpu.memref_slice %arg6[%dma_start3A_509, %multiple_of3A_497] : memref<32x1000000xf32, #tpu.memory_space<hbm>> -> memref<32x128xf32, #tpu.memory_space<hbm>>
      tpu.enqueue_dma source(%dma_start3A_510 : memref<32x128xf32, #tpu.memory_space<hbm>>) target(%arg23 : memref<32x128xf32, #tpu.memory_space<vmem>>) target_semaphore(%arg32 : memref<!tpu.dma_semaphore, #tpu.memory_space<semaphore_mem>>)
      %dma_start3A_511 = arith.constant 0 : i32
      %dma_start3A_512 = tpu.memref_slice %arg5[%dma_start3A_511, %multiple_of3A_502] : memref<32x1000000xf32, #tpu.memory_space<hbm>> -> memref<32x128xf32, #tpu.memory_space<hbm>>
      %dma_start3A_513 = arith.constant 0 : i32
      %dma_start3A_514 = tpu.memref_slice %arg5[%dma_start3A_513, %multiple_of3A_502] : memref<32x1000000xf32, #tpu.memory_space<hbm>> -> memref<32x128xf32, #tpu.memory_space<hbm>>
      tpu.enqueue_dma source(%dma_start3A_514 : memref<32x128xf32, #tpu.memory_space<hbm>>) target(%arg26 : memref<32x128xf32, #tpu.memory_space<vmem>>) target_semaphore(%arg32 : memref<!tpu.dma_semaphore, #tpu.memory_space<semaphore_mem>>)
      %dma_start3A_515 = arith.constant 0 : i32
      %dma_start3A_516 = tpu.memref_slice %arg7[%dma_start3A_515, %multiple_of3A_502] : memref<32x1000000xf32, #tpu.memory_space<hbm>> -> memref<32x128xf32, #tpu.memory_space<hbm>>
      %dma_start3A_517 = arith.constant 0 : i32
      %dma_start3A_518 = tpu.memref_slice %arg7[%dma_start3A_517, %multiple_of3A_502] : memref<32x1000000xf32, #tpu.memory_space<hbm>> -> memref<32x128xf32, #tpu.memory_space<hbm>>
      tpu.enqueue_dma source(%dma_start3A_518 : memref<32x128xf32, #tpu.memory_space<hbm>>) target(%arg29 : memref<32x128xf32, #tpu.memory_space<vmem>>) target_semaphore(%arg32 : memref<!tpu.dma_semaphore, #tpu.memory_space<semaphore_mem>>)
      %dma_wait3A_519 = arith.constant 0 : i32
      %dma_wait3A_520 = tpu.memref_slice %arg4[%dma_wait3A_519, %multiple_of3A_375] : memref<32x1000000xf32, #tpu.memory_space<hbm>> -> memref<32x128xf32, #tpu.memory_space<hbm>>
      %dma_wait3A_521 = arith.constant 0 : i32
      %dma_wait3A_522 = tpu.memref_slice %arg4[%dma_wait3A_521, %multiple_of3A_375] : memref<32x1000000xf32, #tpu.memory_space<hbm>> -> memref<32x128xf32, #tpu.memory_space<hbm>>
      tpu.wait_dma2 semaphore(%arg30 : memref<!tpu.dma_semaphore, #tpu.memory_space<semaphore_mem>>) src(%dma_wait3A_522 : memref<32x128xf32, #tpu.memory_space<hbm>>) dst(%arg18 : memref<32x128xf32, #tpu.memory_space<vmem>>)
      %dma_wait3A_523 = arith.constant 0 : i32
      %dma_wait3A_524 = tpu.memref_slice %arg6[%dma_wait3A_523, %multiple_of3A_375] : memref<32x1000000xf32, #tpu.memory_space<hbm>> -> memref<32x128xf32, #tpu.memory_space<hbm>>
      %dma_wait3A_525 = arith.constant 0 : i32
      %dma_wait3A_526 = tpu.memref_slice %arg6[%dma_wait3A_525, %multiple_of3A_375] : memref<32x1000000xf32, #tpu.memory_space<hbm>> -> memref<32x128xf32, #tpu.memory_space<hbm>>
      tpu.wait_dma2 semaphore(%arg30 : memref<!tpu.dma_semaphore, #tpu.memory_space<semaphore_mem>>) src(%dma_wait3A_526 : memref<32x128xf32, #tpu.memory_space<hbm>>) dst(%arg21 : memref<32x128xf32, #tpu.memory_space<vmem>>)
      %dma_wait3A_527 = arith.constant 0 : i32
      %dma_wait3A_528 = tpu.memref_slice %arg5[%dma_wait3A_527, %multiple_of3A_380] : memref<32x1000000xf32, #tpu.memory_space<hbm>> -> memref<32x128xf32, #tpu.memory_space<hbm>>
      %dma_wait3A_529 = arith.constant 0 : i32
      %dma_wait3A_530 = tpu.memref_slice %arg5[%dma_wait3A_529, %multiple_of3A_380] : memref<32x1000000xf32, #tpu.memory_space<hbm>> -> memref<32x128xf32, #tpu.memory_space<hbm>>
      tpu.wait_dma2 semaphore(%arg30 : memref<!tpu.dma_semaphore, #tpu.memory_space<semaphore_mem>>) src(%dma_wait3A_530 : memref<32x128xf32, #tpu.memory_space<hbm>>) dst(%arg24 : memref<32x128xf32, #tpu.memory_space<vmem>>)
      %dma_wait3A_531 = arith.constant 0 : i32
      %dma_wait3A_532 = tpu.memref_slice %arg7[%dma_wait3A_531, %multiple_of3A_380] : memref<32x1000000xf32, #tpu.memory_space<hbm>> -> memref<32x128xf32, #tpu.memory_space<hbm>>
      %dma_wait3A_533 = arith.constant 0 : i32
      %dma_wait3A_534 = tpu.memref_slice %arg7[%dma_wait3A_533, %multiple_of3A_380] : memref<32x1000000xf32, #tpu.memory_space<hbm>> -> memref<32x128xf32, #tpu.memory_space<hbm>>
      tpu.wait_dma2 semaphore(%arg30 : memref<!tpu.dma_semaphore, #tpu.memory_space<semaphore_mem>>) src(%dma_wait3A_534 : memref<32x128xf32, #tpu.memory_space<hbm>>) dst(%arg27 : memref<32x128xf32, #tpu.memory_space<vmem>>)
      %mul3A_535 = arith.constant 16 : i32
      %mul3A_536 = arith.muli %scan3A_12, %mul3A_535 : i32
      %add3A_537 = arith.constant 6 : i32
      %add3A_538 = arith.addi %mul3A_536, %add3A_537 : i32
      %broadcast_in_dim3A_539 = vector.broadcast %add3A_538 : i32 to vector<16xi32>
      %and3A_540 = arith.constant 127 : i32
      %and3A_541 = arith.andi %squeeze3A_32, %and3A_540 : i32
      %broadcast_in_dim3A_542 = vector.broadcast %and3A_541 : i32 to vector<16xi32>
      %and3A_543 = arith.constant 127 : i32
      %and3A_544 = arith.andi %squeeze3A_64, %and3A_543 : i32
      %broadcast_in_dim3A_545 = vector.broadcast %and3A_544 : i32 to vector<16xi32>
      %gather3A_546 = tpu.vector_load_idx %arg18[%iota3A, %broadcast_in_dim3A_542] : memref<32x128xf32, #tpu.memory_space<vmem>>[vector<16xi32>, vector<16xi32>], vector<16xf32>,
      %gather3A_547 = tpu.vector_load_idx %arg18[%add3A_5, %broadcast_in_dim3A_542] : memref<32x128xf32, #tpu.memory_space<vmem>>[vector<16xi32>, vector<16xi32>], vector<16xf32>,
      tpu.vector_store_idx %arg14[%iota3A, %broadcast_in_dim3A_539], %gather3A_546 : memref<32x512xf32, #tpu.memory_space<vmem>>[vector<16xi32>, vector<16xi32>], vector<16xf32>,
      tpu.vector_store_idx %arg14[%add3A_5, %broadcast_in_dim3A_539], %gather3A_547 : memref<32x512xf32, #tpu.memory_space<vmem>>[vector<16xi32>, vector<16xi32>], vector<16xf32>,
      %gather3A_548 = tpu.vector_load_idx %arg21[%iota3A, %broadcast_in_dim3A_542] : memref<32x128xf32, #tpu.memory_space<vmem>>[vector<16xi32>, vector<16xi32>], vector<16xf32>,
      %gather3A_549 = tpu.vector_load_idx %arg21[%add3A_5, %broadcast_in_dim3A_542] : memref<32x128xf32, #tpu.memory_space<vmem>>[vector<16xi32>, vector<16xi32>], vector<16xf32>,
      tpu.vector_store_idx %arg16[%iota3A, %broadcast_in_dim3A_539], %gather3A_548 : memref<32x512xf32, #tpu.memory_space<vmem>>[vector<16xi32>, vector<16xi32>], vector<16xf32>,
      tpu.vector_store_idx %arg16[%add3A_5, %broadcast_in_dim3A_539], %gather3A_549 : memref<32x512xf32, #tpu.memory_space<vmem>>[vector<16xi32>, vector<16xi32>], vector<16xf32>,
      %gather3A_550 = tpu.vector_load_idx %arg24[%iota3A, %broadcast_in_dim3A_545] : memref<32x128xf32, #tpu.memory_space<vmem>>[vector<16xi32>, vector<16xi32>], vector<16xf32>,
      %gather3A_551 = tpu.vector_load_idx %arg24[%add3A_5, %broadcast_in_dim3A_545] : memref<32x128xf32, #tpu.memory_space<vmem>>[vector<16xi32>, vector<16xi32>], vector<16xf32>,
      tpu.vector_store_idx %arg15[%iota3A, %broadcast_in_dim3A_539], %gather3A_550 : memref<32x512xf32, #tpu.memory_space<vmem>>[vector<16xi32>, vector<16xi32>], vector<16xf32>,
      tpu.vector_store_idx %arg15[%add3A_5, %broadcast_in_dim3A_539], %gather3A_551 : memref<32x512xf32, #tpu.memory_space<vmem>>[vector<16xi32>, vector<16xi32>], vector<16xf32>,
      %gather3A_552 = tpu.vector_load_idx %arg27[%iota3A, %broadcast_in_dim3A_545] : memref<32x128xf32, #tpu.memory_space<vmem>>[vector<16xi32>, vector<16xi32>], vector<16xf32>,
      %gather3A_553 = tpu.vector_load_idx %arg27[%add3A_5, %broadcast_in_dim3A_545] : memref<32x128xf32, #tpu.memory_space<vmem>>[vector<16xi32>, vector<16xi32>], vector<16xf32>,
      tpu.vector_store_idx %arg17[%iota3A, %broadcast_in_dim3A_539], %gather3A_552 : memref<32x512xf32, #tpu.memory_space<vmem>>[vector<16xi32>, vector<16xi32>], vector<16xf32>,
      tpu.vector_store_idx %arg17[%add3A_5, %broadcast_in_dim3A_539], %gather3A_553 : memref<32x512xf32, #tpu.memory_space<vmem>>[vector<16xi32>, vector<16xi32>], vector<16xf32>,
      %shift_right_arithmetic3A_554 = arith.constant 7 : i32
      %shift_right_arithmetic3A_555 = arith.shrsi %squeeze3A_38, %shift_right_arithmetic3A_554 : i32
      %shift_left3A_556 = arith.constant 7 : i32
      %shift_left3A_557 = arith.shli %shift_right_arithmetic3A_555, %shift_left3A_556 : i32
      %multiple_of3A_558 = tpu.assume_multiple %shift_left3A_557, 128 : i32
      %shift_right_arithmetic3A_559 = arith.constant 7 : i32
      %shift_right_arithmetic3A_560 = arith.shrsi %squeeze3A_70, %shift_right_arithmetic3A_559 : i32
      %shift_left3A_561 = arith.constant 7 : i32
      %shift_left3A_562 = arith.shli %shift_right_arithmetic3A_560, %shift_left3A_561 : i32
      %multiple_of3A_563 = tpu.assume_multiple %shift_left3A_562, 128 : i32
      %dma_start3A_564 = arith.constant 0 : i32
      %dma_start3A_565 = tpu.memref_slice %arg4[%dma_start3A_564, %multiple_of3A_558] : memref<32x1000000xf32, #tpu.memory_space<hbm>> -> memref<32x128xf32, #tpu.memory_space<hbm>>
      %dma_start3A_566 = arith.constant 0 : i32
      %dma_start3A_567 = tpu.memref_slice %arg4[%dma_start3A_566, %multiple_of3A_558] : memref<32x1000000xf32, #tpu.memory_space<hbm>> -> memref<32x128xf32, #tpu.memory_space<hbm>>
      tpu.enqueue_dma source(%dma_start3A_567 : memref<32x128xf32, #tpu.memory_space<hbm>>) target(%arg18 : memref<32x128xf32, #tpu.memory_space<vmem>>) target_semaphore(%arg30 : memref<!tpu.dma_semaphore, #tpu.memory_space<semaphore_mem>>)
      %dma_start3A_568 = arith.constant 0 : i32
      %dma_start3A_569 = tpu.memref_slice %arg6[%dma_start3A_568, %multiple_of3A_558] : memref<32x1000000xf32, #tpu.memory_space<hbm>> -> memref<32x128xf32, #tpu.memory_space<hbm>>
      %dma_start3A_570 = arith.constant 0 : i32
      %dma_start3A_571 = tpu.memref_slice %arg6[%dma_start3A_570, %multiple_of3A_558] : memref<32x1000000xf32, #tpu.memory_space<hbm>> -> memref<32x128xf32, #tpu.memory_space<hbm>>
      tpu.enqueue_dma source(%dma_start3A_571 : memref<32x128xf32, #tpu.memory_space<hbm>>) target(%arg21 : memref<32x128xf32, #tpu.memory_space<vmem>>) target_semaphore(%arg30 : memref<!tpu.dma_semaphore, #tpu.memory_space<semaphore_mem>>)
      %dma_start3A_572 = arith.constant 0 : i32
      %dma_start3A_573 = tpu.memref_slice %arg5[%dma_start3A_572, %multiple_of3A_563] : memref<32x1000000xf32, #tpu.memory_space<hbm>> -> memref<32x128xf32, #tpu.memory_space<hbm>>
      %dma_start3A_574 = arith.constant 0 : i32
      %dma_start3A_575 = tpu.memref_slice %arg5[%dma_start3A_574, %multiple_of3A_563] : memref<32x1000000xf32, #tpu.memory_space<hbm>> -> memref<32x128xf32, #tpu.memory_space<hbm>>
      tpu.enqueue_dma source(%dma_start3A_575 : memref<32x128xf32, #tpu.memory_space<hbm>>) target(%arg24 : memref<32x128xf32, #tpu.memory_space<vmem>>) target_semaphore(%arg30 : memref<!tpu.dma_semaphore, #tpu.memory_space<semaphore_mem>>)
      %dma_start3A_576 = arith.constant 0 : i32
      %dma_start3A_577 = tpu.memref_slice %arg7[%dma_start3A_576, %multiple_of3A_563] : memref<32x1000000xf32, #tpu.memory_space<hbm>> -> memref<32x128xf32, #tpu.memory_space<hbm>>
      %dma_start3A_578 = arith.constant 0 : i32
      %dma_start3A_579 = tpu.memref_slice %arg7[%dma_start3A_578, %multiple_of3A_563] : memref<32x1000000xf32, #tpu.memory_space<hbm>> -> memref<32x128xf32, #tpu.memory_space<hbm>>
      tpu.enqueue_dma source(%dma_start3A_579 : memref<32x128xf32, #tpu.memory_space<hbm>>) target(%arg27 : memref<32x128xf32, #tpu.memory_space<vmem>>) target_semaphore(%arg30 : memref<!tpu.dma_semaphore, #tpu.memory_space<semaphore_mem>>)
      %dma_wait3A_580 = arith.constant 0 : i32
      %dma_wait3A_581 = tpu.memref_slice %arg4[%dma_wait3A_580, %multiple_of3A_436] : memref<32x1000000xf32, #tpu.memory_space<hbm>> -> memref<32x128xf32, #tpu.memory_space<hbm>>
      %dma_wait3A_582 = arith.constant 0 : i32
      %dma_wait3A_583 = tpu.memref_slice %arg4[%dma_wait3A_582, %multiple_of3A_436] : memref<32x1000000xf32, #tpu.memory_space<hbm>> -> memref<32x128xf32, #tpu.memory_space<hbm>>
      tpu.wait_dma2 semaphore(%arg31 : memref<!tpu.dma_semaphore, #tpu.memory_space<semaphore_mem>>) src(%dma_wait3A_583 : memref<32x128xf32, #tpu.memory_space<hbm>>) dst(%arg19 : memref<32x128xf32, #tpu.memory_space<vmem>>)
      %dma_wait3A_584 = arith.constant 0 : i32
      %dma_wait3A_585 = tpu.memref_slice %arg6[%dma_wait3A_584, %multiple_of3A_436] : memref<32x1000000xf32, #tpu.memory_space<hbm>> -> memref<32x128xf32, #tpu.memory_space<hbm>>
      %dma_wait3A_586 = arith.constant 0 : i32
      %dma_wait3A_587 = tpu.memref_slice %arg6[%dma_wait3A_586, %multiple_of3A_436] : memref<32x1000000xf32, #tpu.memory_space<hbm>> -> memref<32x128xf32, #tpu.memory_space<hbm>>
      tpu.wait_dma2 semaphore(%arg31 : memref<!tpu.dma_semaphore, #tpu.memory_space<semaphore_mem>>) src(%dma_wait3A_587 : memref<32x128xf32, #tpu.memory_space<hbm>>) dst(%arg22 : memref<32x128xf32, #tpu.memory_space<vmem>>)
      %dma_wait3A_588 = arith.constant 0 : i32
      %dma_wait3A_589 = tpu.memref_slice %arg5[%dma_wait3A_588, %multiple_of3A_441] : memref<32x1000000xf32, #tpu.memory_space<hbm>> -> memref<32x128xf32, #tpu.memory_space<hbm>>
      %dma_wait3A_590 = arith.constant 0 : i32
      %dma_wait3A_591 = tpu.memref_slice %arg5[%dma_wait3A_590, %multiple_of3A_441] : memref<32x1000000xf32, #tpu.memory_space<hbm>> -> memref<32x128xf32, #tpu.memory_space<hbm>>
      tpu.wait_dma2 semaphore(%arg31 : memref<!tpu.dma_semaphore, #tpu.memory_space<semaphore_mem>>) src(%dma_wait3A_591 : memref<32x128xf32, #tpu.memory_space<hbm>>) dst(%arg25 : memref<32x128xf32, #tpu.memory_space<vmem>>)
      %dma_wait3A_592 = arith.constant 0 : i32
      %dma_wait3A_593 = tpu.memref_slice %arg7[%dma_wait3A_592, %multiple_of3A_441] : memref<32x1000000xf32, #tpu.memory_space<hbm>> -> memref<32x128xf32, #tpu.memory_space<hbm>>
      %dma_wait3A_594 = arith.constant 0 : i32
      %dma_wait3A_595 = tpu.memref_slice %arg7[%dma_wait3A_594, %multiple_of3A_441] : memref<32x1000000xf32, #tpu.memory_space<hbm>> -> memref<32x128xf32, #tpu.memory_space<hbm>>
      tpu.wait_dma2 semaphore(%arg31 : memref<!tpu.dma_semaphore, #tpu.memory_space<semaphore_mem>>) src(%dma_wait3A_595 : memref<32x128xf32, #tpu.memory_space<hbm>>) dst(%arg28 : memref<32x128xf32, #tpu.memory_space<vmem>>)
      %mul3A_596 = arith.constant 16 : i32
      %mul3A_597 = arith.muli %scan3A_12, %mul3A_596 : i32
      %add3A_598 = arith.constant 7 : i32
      %add3A_599 = arith.addi %mul3A_597, %add3A_598 : i32
      %broadcast_in_dim3A_600 = vector.broadcast %add3A_599 : i32 to vector<16xi32>
      %and3A_601 = arith.constant 127 : i32
      %and3A_602 = arith.andi %squeeze3A_34, %and3A_601 : i32
      %broadcast_in_dim3A_603 = vector.broadcast %and3A_602 : i32 to vector<16xi32>
      %and3A_604 = arith.constant 127 : i32
      %and3A_605 = arith.andi %squeeze3A_66, %and3A_604 : i32
      %broadcast_in_dim3A_606 = vector.broadcast %and3A_605 : i32 to vector<16xi32>
      %gather3A_607 = tpu.vector_load_idx %arg19[%iota3A, %broadcast_in_dim3A_603] : memref<32x128xf32, #tpu.memory_space<vmem>>[vector<16xi32>, vector<16xi32>], vector<16xf32>,
      %gather3A_608 = tpu.vector_load_idx %arg19[%add3A_5, %broadcast_in_dim3A_603] : memref<32x128xf32, #tpu.memory_space<vmem>>[vector<16xi32>, vector<16xi32>], vector<16xf32>,
      tpu.vector_store_idx %arg14[%iota3A, %broadcast_in_dim3A_600], %gather3A_607 : memref<32x512xf32, #tpu.memory_space<vmem>>[vector<16xi32>, vector<16xi32>], vector<16xf32>,
      tpu.vector_store_idx %arg14[%add3A_5, %broadcast_in_dim3A_600], %gather3A_608 : memref<32x512xf32, #tpu.memory_space<vmem>>[vector<16xi32>, vector<16xi32>], vector<16xf32>,
      %gather3A_609 = tpu.vector_load_idx %arg22[%iota3A, %broadcast_in_dim3A_603] : memref<32x128xf32, #tpu.memory_space<vmem>>[vector<16xi32>, vector<16xi32>], vector<16xf32>,
      %gather3A_610 = tpu.vector_load_idx %arg22[%add3A_5, %broadcast_in_dim3A_603] : memref<32x128xf32, #tpu.memory_space<vmem>>[vector<16xi32>, vector<16xi32>], vector<16xf32>,
      tpu.vector_store_idx %arg16[%iota3A, %broadcast_in_dim3A_600], %gather3A_609 : memref<32x512xf32, #tpu.memory_space<vmem>>[vector<16xi32>, vector<16xi32>], vector<16xf32>,
      tpu.vector_store_idx %arg16[%add3A_5, %broadcast_in_dim3A_600], %gather3A_610 : memref<32x512xf32, #tpu.memory_space<vmem>>[vector<16xi32>, vector<16xi32>], vector<16xf32>,
      %gather3A_611 = tpu.vector_load_idx %arg25[%iota3A, %broadcast_in_dim3A_606] : memref<32x128xf32, #tpu.memory_space<vmem>>[vector<16xi32>, vector<16xi32>], vector<16xf32>,
      %gather3A_612 = tpu.vector_load_idx %arg25[%add3A_5, %broadcast_in_dim3A_606] : memref<32x128xf32, #tpu.memory_space<vmem>>[vector<16xi32>, vector<16xi32>], vector<16xf32>,
      tpu.vector_store_idx %arg15[%iota3A, %broadcast_in_dim3A_600], %gather3A_611 : memref<32x512xf32, #tpu.memory_space<vmem>>[vector<16xi32>, vector<16xi32>], vector<16xf32>,
      tpu.vector_store_idx %arg15[%add3A_5, %broadcast_in_dim3A_600], %gather3A_612 : memref<32x512xf32, #tpu.memory_space<vmem>>[vector<16xi32>, vector<16xi32>], vector<16xf32>,
      %gather3A_613 = tpu.vector_load_idx %arg28[%iota3A, %broadcast_in_dim3A_606] : memref<32x128xf32, #tpu.memory_space<vmem>>[vector<16xi32>, vector<16xi32>], vector<16xf32>,
      %gather3A_614 = tpu.vector_load_idx %arg28[%add3A_5, %broadcast_in_dim3A_606] : memref<32x128xf32, #tpu.memory_space<vmem>>[vector<16xi32>, vector<16xi32>], vector<16xf32>,
      tpu.vector_store_idx %arg17[%iota3A, %broadcast_in_dim3A_600], %gather3A_613 : memref<32x512xf32, #tpu.memory_space<vmem>>[vector<16xi32>, vector<16xi32>], vector<16xf32>,
      tpu.vector_store_idx %arg17[%add3A_5, %broadcast_in_dim3A_600], %gather3A_614 : memref<32x512xf32, #tpu.memory_space<vmem>>[vector<16xi32>, vector<16xi32>], vector<16xf32>,
      %shift_right_arithmetic3A_615 = arith.constant 7 : i32
      %shift_right_arithmetic3A_616 = arith.shrsi %squeeze3A_40, %shift_right_arithmetic3A_615 : i32
      %shift_left3A_617 = arith.constant 7 : i32
      %shift_left3A_618 = arith.shli %shift_right_arithmetic3A_616, %shift_left3A_617 : i32
      %multiple_of3A_619 = tpu.assume_multiple %shift_left3A_618, 128 : i32
      %shift_right_arithmetic3A_620 = arith.constant 7 : i32
      %shift_right_arithmetic3A_621 = arith.shrsi %squeeze3A_72, %shift_right_arithmetic3A_620 : i32
      %shift_left3A_622 = arith.constant 7 : i32
      %shift_left3A_623 = arith.shli %shift_right_arithmetic3A_621, %shift_left3A_622 : i32
      %multiple_of3A_624 = tpu.assume_multiple %shift_left3A_623, 128 : i32
      %dma_start3A_625 = arith.constant 0 : i32
      %dma_start3A_626 = tpu.memref_slice %arg4[%dma_start3A_625, %multiple_of3A_619] : memref<32x1000000xf32, #tpu.memory_space<hbm>> -> memref<32x128xf32, #tpu.memory_space<hbm>>
      %dma_start3A_627 = arith.constant 0 : i32
      %dma_start3A_628 = tpu.memref_slice %arg4[%dma_start3A_627, %multiple_of3A_619] : memref<32x1000000xf32, #tpu.memory_space<hbm>> -> memref<32x128xf32, #tpu.memory_space<hbm>>
      tpu.enqueue_dma source(%dma_start3A_628 : memref<32x128xf32, #tpu.memory_space<hbm>>) target(%arg19 : memref<32x128xf32, #tpu.memory_space<vmem>>) target_semaphore(%arg31 : memref<!tpu.dma_semaphore, #tpu.memory_space<semaphore_mem>>)
      %dma_start3A_629 = arith.constant 0 : i32
      %dma_start3A_630 = tpu.memref_slice %arg6[%dma_start3A_629, %multiple_of3A_619] : memref<32x1000000xf32, #tpu.memory_space<hbm>> -> memref<32x128xf32, #tpu.memory_space<hbm>>
      %dma_start3A_631 = arith.constant 0 : i32
      %dma_start3A_632 = tpu.memref_slice %arg6[%dma_start3A_631, %multiple_of3A_619] : memref<32x1000000xf32, #tpu.memory_space<hbm>> -> memref<32x128xf32, #tpu.memory_space<hbm>>
      tpu.enqueue_dma source(%dma_start3A_632 : memref<32x128xf32, #tpu.memory_space<hbm>>) target(%arg22 : memref<32x128xf32, #tpu.memory_space<vmem>>) target_semaphore(%arg31 : memref<!tpu.dma_semaphore, #tpu.memory_space<semaphore_mem>>)
      %dma_start3A_633 = arith.constant 0 : i32
      %dma_start3A_634 = tpu.memref_slice %arg5[%dma_start3A_633, %multiple_of3A_624] : memref<32x1000000xf32, #tpu.memory_space<hbm>> -> memref<32x128xf32, #tpu.memory_space<hbm>>
      %dma_start3A_635 = arith.constant 0 : i32
      %dma_start3A_636 = tpu.memref_slice %arg5[%dma_start3A_635, %multiple_of3A_624] : memref<32x1000000xf32, #tpu.memory_space<hbm>> -> memref<32x128xf32, #tpu.memory_space<hbm>>
      tpu.enqueue_dma source(%dma_start3A_636 : memref<32x128xf32, #tpu.memory_space<hbm>>) target(%arg25 : memref<32x128xf32, #tpu.memory_space<vmem>>) target_semaphore(%arg31 : memref<!tpu.dma_semaphore, #tpu.memory_space<semaphore_mem>>)
      %dma_start3A_637 = arith.constant 0 : i32
      %dma_start3A_638 = tpu.memref_slice %arg7[%dma_start3A_637, %multiple_of3A_624] : memref<32x1000000xf32, #tpu.memory_space<hbm>> -> memref<32x128xf32, #tpu.memory_space<hbm>>
      %dma_start3A_639 = arith.constant 0 : i32
      %dma_start3A_640 = tpu.memref_slice %arg7[%dma_start3A_639, %multiple_of3A_624] : memref<32x1000000xf32, #tpu.memory_space<hbm>> -> memref<32x128xf32, #tpu.memory_space<hbm>>
      tpu.enqueue_dma source(%dma_start3A_640 : memref<32x128xf32, #tpu.memory_space<hbm>>) target(%arg28 : memref<32x128xf32, #tpu.memory_space<vmem>>) target_semaphore(%arg31 : memref<!tpu.dma_semaphore, #tpu.memory_space<semaphore_mem>>)
      %dma_wait3A_641 = arith.constant 0 : i32
      %dma_wait3A_642 = tpu.memref_slice %arg4[%dma_wait3A_641, %multiple_of3A_497] : memref<32x1000000xf32, #tpu.memory_space<hbm>> -> memref<32x128xf32, #tpu.memory_space<hbm>>
      %dma_wait3A_643 = arith.constant 0 : i32
      %dma_wait3A_644 = tpu.memref_slice %arg4[%dma_wait3A_643, %multiple_of3A_497] : memref<32x1000000xf32, #tpu.memory_space<hbm>> -> memref<32x128xf32, #tpu.memory_space<hbm>>
      tpu.wait_dma2 semaphore(%arg32 : memref<!tpu.dma_semaphore, #tpu.memory_space<semaphore_mem>>) src(%dma_wait3A_644 : memref<32x128xf32, #tpu.memory_space<hbm>>) dst(%arg20 : memref<32x128xf32, #tpu.memory_space<vmem>>)
      %dma_wait3A_645 = arith.constant 0 : i32
      %dma_wait3A_646 = tpu.memref_slice %arg6[%dma_wait3A_645, %multiple_of3A_497] : memref<32x1000000xf32, #tpu.memory_space<hbm>> -> memref<32x128xf32, #tpu.memory_space<hbm>>
      %dma_wait3A_647 = arith.constant 0 : i32
      %dma_wait3A_648 = tpu.memref_slice %arg6[%dma_wait3A_647, %multiple_of3A_497] : memref<32x1000000xf32, #tpu.memory_space<hbm>> -> memref<32x128xf32, #tpu.memory_space<hbm>>
      tpu.wait_dma2 semaphore(%arg32 : memref<!tpu.dma_semaphore, #tpu.memory_space<semaphore_mem>>) src(%dma_wait3A_648 : memref<32x128xf32, #tpu.memory_space<hbm>>) dst(%arg23 : memref<32x128xf32, #tpu.memory_space<vmem>>)
      %dma_wait3A_649 = arith.constant 0 : i32
      %dma_wait3A_650 = tpu.memref_slice %arg5[%dma_wait3A_649, %multiple_of3A_502] : memref<32x1000000xf32, #tpu.memory_space<hbm>> -> memref<32x128xf32, #tpu.memory_space<hbm>>
      %dma_wait3A_651 = arith.constant 0 : i32
      %dma_wait3A_652 = tpu.memref_slice %arg5[%dma_wait3A_651, %multiple_of3A_502] : memref<32x1000000xf32, #tpu.memory_space<hbm>> -> memref<32x128xf32, #tpu.memory_space<hbm>>
      tpu.wait_dma2 semaphore(%arg32 : memref<!tpu.dma_semaphore, #tpu.memory_space<semaphore_mem>>) src(%dma_wait3A_652 : memref<32x128xf32, #tpu.memory_space<hbm>>) dst(%arg26 : memref<32x128xf32, #tpu.memory_space<vmem>>)
      %dma_wait3A_653 = arith.constant 0 : i32
      %dma_wait3A_654 = tpu.memref_slice %arg7[%dma_wait3A_653, %multiple_of3A_502] : memref<32x1000000xf32, #tpu.memory_space<hbm>> -> memref<32x128xf32, #tpu.memory_space<hbm>>
      %dma_wait3A_655 = arith.constant 0 : i32
      %dma_wait3A_656 = tpu.memref_slice %arg7[%dma_wait3A_655, %multiple_of3A_502] : memref<32x1000000xf32, #tpu.memory_space<hbm>> -> memref<32x128xf32, #tpu.memory_space<hbm>>
      tpu.wait_dma2 semaphore(%arg32 : memref<!tpu.dma_semaphore, #tpu.memory_space<semaphore_mem>>) src(%dma_wait3A_656 : memref<32x128xf32, #tpu.memory_space<hbm>>) dst(%arg29 : memref<32x128xf32, #tpu.memory_space<vmem>>)
      %mul3A_657 = arith.constant 16 : i32
      %mul3A_658 = arith.muli %scan3A_12, %mul3A_657 : i32
      %add3A_659 = arith.constant 8 : i32
      %add3A_660 = arith.addi %mul3A_658, %add3A_659 : i32
      %broadcast_in_dim3A_661 = vector.broadcast %add3A_660 : i32 to vector<16xi32>
      %and3A_662 = arith.constant 127 : i32
      %and3A_663 = arith.andi %squeeze3A_36, %and3A_662 : i32
      %broadcast_in_dim3A_664 = vector.broadcast %and3A_663 : i32 to vector<16xi32>
      %and3A_665 = arith.constant 127 : i32
      %and3A_666 = arith.andi %squeeze3A_68, %and3A_665 : i32
      %broadcast_in_dim3A_667 = vector.broadcast %and3A_666 : i32 to vector<16xi32>
      %gather3A_668 = tpu.vector_load_idx %arg20[%iota3A, %broadcast_in_dim3A_664] : memref<32x128xf32, #tpu.memory_space<vmem>>[vector<16xi32>, vector<16xi32>], vector<16xf32>,
      %gather3A_669 = tpu.vector_load_idx %arg20[%add3A_5, %broadcast_in_dim3A_664] : memref<32x128xf32, #tpu.memory_space<vmem>>[vector<16xi32>, vector<16xi32>], vector<16xf32>,
      tpu.vector_store_idx %arg14[%iota3A, %broadcast_in_dim3A_661], %gather3A_668 : memref<32x512xf32, #tpu.memory_space<vmem>>[vector<16xi32>, vector<16xi32>], vector<16xf32>,
      tpu.vector_store_idx %arg14[%add3A_5, %broadcast_in_dim3A_661], %gather3A_669 : memref<32x512xf32, #tpu.memory_space<vmem>>[vector<16xi32>, vector<16xi32>], vector<16xf32>,
      %gather3A_670 = tpu.vector_load_idx %arg23[%iota3A, %broadcast_in_dim3A_664] : memref<32x128xf32, #tpu.memory_space<vmem>>[vector<16xi32>, vector<16xi32>], vector<16xf32>,
      %gather3A_671 = tpu.vector_load_idx %arg23[%add3A_5, %broadcast_in_dim3A_664] : memref<32x128xf32, #tpu.memory_space<vmem>>[vector<16xi32>, vector<16xi32>], vector<16xf32>,
      tpu.vector_store_idx %arg16[%iota3A, %broadcast_in_dim3A_661], %gather3A_670 : memref<32x512xf32, #tpu.memory_space<vmem>>[vector<16xi32>, vector<16xi32>], vector<16xf32>,
      tpu.vector_store_idx %arg16[%add3A_5, %broadcast_in_dim3A_661], %gather3A_671 : memref<32x512xf32, #tpu.memory_space<vmem>>[vector<16xi32>, vector<16xi32>], vector<16xf32>,
      %gather3A_672 = tpu.vector_load_idx %arg26[%iota3A, %broadcast_in_dim3A_667] : memref<32x128xf32, #tpu.memory_space<vmem>>[vector<16xi32>, vector<16xi32>], vector<16xf32>,
      %gather3A_673 = tpu.vector_load_idx %arg26[%add3A_5, %broadcast_in_dim3A_667] : memref<32x128xf32, #tpu.memory_space<vmem>>[vector<16xi32>, vector<16xi32>], vector<16xf32>,
      tpu.vector_store_idx %arg15[%iota3A, %broadcast_in_dim3A_661], %gather3A_672 : memref<32x512xf32, #tpu.memory_space<vmem>>[vector<16xi32>, vector<16xi32>], vector<16xf32>,
      tpu.vector_store_idx %arg15[%add3A_5, %broadcast_in_dim3A_661], %gather3A_673 : memref<32x512xf32, #tpu.memory_space<vmem>>[vector<16xi32>, vector<16xi32>], vector<16xf32>,
      %gather3A_674 = tpu.vector_load_idx %arg29[%iota3A, %broadcast_in_dim3A_667] : memref<32x128xf32, #tpu.memory_space<vmem>>[vector<16xi32>, vector<16xi32>], vector<16xf32>,
      %gather3A_675 = tpu.vector_load_idx %arg29[%add3A_5, %broadcast_in_dim3A_667] : memref<32x128xf32, #tpu.memory_space<vmem>>[vector<16xi32>, vector<16xi32>], vector<16xf32>,
      tpu.vector_store_idx %arg17[%iota3A, %broadcast_in_dim3A_661], %gather3A_674 : memref<32x512xf32, #tpu.memory_space<vmem>>[vector<16xi32>, vector<16xi32>], vector<16xf32>,
      tpu.vector_store_idx %arg17[%add3A_5, %broadcast_in_dim3A_661], %gather3A_675 : memref<32x512xf32, #tpu.memory_space<vmem>>[vector<16xi32>, vector<16xi32>], vector<16xf32>,
      %shift_right_arithmetic3A_676 = arith.constant 7 : i32
      %shift_right_arithmetic3A_677 = arith.shrsi %squeeze3A_42, %shift_right_arithmetic3A_676 : i32
      %shift_left3A_678 = arith.constant 7 : i32
      %shift_left3A_679 = arith.shli %shift_right_arithmetic3A_677, %shift_left3A_678 : i32
      %multiple_of3A_680 = tpu.assume_multiple %shift_left3A_679, 128 : i32
      %shift_right_arithmetic3A_681 = arith.constant 7 : i32
      %shift_right_arithmetic3A_682 = arith.shrsi %squeeze3A_74, %shift_right_arithmetic3A_681 : i32
      %shift_left3A_683 = arith.constant 7 : i32
      %shift_left3A_684 = arith.shli %shift_right_arithmetic3A_682, %shift_left3A_683 : i32
      %multiple_of3A_685 = tpu.assume_multiple %shift_left3A_684, 128 : i32
      %dma_start3A_686 = arith.constant 0 : i32
      %dma_start3A_687 = tpu.memref_slice %arg4[%dma_start3A_686, %multiple_of3A_680] : memref<32x1000000xf32, #tpu.memory_space<hbm>> -> memref<32x128xf32, #tpu.memory_space<hbm>>
      %dma_start3A_688 = arith.constant 0 : i32
      %dma_start3A_689 = tpu.memref_slice %arg4[%dma_start3A_688, %multiple_of3A_680] : memref<32x1000000xf32, #tpu.memory_space<hbm>> -> memref<32x128xf32, #tpu.memory_space<hbm>>
      tpu.enqueue_dma source(%dma_start3A_689 : memref<32x128xf32, #tpu.memory_space<hbm>>) target(%arg20 : memref<32x128xf32, #tpu.memory_space<vmem>>) target_semaphore(%arg32 : memref<!tpu.dma_semaphore, #tpu.memory_space<semaphore_mem>>)
      %dma_start3A_690 = arith.constant 0 : i32
      %dma_start3A_691 = tpu.memref_slice %arg6[%dma_start3A_690, %multiple_of3A_680] : memref<32x1000000xf32, #tpu.memory_space<hbm>> -> memref<32x128xf32, #tpu.memory_space<hbm>>
      %dma_start3A_692 = arith.constant 0 : i32
      %dma_start3A_693 = tpu.memref_slice %arg6[%dma_start3A_692, %multiple_of3A_680] : memref<32x1000000xf32, #tpu.memory_space<hbm>> -> memref<32x128xf32, #tpu.memory_space<hbm>>
      tpu.enqueue_dma source(%dma_start3A_693 : memref<32x128xf32, #tpu.memory_space<hbm>>) target(%arg23 : memref<32x128xf32, #tpu.memory_space<vmem>>) target_semaphore(%arg32 : memref<!tpu.dma_semaphore, #tpu.memory_space<semaphore_mem>>)
      %dma_start3A_694 = arith.constant 0 : i32
      %dma_start3A_695 = tpu.memref_slice %arg5[%dma_start3A_694, %multiple_of3A_685] : memref<32x1000000xf32, #tpu.memory_space<hbm>> -> memref<32x128xf32, #tpu.memory_space<hbm>>
      %dma_start3A_696 = arith.constant 0 : i32
      %dma_start3A_697 = tpu.memref_slice %arg5[%dma_start3A_696, %multiple_of3A_685] : memref<32x1000000xf32, #tpu.memory_space<hbm>> -> memref<32x128xf32, #tpu.memory_space<hbm>>
      tpu.enqueue_dma source(%dma_start3A_697 : memref<32x128xf32, #tpu.memory_space<hbm>>) target(%arg26 : memref<32x128xf32, #tpu.memory_space<vmem>>) target_semaphore(%arg32 : memref<!tpu.dma_semaphore, #tpu.memory_space<semaphore_mem>>)
      %dma_start3A_698 = arith.constant 0 : i32
      %dma_start3A_699 = tpu.memref_slice %arg7[%dma_start3A_698, %multiple_of3A_685] : memref<32x1000000xf32, #tpu.memory_space<hbm>> -> memref<32x128xf32, #tpu.memory_space<hbm>>
      %dma_start3A_700 = arith.constant 0 : i32
      %dma_start3A_701 = tpu.memref_slice %arg7[%dma_start3A_700, %multiple_of3A_685] : memref<32x1000000xf32, #tpu.memory_space<hbm>> -> memref<32x128xf32, #tpu.memory_space<hbm>>
      tpu.enqueue_dma source(%dma_start3A_701 : memref<32x128xf32, #tpu.memory_space<hbm>>) target(%arg29 : memref<32x128xf32, #tpu.memory_space<vmem>>) target_semaphore(%arg32 : memref<!tpu.dma_semaphore, #tpu.memory_space<semaphore_mem>>)
      %dma_wait3A_702 = arith.constant 0 : i32
      %dma_wait3A_703 = tpu.memref_slice %arg4[%dma_wait3A_702, %multiple_of3A_558] : memref<32x1000000xf32, #tpu.memory_space<hbm>> -> memref<32x128xf32, #tpu.memory_space<hbm>>
      %dma_wait3A_704 = arith.constant 0 : i32
      %dma_wait3A_705 = tpu.memref_slice %arg4[%dma_wait3A_704, %multiple_of3A_558] : memref<32x1000000xf32, #tpu.memory_space<hbm>> -> memref<32x128xf32, #tpu.memory_space<hbm>>
      tpu.wait_dma2 semaphore(%arg30 : memref<!tpu.dma_semaphore, #tpu.memory_space<semaphore_mem>>) src(%dma_wait3A_705 : memref<32x128xf32, #tpu.memory_space<hbm>>) dst(%arg18 : memref<32x128xf32, #tpu.memory_space<vmem>>)
      %dma_wait3A_706 = arith.constant 0 : i32
      %dma_wait3A_707 = tpu.memref_slice %arg6[%dma_wait3A_706, %multiple_of3A_558] : memref<32x1000000xf32, #tpu.memory_space<hbm>> -> memref<32x128xf32, #tpu.memory_space<hbm>>
      %dma_wait3A_708 = arith.constant 0 : i32
      %dma_wait3A_709 = tpu.memref_slice %arg6[%dma_wait3A_708, %multiple_of3A_558] : memref<32x1000000xf32, #tpu.memory_space<hbm>> -> memref<32x128xf32, #tpu.memory_space<hbm>>
      tpu.wait_dma2 semaphore(%arg30 : memref<!tpu.dma_semaphore, #tpu.memory_space<semaphore_mem>>) src(%dma_wait3A_709 : memref<32x128xf32, #tpu.memory_space<hbm>>) dst(%arg21 : memref<32x128xf32, #tpu.memory_space<vmem>>)
      %dma_wait3A_710 = arith.constant 0 : i32
      %dma_wait3A_711 = tpu.memref_slice %arg5[%dma_wait3A_710, %multiple_of3A_563] : memref<32x1000000xf32, #tpu.memory_space<hbm>> -> memref<32x128xf32, #tpu.memory_space<hbm>>
      %dma_wait3A_712 = arith.constant 0 : i32
      %dma_wait3A_713 = tpu.memref_slice %arg5[%dma_wait3A_712, %multiple_of3A_563] : memref<32x1000000xf32, #tpu.memory_space<hbm>> -> memref<32x128xf32, #tpu.memory_space<hbm>>
      tpu.wait_dma2 semaphore(%arg30 : memref<!tpu.dma_semaphore, #tpu.memory_space<semaphore_mem>>) src(%dma_wait3A_713 : memref<32x128xf32, #tpu.memory_space<hbm>>) dst(%arg24 : memref<32x128xf32, #tpu.memory_space<vmem>>)
      %dma_wait3A_714 = arith.constant 0 : i32
      %dma_wait3A_715 = tpu.memref_slice %arg7[%dma_wait3A_714, %multiple_of3A_563] : memref<32x1000000xf32, #tpu.memory_space<hbm>> -> memref<32x128xf32, #tpu.memory_space<hbm>>
      %dma_wait3A_716 = arith.constant 0 : i32
      %dma_wait3A_717 = tpu.memref_slice %arg7[%dma_wait3A_716, %multiple_of3A_563] : memref<32x1000000xf32, #tpu.memory_space<hbm>> -> memref<32x128xf32, #tpu.memory_space<hbm>>
      tpu.wait_dma2 semaphore(%arg30 : memref<!tpu.dma_semaphore, #tpu.memory_space<semaphore_mem>>) src(%dma_wait3A_717 : memref<32x128xf32, #tpu.memory_space<hbm>>) dst(%arg27 : memref<32x128xf32, #tpu.memory_space<vmem>>)
      %mul3A_718 = arith.constant 16 : i32
      %mul3A_719 = arith.muli %scan3A_12, %mul3A_718 : i32
      %add3A_720 = arith.constant 9 : i32
      %add3A_721 = arith.addi %mul3A_719, %add3A_720 : i32
      %broadcast_in_dim3A_722 = vector.broadcast %add3A_721 : i32 to vector<16xi32>
      %and3A_723 = arith.constant 127 : i32
      %and3A_724 = arith.andi %squeeze3A_38, %and3A_723 : i32
      %broadcast_in_dim3A_725 = vector.broadcast %and3A_724 : i32 to vector<16xi32>
      %and3A_726 = arith.constant 127 : i32
      %and3A_727 = arith.andi %squeeze3A_70, %and3A_726 : i32
      %broadcast_in_dim3A_728 = vector.broadcast %and3A_727 : i32 to vector<16xi32>
      %gather3A_729 = tpu.vector_load_idx %arg18[%iota3A, %broadcast_in_dim3A_725] : memref<32x128xf32, #tpu.memory_space<vmem>>[vector<16xi32>, vector<16xi32>], vector<16xf32>,
      %gather3A_730 = tpu.vector_load_idx %arg18[%add3A_5, %broadcast_in_dim3A_725] : memref<32x128xf32, #tpu.memory_space<vmem>>[vector<16xi32>, vector<16xi32>], vector<16xf32>,
      tpu.vector_store_idx %arg14[%iota3A, %broadcast_in_dim3A_722], %gather3A_729 : memref<32x512xf32, #tpu.memory_space<vmem>>[vector<16xi32>, vector<16xi32>], vector<16xf32>,
      tpu.vector_store_idx %arg14[%add3A_5, %broadcast_in_dim3A_722], %gather3A_730 : memref<32x512xf32, #tpu.memory_space<vmem>>[vector<16xi32>, vector<16xi32>], vector<16xf32>,
      %gather3A_731 = tpu.vector_load_idx %arg21[%iota3A, %broadcast_in_dim3A_725] : memref<32x128xf32, #tpu.memory_space<vmem>>[vector<16xi32>, vector<16xi32>], vector<16xf32>,
      %gather3A_732 = tpu.vector_load_idx %arg21[%add3A_5, %broadcast_in_dim3A_725] : memref<32x128xf32, #tpu.memory_space<vmem>>[vector<16xi32>, vector<16xi32>], vector<16xf32>,
      tpu.vector_store_idx %arg16[%iota3A, %broadcast_in_dim3A_722], %gather3A_731 : memref<32x512xf32, #tpu.memory_space<vmem>>[vector<16xi32>, vector<16xi32>], vector<16xf32>,
      tpu.vector_store_idx %arg16[%add3A_5, %broadcast_in_dim3A_722], %gather3A_732 : memref<32x512xf32, #tpu.memory_space<vmem>>[vector<16xi32>, vector<16xi32>], vector<16xf32>,
      %gather3A_733 = tpu.vector_load_idx %arg24[%iota3A, %broadcast_in_dim3A_728] : memref<32x128xf32, #tpu.memory_space<vmem>>[vector<16xi32>, vector<16xi32>], vector<16xf32>,
      %gather3A_734 = tpu.vector_load_idx %arg24[%add3A_5, %broadcast_in_dim3A_728] : memref<32x128xf32, #tpu.memory_space<vmem>>[vector<16xi32>, vector<16xi32>], vector<16xf32>,
      tpu.vector_store_idx %arg15[%iota3A, %broadcast_in_dim3A_722], %gather3A_733 : memref<32x512xf32, #tpu.memory_space<vmem>>[vector<16xi32>, vector<16xi32>], vector<16xf32>,
      tpu.vector_store_idx %arg15[%add3A_5, %broadcast_in_dim3A_722], %gather3A_734 : memref<32x512xf32, #tpu.memory_space<vmem>>[vector<16xi32>, vector<16xi32>], vector<16xf32>,
      %gather3A_735 = tpu.vector_load_idx %arg27[%iota3A, %broadcast_in_dim3A_728] : memref<32x128xf32, #tpu.memory_space<vmem>>[vector<16xi32>, vector<16xi32>], vector<16xf32>,
      %gather3A_736 = tpu.vector_load_idx %arg27[%add3A_5, %broadcast_in_dim3A_728] : memref<32x128xf32, #tpu.memory_space<vmem>>[vector<16xi32>, vector<16xi32>], vector<16xf32>,
      tpu.vector_store_idx %arg17[%iota3A, %broadcast_in_dim3A_722], %gather3A_735 : memref<32x512xf32, #tpu.memory_space<vmem>>[vector<16xi32>, vector<16xi32>], vector<16xf32>,
      tpu.vector_store_idx %arg17[%add3A_5, %broadcast_in_dim3A_722], %gather3A_736 : memref<32x512xf32, #tpu.memory_space<vmem>>[vector<16xi32>, vector<16xi32>], vector<16xf32>,
      %shift_right_arithmetic3A_737 = arith.constant 7 : i32
      %shift_right_arithmetic3A_738 = arith.shrsi %squeeze3A_44, %shift_right_arithmetic3A_737 : i32
      %shift_left3A_739 = arith.constant 7 : i32
      %shift_left3A_740 = arith.shli %shift_right_arithmetic3A_738, %shift_left3A_739 : i32
      %multiple_of3A_741 = tpu.assume_multiple %shift_left3A_740, 128 : i32
      %shift_right_arithmetic3A_742 = arith.constant 7 : i32
      %shift_right_arithmetic3A_743 = arith.shrsi %squeeze3A_76, %shift_right_arithmetic3A_742 : i32
      %shift_left3A_744 = arith.constant 7 : i32
      %shift_left3A_745 = arith.shli %shift_right_arithmetic3A_743, %shift_left3A_744 : i32
      %multiple_of3A_746 = tpu.assume_multiple %shift_left3A_745, 128 : i32
      %dma_start3A_747 = arith.constant 0 : i32
      %dma_start3A_748 = tpu.memref_slice %arg4[%dma_start3A_747, %multiple_of3A_741] : memref<32x1000000xf32, #tpu.memory_space<hbm>> -> memref<32x128xf32, #tpu.memory_space<hbm>>
      %dma_start3A_749 = arith.constant 0 : i32
      %dma_start3A_750 = tpu.memref_slice %arg4[%dma_start3A_749, %multiple_of3A_741] : memref<32x1000000xf32, #tpu.memory_space<hbm>> -> memref<32x128xf32, #tpu.memory_space<hbm>>
      tpu.enqueue_dma source(%dma_start3A_750 : memref<32x128xf32, #tpu.memory_space<hbm>>) target(%arg18 : memref<32x128xf32, #tpu.memory_space<vmem>>) target_semaphore(%arg30 : memref<!tpu.dma_semaphore, #tpu.memory_space<semaphore_mem>>)
      %dma_start3A_751 = arith.constant 0 : i32
      %dma_start3A_752 = tpu.memref_slice %arg6[%dma_start3A_751, %multiple_of3A_741] : memref<32x1000000xf32, #tpu.memory_space<hbm>> -> memref<32x128xf32, #tpu.memory_space<hbm>>
      %dma_start3A_753 = arith.constant 0 : i32
      %dma_start3A_754 = tpu.memref_slice %arg6[%dma_start3A_753, %multiple_of3A_741] : memref<32x1000000xf32, #tpu.memory_space<hbm>> -> memref<32x128xf32, #tpu.memory_space<hbm>>
      tpu.enqueue_dma source(%dma_start3A_754 : memref<32x128xf32, #tpu.memory_space<hbm>>) target(%arg21 : memref<32x128xf32, #tpu.memory_space<vmem>>) target_semaphore(%arg30 : memref<!tpu.dma_semaphore, #tpu.memory_space<semaphore_mem>>)
      %dma_start3A_755 = arith.constant 0 : i32
      %dma_start3A_756 = tpu.memref_slice %arg5[%dma_start3A_755, %multiple_of3A_746] : memref<32x1000000xf32, #tpu.memory_space<hbm>> -> memref<32x128xf32, #tpu.memory_space<hbm>>
      %dma_start3A_757 = arith.constant 0 : i32
      %dma_start3A_758 = tpu.memref_slice %arg5[%dma_start3A_757, %multiple_of3A_746] : memref<32x1000000xf32, #tpu.memory_space<hbm>> -> memref<32x128xf32, #tpu.memory_space<hbm>>
      tpu.enqueue_dma source(%dma_start3A_758 : memref<32x128xf32, #tpu.memory_space<hbm>>) target(%arg24 : memref<32x128xf32, #tpu.memory_space<vmem>>) target_semaphore(%arg30 : memref<!tpu.dma_semaphore, #tpu.memory_space<semaphore_mem>>)
      %dma_start3A_759 = arith.constant 0 : i32
      %dma_start3A_760 = tpu.memref_slice %arg7[%dma_start3A_759, %multiple_of3A_746] : memref<32x1000000xf32, #tpu.memory_space<hbm>> -> memref<32x128xf32, #tpu.memory_space<hbm>>
      %dma_start3A_761 = arith.constant 0 : i32
      %dma_start3A_762 = tpu.memref_slice %arg7[%dma_start3A_761, %multiple_of3A_746] : memref<32x1000000xf32, #tpu.memory_space<hbm>> -> memref<32x128xf32, #tpu.memory_space<hbm>>
      tpu.enqueue_dma source(%dma_start3A_762 : memref<32x128xf32, #tpu.memory_space<hbm>>) target(%arg27 : memref<32x128xf32, #tpu.memory_space<vmem>>) target_semaphore(%arg30 : memref<!tpu.dma_semaphore, #tpu.memory_space<semaphore_mem>>)
      %dma_wait3A_763 = arith.constant 0 : i32
      %dma_wait3A_764 = tpu.memref_slice %arg4[%dma_wait3A_763, %multiple_of3A_619] : memref<32x1000000xf32, #tpu.memory_space<hbm>> -> memref<32x128xf32, #tpu.memory_space<hbm>>
      %dma_wait3A_765 = arith.constant 0 : i32
      %dma_wait3A_766 = tpu.memref_slice %arg4[%dma_wait3A_765, %multiple_of3A_619] : memref<32x1000000xf32, #tpu.memory_space<hbm>> -> memref<32x128xf32, #tpu.memory_space<hbm>>
      tpu.wait_dma2 semaphore(%arg31 : memref<!tpu.dma_semaphore, #tpu.memory_space<semaphore_mem>>) src(%dma_wait3A_766 : memref<32x128xf32, #tpu.memory_space<hbm>>) dst(%arg19 : memref<32x128xf32, #tpu.memory_space<vmem>>)
      %dma_wait3A_767 = arith.constant 0 : i32
      %dma_wait3A_768 = tpu.memref_slice %arg6[%dma_wait3A_767, %multiple_of3A_619] : memref<32x1000000xf32, #tpu.memory_space<hbm>> -> memref<32x128xf32, #tpu.memory_space<hbm>>
      %dma_wait3A_769 = arith.constant 0 : i32
      %dma_wait3A_770 = tpu.memref_slice %arg6[%dma_wait3A_769, %multiple_of3A_619] : memref<32x1000000xf32, #tpu.memory_space<hbm>> -> memref<32x128xf32, #tpu.memory_space<hbm>>
      tpu.wait_dma2 semaphore(%arg31 : memref<!tpu.dma_semaphore, #tpu.memory_space<semaphore_mem>>) src(%dma_wait3A_770 : memref<32x128xf32, #tpu.memory_space<hbm>>) dst(%arg22 : memref<32x128xf32, #tpu.memory_space<vmem>>)
      %dma_wait3A_771 = arith.constant 0 : i32
      %dma_wait3A_772 = tpu.memref_slice %arg5[%dma_wait3A_771, %multiple_of3A_624] : memref<32x1000000xf32, #tpu.memory_space<hbm>> -> memref<32x128xf32, #tpu.memory_space<hbm>>
      %dma_wait3A_773 = arith.constant 0 : i32
      %dma_wait3A_774 = tpu.memref_slice %arg5[%dma_wait3A_773, %multiple_of3A_624] : memref<32x1000000xf32, #tpu.memory_space<hbm>> -> memref<32x128xf32, #tpu.memory_space<hbm>>
      tpu.wait_dma2 semaphore(%arg31 : memref<!tpu.dma_semaphore, #tpu.memory_space<semaphore_mem>>) src(%dma_wait3A_774 : memref<32x128xf32, #tpu.memory_space<hbm>>) dst(%arg25 : memref<32x128xf32, #tpu.memory_space<vmem>>)
      %dma_wait3A_775 = arith.constant 0 : i32
      %dma_wait3A_776 = tpu.memref_slice %arg7[%dma_wait3A_775, %multiple_of3A_624] : memref<32x1000000xf32, #tpu.memory_space<hbm>> -> memref<32x128xf32, #tpu.memory_space<hbm>>
      %dma_wait3A_777 = arith.constant 0 : i32
      %dma_wait3A_778 = tpu.memref_slice %arg7[%dma_wait3A_777, %multiple_of3A_624] : memref<32x1000000xf32, #tpu.memory_space<hbm>> -> memref<32x128xf32, #tpu.memory_space<hbm>>
      tpu.wait_dma2 semaphore(%arg31 : memref<!tpu.dma_semaphore, #tpu.memory_space<semaphore_mem>>) src(%dma_wait3A_778 : memref<32x128xf32, #tpu.memory_space<hbm>>) dst(%arg28 : memref<32x128xf32, #tpu.memory_space<vmem>>)
      %mul3A_779 = arith.constant 16 : i32
      %mul3A_780 = arith.muli %scan3A_12, %mul3A_779 : i32
      %add3A_781 = arith.constant 10 : i32
      %add3A_782 = arith.addi %mul3A_780, %add3A_781 : i32
      %broadcast_in_dim3A_783 = vector.broadcast %add3A_782 : i32 to vector<16xi32>
      %and3A_784 = arith.constant 127 : i32
      %and3A_785 = arith.andi %squeeze3A_40, %and3A_784 : i32
      %broadcast_in_dim3A_786 = vector.broadcast %and3A_785 : i32 to vector<16xi32>
      %and3A_787 = arith.constant 127 : i32
      %and3A_788 = arith.andi %squeeze3A_72, %and3A_787 : i32
      %broadcast_in_dim3A_789 = vector.broadcast %and3A_788 : i32 to vector<16xi32>
      %gather3A_790 = tpu.vector_load_idx %arg19[%iota3A, %broadcast_in_dim3A_786] : memref<32x128xf32, #tpu.memory_space<vmem>>[vector<16xi32>, vector<16xi32>], vector<16xf32>,
      %gather3A_791 = tpu.vector_load_idx %arg19[%add3A_5, %broadcast_in_dim3A_786] : memref<32x128xf32, #tpu.memory_space<vmem>>[vector<16xi32>, vector<16xi32>], vector<16xf32>,
      tpu.vector_store_idx %arg14[%iota3A, %broadcast_in_dim3A_783], %gather3A_790 : memref<32x512xf32, #tpu.memory_space<vmem>>[vector<16xi32>, vector<16xi32>], vector<16xf32>,
      tpu.vector_store_idx %arg14[%add3A_5, %broadcast_in_dim3A_783], %gather3A_791 : memref<32x512xf32, #tpu.memory_space<vmem>>[vector<16xi32>, vector<16xi32>], vector<16xf32>,
      %gather3A_792 = tpu.vector_load_idx %arg22[%iota3A, %broadcast_in_dim3A_786] : memref<32x128xf32, #tpu.memory_space<vmem>>[vector<16xi32>, vector<16xi32>], vector<16xf32>,
      %gather3A_793 = tpu.vector_load_idx %arg22[%add3A_5, %broadcast_in_dim3A_786] : memref<32x128xf32, #tpu.memory_space<vmem>>[vector<16xi32>, vector<16xi32>], vector<16xf32>,
      tpu.vector_store_idx %arg16[%iota3A, %broadcast_in_dim3A_783], %gather3A_792 : memref<32x512xf32, #tpu.memory_space<vmem>>[vector<16xi32>, vector<16xi32>], vector<16xf32>,
      tpu.vector_store_idx %arg16[%add3A_5, %broadcast_in_dim3A_783], %gather3A_793 : memref<32x512xf32, #tpu.memory_space<vmem>>[vector<16xi32>, vector<16xi32>], vector<16xf32>,
      %gather3A_794 = tpu.vector_load_idx %arg25[%iota3A, %broadcast_in_dim3A_789] : memref<32x128xf32, #tpu.memory_space<vmem>>[vector<16xi32>, vector<16xi32>], vector<16xf32>,
      %gather3A_795 = tpu.vector_load_idx %arg25[%add3A_5, %broadcast_in_dim3A_789] : memref<32x128xf32, #tpu.memory_space<vmem>>[vector<16xi32>, vector<16xi32>], vector<16xf32>,
      tpu.vector_store_idx %arg15[%iota3A, %broadcast_in_dim3A_783], %gather3A_794 : memref<32x512xf32, #tpu.memory_space<vmem>>[vector<16xi32>, vector<16xi32>], vector<16xf32>,
      tpu.vector_store_idx %arg15[%add3A_5, %broadcast_in_dim3A_783], %gather3A_795 : memref<32x512xf32, #tpu.memory_space<vmem>>[vector<16xi32>, vector<16xi32>], vector<16xf32>,
      %gather3A_796 = tpu.vector_load_idx %arg28[%iota3A, %broadcast_in_dim3A_789] : memref<32x128xf32, #tpu.memory_space<vmem>>[vector<16xi32>, vector<16xi32>], vector<16xf32>,
      %gather3A_797 = tpu.vector_load_idx %arg28[%add3A_5, %broadcast_in_dim3A_789] : memref<32x128xf32, #tpu.memory_space<vmem>>[vector<16xi32>, vector<16xi32>], vector<16xf32>,
      tpu.vector_store_idx %arg17[%iota3A, %broadcast_in_dim3A_783], %gather3A_796 : memref<32x512xf32, #tpu.memory_space<vmem>>[vector<16xi32>, vector<16xi32>], vector<16xf32>,
      tpu.vector_store_idx %arg17[%add3A_5, %broadcast_in_dim3A_783], %gather3A_797 : memref<32x512xf32, #tpu.memory_space<vmem>>[vector<16xi32>, vector<16xi32>], vector<16xf32>,
      %shift_right_arithmetic3A_798 = arith.constant 7 : i32
      %shift_right_arithmetic3A_799 = arith.shrsi %squeeze3A_46, %shift_right_arithmetic3A_798 : i32
      %shift_left3A_800 = arith.constant 7 : i32
      %shift_left3A_801 = arith.shli %shift_right_arithmetic3A_799, %shift_left3A_800 : i32
      %multiple_of3A_802 = tpu.assume_multiple %shift_left3A_801, 128 : i32
      %shift_right_arithmetic3A_803 = arith.constant 7 : i32
      %shift_right_arithmetic3A_804 = arith.shrsi %squeeze3A_78, %shift_right_arithmetic3A_803 : i32
      %shift_left3A_805 = arith.constant 7 : i32
      %shift_left3A_806 = arith.shli %shift_right_arithmetic3A_804, %shift_left3A_805 : i32
      %multiple_of3A_807 = tpu.assume_multiple %shift_left3A_806, 128 : i32
      %dma_start3A_808 = arith.constant 0 : i32
      %dma_start3A_809 = tpu.memref_slice %arg4[%dma_start3A_808, %multiple_of3A_802] : memref<32x1000000xf32, #tpu.memory_space<hbm>> -> memref<32x128xf32, #tpu.memory_space<hbm>>
      %dma_start3A_810 = arith.constant 0 : i32
      %dma_start3A_811 = tpu.memref_slice %arg4[%dma_start3A_810, %multiple_of3A_802] : memref<32x1000000xf32, #tpu.memory_space<hbm>> -> memref<32x128xf32, #tpu.memory_space<hbm>>
      tpu.enqueue_dma source(%dma_start3A_811 : memref<32x128xf32, #tpu.memory_space<hbm>>) target(%arg19 : memref<32x128xf32, #tpu.memory_space<vmem>>) target_semaphore(%arg31 : memref<!tpu.dma_semaphore, #tpu.memory_space<semaphore_mem>>)
      %dma_start3A_812 = arith.constant 0 : i32
      %dma_start3A_813 = tpu.memref_slice %arg6[%dma_start3A_812, %multiple_of3A_802] : memref<32x1000000xf32, #tpu.memory_space<hbm>> -> memref<32x128xf32, #tpu.memory_space<hbm>>
      %dma_start3A_814 = arith.constant 0 : i32
      %dma_start3A_815 = tpu.memref_slice %arg6[%dma_start3A_814, %multiple_of3A_802] : memref<32x1000000xf32, #tpu.memory_space<hbm>> -> memref<32x128xf32, #tpu.memory_space<hbm>>
      tpu.enqueue_dma source(%dma_start3A_815 : memref<32x128xf32, #tpu.memory_space<hbm>>) target(%arg22 : memref<32x128xf32, #tpu.memory_space<vmem>>) target_semaphore(%arg31 : memref<!tpu.dma_semaphore, #tpu.memory_space<semaphore_mem>>)
      %dma_start3A_816 = arith.constant 0 : i32
      %dma_start3A_817 = tpu.memref_slice %arg5[%dma_start3A_816, %multiple_of3A_807] : memref<32x1000000xf32, #tpu.memory_space<hbm>> -> memref<32x128xf32, #tpu.memory_space<hbm>>
      %dma_start3A_818 = arith.constant 0 : i32
      %dma_start3A_819 = tpu.memref_slice %arg5[%dma_start3A_818, %multiple_of3A_807] : memref<32x1000000xf32, #tpu.memory_space<hbm>> -> memref<32x128xf32, #tpu.memory_space<hbm>>
      tpu.enqueue_dma source(%dma_start3A_819 : memref<32x128xf32, #tpu.memory_space<hbm>>) target(%arg25 : memref<32x128xf32, #tpu.memory_space<vmem>>) target_semaphore(%arg31 : memref<!tpu.dma_semaphore, #tpu.memory_space<semaphore_mem>>)
      %dma_start3A_820 = arith.constant 0 : i32
      %dma_start3A_821 = tpu.memref_slice %arg7[%dma_start3A_820, %multiple_of3A_807] : memref<32x1000000xf32, #tpu.memory_space<hbm>> -> memref<32x128xf32, #tpu.memory_space<hbm>>
      %dma_start3A_822 = arith.constant 0 : i32
      %dma_start3A_823 = tpu.memref_slice %arg7[%dma_start3A_822, %multiple_of3A_807] : memref<32x1000000xf32, #tpu.memory_space<hbm>> -> memref<32x128xf32, #tpu.memory_space<hbm>>
      tpu.enqueue_dma source(%dma_start3A_823 : memref<32x128xf32, #tpu.memory_space<hbm>>) target(%arg28 : memref<32x128xf32, #tpu.memory_space<vmem>>) target_semaphore(%arg31 : memref<!tpu.dma_semaphore, #tpu.memory_space<semaphore_mem>>)
      %dma_wait3A_824 = arith.constant 0 : i32
      %dma_wait3A_825 = tpu.memref_slice %arg4[%dma_wait3A_824, %multiple_of3A_680] : memref<32x1000000xf32, #tpu.memory_space<hbm>> -> memref<32x128xf32, #tpu.memory_space<hbm>>
      %dma_wait3A_826 = arith.constant 0 : i32
      %dma_wait3A_827 = tpu.memref_slice %arg4[%dma_wait3A_826, %multiple_of3A_680] : memref<32x1000000xf32, #tpu.memory_space<hbm>> -> memref<32x128xf32, #tpu.memory_space<hbm>>
      tpu.wait_dma2 semaphore(%arg32 : memref<!tpu.dma_semaphore, #tpu.memory_space<semaphore_mem>>) src(%dma_wait3A_827 : memref<32x128xf32, #tpu.memory_space<hbm>>) dst(%arg20 : memref<32x128xf32, #tpu.memory_space<vmem>>)
      %dma_wait3A_828 = arith.constant 0 : i32
      %dma_wait3A_829 = tpu.memref_slice %arg6[%dma_wait3A_828, %multiple_of3A_680] : memref<32x1000000xf32, #tpu.memory_space<hbm>> -> memref<32x128xf32, #tpu.memory_space<hbm>>
      %dma_wait3A_830 = arith.constant 0 : i32
      %dma_wait3A_831 = tpu.memref_slice %arg6[%dma_wait3A_830, %multiple_of3A_680] : memref<32x1000000xf32, #tpu.memory_space<hbm>> -> memref<32x128xf32, #tpu.memory_space<hbm>>
      tpu.wait_dma2 semaphore(%arg32 : memref<!tpu.dma_semaphore, #tpu.memory_space<semaphore_mem>>) src(%dma_wait3A_831 : memref<32x128xf32, #tpu.memory_space<hbm>>) dst(%arg23 : memref<32x128xf32, #tpu.memory_space<vmem>>)
      %dma_wait3A_832 = arith.constant 0 : i32
      %dma_wait3A_833 = tpu.memref_slice %arg5[%dma_wait3A_832, %multiple_of3A_685] : memref<32x1000000xf32, #tpu.memory_space<hbm>> -> memref<32x128xf32, #tpu.memory_space<hbm>>
      %dma_wait3A_834 = arith.constant 0 : i32
      %dma_wait3A_835 = tpu.memref_slice %arg5[%dma_wait3A_834, %multiple_of3A_685] : memref<32x1000000xf32, #tpu.memory_space<hbm>> -> memref<32x128xf32, #tpu.memory_space<hbm>>
      tpu.wait_dma2 semaphore(%arg32 : memref<!tpu.dma_semaphore, #tpu.memory_space<semaphore_mem>>) src(%dma_wait3A_835 : memref<32x128xf32, #tpu.memory_space<hbm>>) dst(%arg26 : memref<32x128xf32, #tpu.memory_space<vmem>>)
      %dma_wait3A_836 = arith.constant 0 : i32
      %dma_wait3A_837 = tpu.memref_slice %arg7[%dma_wait3A_836, %multiple_of3A_685] : memref<32x1000000xf32, #tpu.memory_space<hbm>> -> memref<32x128xf32, #tpu.memory_space<hbm>>
      %dma_wait3A_838 = arith.constant 0 : i32
      %dma_wait3A_839 = tpu.memref_slice %arg7[%dma_wait3A_838, %multiple_of3A_685] : memref<32x1000000xf32, #tpu.memory_space<hbm>> -> memref<32x128xf32, #tpu.memory_space<hbm>>
      tpu.wait_dma2 semaphore(%arg32 : memref<!tpu.dma_semaphore, #tpu.memory_space<semaphore_mem>>) src(%dma_wait3A_839 : memref<32x128xf32, #tpu.memory_space<hbm>>) dst(%arg29 : memref<32x128xf32, #tpu.memory_space<vmem>>)
      %mul3A_840 = arith.constant 16 : i32
      %mul3A_841 = arith.muli %scan3A_12, %mul3A_840 : i32
      %add3A_842 = arith.constant 11 : i32
      %add3A_843 = arith.addi %mul3A_841, %add3A_842 : i32
      %broadcast_in_dim3A_844 = vector.broadcast %add3A_843 : i32 to vector<16xi32>
      %and3A_845 = arith.constant 127 : i32
      %and3A_846 = arith.andi %squeeze3A_42, %and3A_845 : i32
      %broadcast_in_dim3A_847 = vector.broadcast %and3A_846 : i32 to vector<16xi32>
      %and3A_848 = arith.constant 127 : i32
      %and3A_849 = arith.andi %squeeze3A_74, %and3A_848 : i32
      %broadcast_in_dim3A_850 = vector.broadcast %and3A_849 : i32 to vector<16xi32>
      %gather3A_851 = tpu.vector_load_idx %arg20[%iota3A, %broadcast_in_dim3A_847] : memref<32x128xf32, #tpu.memory_space<vmem>>[vector<16xi32>, vector<16xi32>], vector<16xf32>,
      %gather3A_852 = tpu.vector_load_idx %arg20[%add3A_5, %broadcast_in_dim3A_847] : memref<32x128xf32, #tpu.memory_space<vmem>>[vector<16xi32>, vector<16xi32>], vector<16xf32>,
      tpu.vector_store_idx %arg14[%iota3A, %broadcast_in_dim3A_844], %gather3A_851 : memref<32x512xf32, #tpu.memory_space<vmem>>[vector<16xi32>, vector<16xi32>], vector<16xf32>,
      tpu.vector_store_idx %arg14[%add3A_5, %broadcast_in_dim3A_844], %gather3A_852 : memref<32x512xf32, #tpu.memory_space<vmem>>[vector<16xi32>, vector<16xi32>], vector<16xf32>,
      %gather3A_853 = tpu.vector_load_idx %arg23[%iota3A, %broadcast_in_dim3A_847] : memref<32x128xf32, #tpu.memory_space<vmem>>[vector<16xi32>, vector<16xi32>], vector<16xf32>,
      %gather3A_854 = tpu.vector_load_idx %arg23[%add3A_5, %broadcast_in_dim3A_847] : memref<32x128xf32, #tpu.memory_space<vmem>>[vector<16xi32>, vector<16xi32>], vector<16xf32>,
      tpu.vector_store_idx %arg16[%iota3A, %broadcast_in_dim3A_844], %gather3A_853 : memref<32x512xf32, #tpu.memory_space<vmem>>[vector<16xi32>, vector<16xi32>], vector<16xf32>,
      tpu.vector_store_idx %arg16[%add3A_5, %broadcast_in_dim3A_844], %gather3A_854 : memref<32x512xf32, #tpu.memory_space<vmem>>[vector<16xi32>, vector<16xi32>], vector<16xf32>,
      %gather3A_855 = tpu.vector_load_idx %arg26[%iota3A, %broadcast_in_dim3A_850] : memref<32x128xf32, #tpu.memory_space<vmem>>[vector<16xi32>, vector<16xi32>], vector<16xf32>,
      %gather3A_856 = tpu.vector_load_idx %arg26[%add3A_5, %broadcast_in_dim3A_850] : memref<32x128xf32, #tpu.memory_space<vmem>>[vector<16xi32>, vector<16xi32>], vector<16xf32>,
      tpu.vector_store_idx %arg15[%iota3A, %broadcast_in_dim3A_844], %gather3A_855 : memref<32x512xf32, #tpu.memory_space<vmem>>[vector<16xi32>, vector<16xi32>], vector<16xf32>,
      tpu.vector_store_idx %arg15[%add3A_5, %broadcast_in_dim3A_844], %gather3A_856 : memref<32x512xf32, #tpu.memory_space<vmem>>[vector<16xi32>, vector<16xi32>], vector<16xf32>,
      %gather3A_857 = tpu.vector_load_idx %arg29[%iota3A, %broadcast_in_dim3A_850] : memref<32x128xf32, #tpu.memory_space<vmem>>[vector<16xi32>, vector<16xi32>], vector<16xf32>,
      %gather3A_858 = tpu.vector_load_idx %arg29[%add3A_5, %broadcast_in_dim3A_850] : memref<32x128xf32, #tpu.memory_space<vmem>>[vector<16xi32>, vector<16xi32>], vector<16xf32>,
      tpu.vector_store_idx %arg17[%iota3A, %broadcast_in_dim3A_844], %gather3A_857 : memref<32x512xf32, #tpu.memory_space<vmem>>[vector<16xi32>, vector<16xi32>], vector<16xf32>,
      tpu.vector_store_idx %arg17[%add3A_5, %broadcast_in_dim3A_844], %gather3A_858 : memref<32x512xf32, #tpu.memory_space<vmem>>[vector<16xi32>, vector<16xi32>], vector<16xf32>,
      %shift_right_arithmetic3A_859 = arith.constant 7 : i32
      %shift_right_arithmetic3A_860 = arith.shrsi %squeeze3A_48, %shift_right_arithmetic3A_859 : i32
      %shift_left3A_861 = arith.constant 7 : i32
      %shift_left3A_862 = arith.shli %shift_right_arithmetic3A_860, %shift_left3A_861 : i32
      %multiple_of3A_863 = tpu.assume_multiple %shift_left3A_862, 128 : i32
      %shift_right_arithmetic3A_864 = arith.constant 7 : i32
      %shift_right_arithmetic3A_865 = arith.shrsi %squeeze3A_80, %shift_right_arithmetic3A_864 : i32
      %shift_left3A_866 = arith.constant 7 : i32
      %shift_left3A_867 = arith.shli %shift_right_arithmetic3A_865, %shift_left3A_866 : i32
      %multiple_of3A_868 = tpu.assume_multiple %shift_left3A_867, 128 : i32
      %dma_start3A_869 = arith.constant 0 : i32
      %dma_start3A_870 = tpu.memref_slice %arg4[%dma_start3A_869, %multiple_of3A_863] : memref<32x1000000xf32, #tpu.memory_space<hbm>> -> memref<32x128xf32, #tpu.memory_space<hbm>>
      %dma_start3A_871 = arith.constant 0 : i32
      %dma_start3A_872 = tpu.memref_slice %arg4[%dma_start3A_871, %multiple_of3A_863] : memref<32x1000000xf32, #tpu.memory_space<hbm>> -> memref<32x128xf32, #tpu.memory_space<hbm>>
      tpu.enqueue_dma source(%dma_start3A_872 : memref<32x128xf32, #tpu.memory_space<hbm>>) target(%arg20 : memref<32x128xf32, #tpu.memory_space<vmem>>) target_semaphore(%arg32 : memref<!tpu.dma_semaphore, #tpu.memory_space<semaphore_mem>>)
      %dma_start3A_873 = arith.constant 0 : i32
      %dma_start3A_874 = tpu.memref_slice %arg6[%dma_start3A_873, %multiple_of3A_863] : memref<32x1000000xf32, #tpu.memory_space<hbm>> -> memref<32x128xf32, #tpu.memory_space<hbm>>
      %dma_start3A_875 = arith.constant 0 : i32
      %dma_start3A_876 = tpu.memref_slice %arg6[%dma_start3A_875, %multiple_of3A_863] : memref<32x1000000xf32, #tpu.memory_space<hbm>> -> memref<32x128xf32, #tpu.memory_space<hbm>>
      tpu.enqueue_dma source(%dma_start3A_876 : memref<32x128xf32, #tpu.memory_space<hbm>>) target(%arg23 : memref<32x128xf32, #tpu.memory_space<vmem>>) target_semaphore(%arg32 : memref<!tpu.dma_semaphore, #tpu.memory_space<semaphore_mem>>)
      %dma_start3A_877 = arith.constant 0 : i32
      %dma_start3A_878 = tpu.memref_slice %arg5[%dma_start3A_877, %multiple_of3A_868] : memref<32x1000000xf32, #tpu.memory_space<hbm>> -> memref<32x128xf32, #tpu.memory_space<hbm>>
      %dma_start3A_879 = arith.constant 0 : i32
      %dma_start3A_880 = tpu.memref_slice %arg5[%dma_start3A_879, %multiple_of3A_868] : memref<32x1000000xf32, #tpu.memory_space<hbm>> -> memref<32x128xf32, #tpu.memory_space<hbm>>
      tpu.enqueue_dma source(%dma_start3A_880 : memref<32x128xf32, #tpu.memory_space<hbm>>) target(%arg26 : memref<32x128xf32, #tpu.memory_space<vmem>>) target_semaphore(%arg32 : memref<!tpu.dma_semaphore, #tpu.memory_space<semaphore_mem>>)
      %dma_start3A_881 = arith.constant 0 : i32
      %dma_start3A_882 = tpu.memref_slice %arg7[%dma_start3A_881, %multiple_of3A_868] : memref<32x1000000xf32, #tpu.memory_space<hbm>> -> memref<32x128xf32, #tpu.memory_space<hbm>>
      %dma_start3A_883 = arith.constant 0 : i32
      %dma_start3A_884 = tpu.memref_slice %arg7[%dma_start3A_883, %multiple_of3A_868] : memref<32x1000000xf32, #tpu.memory_space<hbm>> -> memref<32x128xf32, #tpu.memory_space<hbm>>
      tpu.enqueue_dma source(%dma_start3A_884 : memref<32x128xf32, #tpu.memory_space<hbm>>) target(%arg29 : memref<32x128xf32, #tpu.memory_space<vmem>>) target_semaphore(%arg32 : memref<!tpu.dma_semaphore, #tpu.memory_space<semaphore_mem>>)
      %dma_wait3A_885 = arith.constant 0 : i32
      %dma_wait3A_886 = tpu.memref_slice %arg4[%dma_wait3A_885, %multiple_of3A_741] : memref<32x1000000xf32, #tpu.memory_space<hbm>> -> memref<32x128xf32, #tpu.memory_space<hbm>>
      %dma_wait3A_887 = arith.constant 0 : i32
      %dma_wait3A_888 = tpu.memref_slice %arg4[%dma_wait3A_887, %multiple_of3A_741] : memref<32x1000000xf32, #tpu.memory_space<hbm>> -> memref<32x128xf32, #tpu.memory_space<hbm>>
      tpu.wait_dma2 semaphore(%arg30 : memref<!tpu.dma_semaphore, #tpu.memory_space<semaphore_mem>>) src(%dma_wait3A_888 : memref<32x128xf32, #tpu.memory_space<hbm>>) dst(%arg18 : memref<32x128xf32, #tpu.memory_space<vmem>>)
      %dma_wait3A_889 = arith.constant 0 : i32
      %dma_wait3A_890 = tpu.memref_slice %arg6[%dma_wait3A_889, %multiple_of3A_741] : memref<32x1000000xf32, #tpu.memory_space<hbm>> -> memref<32x128xf32, #tpu.memory_space<hbm>>
      %dma_wait3A_891 = arith.constant 0 : i32
      %dma_wait3A_892 = tpu.memref_slice %arg6[%dma_wait3A_891, %multiple_of3A_741] : memref<32x1000000xf32, #tpu.memory_space<hbm>> -> memref<32x128xf32, #tpu.memory_space<hbm>>
      tpu.wait_dma2 semaphore(%arg30 : memref<!tpu.dma_semaphore, #tpu.memory_space<semaphore_mem>>) src(%dma_wait3A_892 : memref<32x128xf32, #tpu.memory_space<hbm>>) dst(%arg21 : memref<32x128xf32, #tpu.memory_space<vmem>>)
      %dma_wait3A_893 = arith.constant 0 : i32
      %dma_wait3A_894 = tpu.memref_slice %arg5[%dma_wait3A_893, %multiple_of3A_746] : memref<32x1000000xf32, #tpu.memory_space<hbm>> -> memref<32x128xf32, #tpu.memory_space<hbm>>
      %dma_wait3A_895 = arith.constant 0 : i32
      %dma_wait3A_896 = tpu.memref_slice %arg5[%dma_wait3A_895, %multiple_of3A_746] : memref<32x1000000xf32, #tpu.memory_space<hbm>> -> memref<32x128xf32, #tpu.memory_space<hbm>>
      tpu.wait_dma2 semaphore(%arg30 : memref<!tpu.dma_semaphore, #tpu.memory_space<semaphore_mem>>) src(%dma_wait3A_896 : memref<32x128xf32, #tpu.memory_space<hbm>>) dst(%arg24 : memref<32x128xf32, #tpu.memory_space<vmem>>)
      %dma_wait3A_897 = arith.constant 0 : i32
      %dma_wait3A_898 = tpu.memref_slice %arg7[%dma_wait3A_897, %multiple_of3A_746] : memref<32x1000000xf32, #tpu.memory_space<hbm>> -> memref<32x128xf32, #tpu.memory_space<hbm>>
      %dma_wait3A_899 = arith.constant 0 : i32
      %dma_wait3A_900 = tpu.memref_slice %arg7[%dma_wait3A_899, %multiple_of3A_746] : memref<32x1000000xf32, #tpu.memory_space<hbm>> -> memref<32x128xf32, #tpu.memory_space<hbm>>
      tpu.wait_dma2 semaphore(%arg30 : memref<!tpu.dma_semaphore, #tpu.memory_space<semaphore_mem>>) src(%dma_wait3A_900 : memref<32x128xf32, #tpu.memory_space<hbm>>) dst(%arg27 : memref<32x128xf32, #tpu.memory_space<vmem>>)
      %mul3A_901 = arith.constant 16 : i32
      %mul3A_902 = arith.muli %scan3A_12, %mul3A_901 : i32
      %add3A_903 = arith.constant 12 : i32
      %add3A_904 = arith.addi %mul3A_902, %add3A_903 : i32
      %broadcast_in_dim3A_905 = vector.broadcast %add3A_904 : i32 to vector<16xi32>
      %and3A_906 = arith.constant 127 : i32
      %and3A_907 = arith.andi %squeeze3A_44, %and3A_906 : i32
      %broadcast_in_dim3A_908 = vector.broadcast %and3A_907 : i32 to vector<16xi32>
      %and3A_909 = arith.constant 127 : i32
      %and3A_910 = arith.andi %squeeze3A_76, %and3A_909 : i32
      %broadcast_in_dim3A_911 = vector.broadcast %and3A_910 : i32 to vector<16xi32>
      %gather3A_912 = tpu.vector_load_idx %arg18[%iota3A, %broadcast_in_dim3A_908] : memref<32x128xf32, #tpu.memory_space<vmem>>[vector<16xi32>, vector<16xi32>], vector<16xf32>,
      %gather3A_913 = tpu.vector_load_idx %arg18[%add3A_5, %broadcast_in_dim3A_908] : memref<32x128xf32, #tpu.memory_space<vmem>>[vector<16xi32>, vector<16xi32>], vector<16xf32>,
      tpu.vector_store_idx %arg14[%iota3A, %broadcast_in_dim3A_905], %gather3A_912 : memref<32x512xf32, #tpu.memory_space<vmem>>[vector<16xi32>, vector<16xi32>], vector<16xf32>,
      tpu.vector_store_idx %arg14[%add3A_5, %broadcast_in_dim3A_905], %gather3A_913 : memref<32x512xf32, #tpu.memory_space<vmem>>[vector<16xi32>, vector<16xi32>], vector<16xf32>,
      %gather3A_914 = tpu.vector_load_idx %arg21[%iota3A, %broadcast_in_dim3A_908] : memref<32x128xf32, #tpu.memory_space<vmem>>[vector<16xi32>, vector<16xi32>], vector<16xf32>,
      %gather3A_915 = tpu.vector_load_idx %arg21[%add3A_5, %broadcast_in_dim3A_908] : memref<32x128xf32, #tpu.memory_space<vmem>>[vector<16xi32>, vector<16xi32>], vector<16xf32>,
      tpu.vector_store_idx %arg16[%iota3A, %broadcast_in_dim3A_905], %gather3A_914 : memref<32x512xf32, #tpu.memory_space<vmem>>[vector<16xi32>, vector<16xi32>], vector<16xf32>,
      tpu.vector_store_idx %arg16[%add3A_5, %broadcast_in_dim3A_905], %gather3A_915 : memref<32x512xf32, #tpu.memory_space<vmem>>[vector<16xi32>, vector<16xi32>], vector<16xf32>,
      %gather3A_916 = tpu.vector_load_idx %arg24[%iota3A, %broadcast_in_dim3A_911] : memref<32x128xf32, #tpu.memory_space<vmem>>[vector<16xi32>, vector<16xi32>], vector<16xf32>,
      %gather3A_917 = tpu.vector_load_idx %arg24[%add3A_5, %broadcast_in_dim3A_911] : memref<32x128xf32, #tpu.memory_space<vmem>>[vector<16xi32>, vector<16xi32>], vector<16xf32>,
      tpu.vector_store_idx %arg15[%iota3A, %broadcast_in_dim3A_905], %gather3A_916 : memref<32x512xf32, #tpu.memory_space<vmem>>[vector<16xi32>, vector<16xi32>], vector<16xf32>,
      tpu.vector_store_idx %arg15[%add3A_5, %broadcast_in_dim3A_905], %gather3A_917 : memref<32x512xf32, #tpu.memory_space<vmem>>[vector<16xi32>, vector<16xi32>], vector<16xf32>,
      %gather3A_918 = tpu.vector_load_idx %arg27[%iota3A, %broadcast_in_dim3A_911] : memref<32x128xf32, #tpu.memory_space<vmem>>[vector<16xi32>, vector<16xi32>], vector<16xf32>,
      %gather3A_919 = tpu.vector_load_idx %arg27[%add3A_5, %broadcast_in_dim3A_911] : memref<32x128xf32, #tpu.memory_space<vmem>>[vector<16xi32>, vector<16xi32>], vector<16xf32>,
      tpu.vector_store_idx %arg17[%iota3A, %broadcast_in_dim3A_905], %gather3A_918 : memref<32x512xf32, #tpu.memory_space<vmem>>[vector<16xi32>, vector<16xi32>], vector<16xf32>,
      tpu.vector_store_idx %arg17[%add3A_5, %broadcast_in_dim3A_905], %gather3A_919 : memref<32x512xf32, #tpu.memory_space<vmem>>[vector<16xi32>, vector<16xi32>], vector<16xf32>,
      %shift_right_arithmetic3A_920 = arith.constant 7 : i32
      %shift_right_arithmetic3A_921 = arith.shrsi %squeeze3A_50, %shift_right_arithmetic3A_920 : i32
      %shift_left3A_922 = arith.constant 7 : i32
      %shift_left3A_923 = arith.shli %shift_right_arithmetic3A_921, %shift_left3A_922 : i32
      %multiple_of3A_924 = tpu.assume_multiple %shift_left3A_923, 128 : i32
      %shift_right_arithmetic3A_925 = arith.constant 7 : i32
      %shift_right_arithmetic3A_926 = arith.shrsi %squeeze3A_82, %shift_right_arithmetic3A_925 : i32
      %shift_left3A_927 = arith.constant 7 : i32
      %shift_left3A_928 = arith.shli %shift_right_arithmetic3A_926, %shift_left3A_927 : i32
      %multiple_of3A_929 = tpu.assume_multiple %shift_left3A_928, 128 : i32
      %dma_start3A_930 = arith.constant 0 : i32
      %dma_start3A_931 = tpu.memref_slice %arg4[%dma_start3A_930, %multiple_of3A_924] : memref<32x1000000xf32, #tpu.memory_space<hbm>> -> memref<32x128xf32, #tpu.memory_space<hbm>>
      %dma_start3A_932 = arith.constant 0 : i32
      %dma_start3A_933 = tpu.memref_slice %arg4[%dma_start3A_932, %multiple_of3A_924] : memref<32x1000000xf32, #tpu.memory_space<hbm>> -> memref<32x128xf32, #tpu.memory_space<hbm>>
      tpu.enqueue_dma source(%dma_start3A_933 : memref<32x128xf32, #tpu.memory_space<hbm>>) target(%arg18 : memref<32x128xf32, #tpu.memory_space<vmem>>) target_semaphore(%arg30 : memref<!tpu.dma_semaphore, #tpu.memory_space<semaphore_mem>>)
      %dma_start3A_934 = arith.constant 0 : i32
      %dma_start3A_935 = tpu.memref_slice %arg6[%dma_start3A_934, %multiple_of3A_924] : memref<32x1000000xf32, #tpu.memory_space<hbm>> -> memref<32x128xf32, #tpu.memory_space<hbm>>
      %dma_start3A_936 = arith.constant 0 : i32
      %dma_start3A_937 = tpu.memref_slice %arg6[%dma_start3A_936, %multiple_of3A_924] : memref<32x1000000xf32, #tpu.memory_space<hbm>> -> memref<32x128xf32, #tpu.memory_space<hbm>>
      tpu.enqueue_dma source(%dma_start3A_937 : memref<32x128xf32, #tpu.memory_space<hbm>>) target(%arg21 : memref<32x128xf32, #tpu.memory_space<vmem>>) target_semaphore(%arg30 : memref<!tpu.dma_semaphore, #tpu.memory_space<semaphore_mem>>)
      %dma_start3A_938 = arith.constant 0 : i32
      %dma_start3A_939 = tpu.memref_slice %arg5[%dma_start3A_938, %multiple_of3A_929] : memref<32x1000000xf32, #tpu.memory_space<hbm>> -> memref<32x128xf32, #tpu.memory_space<hbm>>
      %dma_start3A_940 = arith.constant 0 : i32
      %dma_start3A_941 = tpu.memref_slice %arg5[%dma_start3A_940, %multiple_of3A_929] : memref<32x1000000xf32, #tpu.memory_space<hbm>> -> memref<32x128xf32, #tpu.memory_space<hbm>>
      tpu.enqueue_dma source(%dma_start3A_941 : memref<32x128xf32, #tpu.memory_space<hbm>>) target(%arg24 : memref<32x128xf32, #tpu.memory_space<vmem>>) target_semaphore(%arg30 : memref<!tpu.dma_semaphore, #tpu.memory_space<semaphore_mem>>)
      %dma_start3A_942 = arith.constant 0 : i32
      %dma_start3A_943 = tpu.memref_slice %arg7[%dma_start3A_942, %multiple_of3A_929] : memref<32x1000000xf32, #tpu.memory_space<hbm>> -> memref<32x128xf32, #tpu.memory_space<hbm>>
      %dma_start3A_944 = arith.constant 0 : i32
      %dma_start3A_945 = tpu.memref_slice %arg7[%dma_start3A_944, %multiple_of3A_929] : memref<32x1000000xf32, #tpu.memory_space<hbm>> -> memref<32x128xf32, #tpu.memory_space<hbm>>
      tpu.enqueue_dma source(%dma_start3A_945 : memref<32x128xf32, #tpu.memory_space<hbm>>) target(%arg27 : memref<32x128xf32, #tpu.memory_space<vmem>>) target_semaphore(%arg30 : memref<!tpu.dma_semaphore, #tpu.memory_space<semaphore_mem>>)
      %dma_wait3A_946 = arith.constant 0 : i32
      %dma_wait3A_947 = tpu.memref_slice %arg4[%dma_wait3A_946, %multiple_of3A_802] : memref<32x1000000xf32, #tpu.memory_space<hbm>> -> memref<32x128xf32, #tpu.memory_space<hbm>>
      %dma_wait3A_948 = arith.constant 0 : i32
      %dma_wait3A_949 = tpu.memref_slice %arg4[%dma_wait3A_948, %multiple_of3A_802] : memref<32x1000000xf32, #tpu.memory_space<hbm>> -> memref<32x128xf32, #tpu.memory_space<hbm>>
      tpu.wait_dma2 semaphore(%arg31 : memref<!tpu.dma_semaphore, #tpu.memory_space<semaphore_mem>>) src(%dma_wait3A_949 : memref<32x128xf32, #tpu.memory_space<hbm>>) dst(%arg19 : memref<32x128xf32, #tpu.memory_space<vmem>>)
      %dma_wait3A_950 = arith.constant 0 : i32
      %dma_wait3A_951 = tpu.memref_slice %arg6[%dma_wait3A_950, %multiple_of3A_802] : memref<32x1000000xf32, #tpu.memory_space<hbm>> -> memref<32x128xf32, #tpu.memory_space<hbm>>
      %dma_wait3A_952 = arith.constant 0 : i32
      %dma_wait3A_953 = tpu.memref_slice %arg6[%dma_wait3A_952, %multiple_of3A_802] : memref<32x1000000xf32, #tpu.memory_space<hbm>> -> memref<32x128xf32, #tpu.memory_space<hbm>>
      tpu.wait_dma2 semaphore(%arg31 : memref<!tpu.dma_semaphore, #tpu.memory_space<semaphore_mem>>) src(%dma_wait3A_953 : memref<32x128xf32, #tpu.memory_space<hbm>>) dst(%arg22 : memref<32x128xf32, #tpu.memory_space<vmem>>)
      %dma_wait3A_954 = arith.constant 0 : i32
      %dma_wait3A_955 = tpu.memref_slice %arg5[%dma_wait3A_954, %multiple_of3A_807] : memref<32x1000000xf32, #tpu.memory_space<hbm>> -> memref<32x128xf32, #tpu.memory_space<hbm>>
      %dma_wait3A_956 = arith.constant 0 : i32
      %dma_wait3A_957 = tpu.memref_slice %arg5[%dma_wait3A_956, %multiple_of3A_807] : memref<32x1000000xf32, #tpu.memory_space<hbm>> -> memref<32x128xf32, #tpu.memory_space<hbm>>
      tpu.wait_dma2 semaphore(%arg31 : memref<!tpu.dma_semaphore, #tpu.memory_space<semaphore_mem>>) src(%dma_wait3A_957 : memref<32x128xf32, #tpu.memory_space<hbm>>) dst(%arg25 : memref<32x128xf32, #tpu.memory_space<vmem>>)
      %dma_wait3A_958 = arith.constant 0 : i32
      %dma_wait3A_959 = tpu.memref_slice %arg7[%dma_wait3A_958, %multiple_of3A_807] : memref<32x1000000xf32, #tpu.memory_space<hbm>> -> memref<32x128xf32, #tpu.memory_space<hbm>>
      %dma_wait3A_960 = arith.constant 0 : i32
      %dma_wait3A_961 = tpu.memref_slice %arg7[%dma_wait3A_960, %multiple_of3A_807] : memref<32x1000000xf32, #tpu.memory_space<hbm>> -> memref<32x128xf32, #tpu.memory_space<hbm>>
      tpu.wait_dma2 semaphore(%arg31 : memref<!tpu.dma_semaphore, #tpu.memory_space<semaphore_mem>>) src(%dma_wait3A_961 : memref<32x128xf32, #tpu.memory_space<hbm>>) dst(%arg28 : memref<32x128xf32, #tpu.memory_space<vmem>>)
      %mul3A_962 = arith.constant 16 : i32
      %mul3A_963 = arith.muli %scan3A_12, %mul3A_962 : i32
      %add3A_964 = arith.constant 13 : i32
      %add3A_965 = arith.addi %mul3A_963, %add3A_964 : i32
      %broadcast_in_dim3A_966 = vector.broadcast %add3A_965 : i32 to vector<16xi32>
      %and3A_967 = arith.constant 127 : i32
      %and3A_968 = arith.andi %squeeze3A_46, %and3A_967 : i32
      %broadcast_in_dim3A_969 = vector.broadcast %and3A_968 : i32 to vector<16xi32>
      %and3A_970 = arith.constant 127 : i32
      %and3A_971 = arith.andi %squeeze3A_78, %and3A_970 : i32
      %broadcast_in_dim3A_972 = vector.broadcast %and3A_971 : i32 to vector<16xi32>
      %gather3A_973 = tpu.vector_load_idx %arg19[%iota3A, %broadcast_in_dim3A_969] : memref<32x128xf32, #tpu.memory_space<vmem>>[vector<16xi32>, vector<16xi32>], vector<16xf32>,
      %gather3A_974 = tpu.vector_load_idx %arg19[%add3A_5, %broadcast_in_dim3A_969] : memref<32x128xf32, #tpu.memory_space<vmem>>[vector<16xi32>, vector<16xi32>], vector<16xf32>,
      tpu.vector_store_idx %arg14[%iota3A, %broadcast_in_dim3A_966], %gather3A_973 : memref<32x512xf32, #tpu.memory_space<vmem>>[vector<16xi32>, vector<16xi32>], vector<16xf32>,
      tpu.vector_store_idx %arg14[%add3A_5, %broadcast_in_dim3A_966], %gather3A_974 : memref<32x512xf32, #tpu.memory_space<vmem>>[vector<16xi32>, vector<16xi32>], vector<16xf32>,
      %gather3A_975 = tpu.vector_load_idx %arg22[%iota3A, %broadcast_in_dim3A_969] : memref<32x128xf32, #tpu.memory_space<vmem>>[vector<16xi32>, vector<16xi32>], vector<16xf32>,
      %gather3A_976 = tpu.vector_load_idx %arg22[%add3A_5, %broadcast_in_dim3A_969] : memref<32x128xf32, #tpu.memory_space<vmem>>[vector<16xi32>, vector<16xi32>], vector<16xf32>,
      tpu.vector_store_idx %arg16[%iota3A, %broadcast_in_dim3A_966], %gather3A_975 : memref<32x512xf32, #tpu.memory_space<vmem>>[vector<16xi32>, vector<16xi32>], vector<16xf32>,
      tpu.vector_store_idx %arg16[%add3A_5, %broadcast_in_dim3A_966], %gather3A_976 : memref<32x512xf32, #tpu.memory_space<vmem>>[vector<16xi32>, vector<16xi32>], vector<16xf32>,
      %gather3A_977 = tpu.vector_load_idx %arg25[%iota3A, %broadcast_in_dim3A_972] : memref<32x128xf32, #tpu.memory_space<vmem>>[vector<16xi32>, vector<16xi32>], vector<16xf32>,
      %gather3A_978 = tpu.vector_load_idx %arg25[%add3A_5, %broadcast_in_dim3A_972] : memref<32x128xf32, #tpu.memory_space<vmem>>[vector<16xi32>, vector<16xi32>], vector<16xf32>,
      tpu.vector_store_idx %arg15[%iota3A, %broadcast_in_dim3A_966], %gather3A_977 : memref<32x512xf32, #tpu.memory_space<vmem>>[vector<16xi32>, vector<16xi32>], vector<16xf32>,
      tpu.vector_store_idx %arg15[%add3A_5, %broadcast_in_dim3A_966], %gather3A_978 : memref<32x512xf32, #tpu.memory_space<vmem>>[vector<16xi32>, vector<16xi32>], vector<16xf32>,
      %gather3A_979 = tpu.vector_load_idx %arg28[%iota3A, %broadcast_in_dim3A_972] : memref<32x128xf32, #tpu.memory_space<vmem>>[vector<16xi32>, vector<16xi32>], vector<16xf32>,
      %gather3A_980 = tpu.vector_load_idx %arg28[%add3A_5, %broadcast_in_dim3A_972] : memref<32x128xf32, #tpu.memory_space<vmem>>[vector<16xi32>, vector<16xi32>], vector<16xf32>,
      tpu.vector_store_idx %arg17[%iota3A, %broadcast_in_dim3A_966], %gather3A_979 : memref<32x512xf32, #tpu.memory_space<vmem>>[vector<16xi32>, vector<16xi32>], vector<16xf32>,
      tpu.vector_store_idx %arg17[%add3A_5, %broadcast_in_dim3A_966], %gather3A_980 : memref<32x512xf32, #tpu.memory_space<vmem>>[vector<16xi32>, vector<16xi32>], vector<16xf32>,
      %dma_wait3A_981 = arith.constant 0 : i32
      %dma_wait3A_982 = tpu.memref_slice %arg4[%dma_wait3A_981, %multiple_of3A_863] : memref<32x1000000xf32, #tpu.memory_space<hbm>> -> memref<32x128xf32, #tpu.memory_space<hbm>>
      %dma_wait3A_983 = arith.constant 0 : i32
      %dma_wait3A_984 = tpu.memref_slice %arg4[%dma_wait3A_983, %multiple_of3A_863] : memref<32x1000000xf32, #tpu.memory_space<hbm>> -> memref<32x128xf32, #tpu.memory_space<hbm>>
      tpu.wait_dma2 semaphore(%arg32 : memref<!tpu.dma_semaphore, #tpu.memory_space<semaphore_mem>>) src(%dma_wait3A_984 : memref<32x128xf32, #tpu.memory_space<hbm>>) dst(%arg20 : memref<32x128xf32, #tpu.memory_space<vmem>>)
      %dma_wait3A_985 = arith.constant 0 : i32
      %dma_wait3A_986 = tpu.memref_slice %arg6[%dma_wait3A_985, %multiple_of3A_863] : memref<32x1000000xf32, #tpu.memory_space<hbm>> -> memref<32x128xf32, #tpu.memory_space<hbm>>
      %dma_wait3A_987 = arith.constant 0 : i32
      %dma_wait3A_988 = tpu.memref_slice %arg6[%dma_wait3A_987, %multiple_of3A_863] : memref<32x1000000xf32, #tpu.memory_space<hbm>> -> memref<32x128xf32, #tpu.memory_space<hbm>>
      tpu.wait_dma2 semaphore(%arg32 : memref<!tpu.dma_semaphore, #tpu.memory_space<semaphore_mem>>) src(%dma_wait3A_988 : memref<32x128xf32, #tpu.memory_space<hbm>>) dst(%arg23 : memref<32x128xf32, #tpu.memory_space<vmem>>)
      %dma_wait3A_989 = arith.constant 0 : i32
      %dma_wait3A_990 = tpu.memref_slice %arg5[%dma_wait3A_989, %multiple_of3A_868] : memref<32x1000000xf32, #tpu.memory_space<hbm>> -> memref<32x128xf32, #tpu.memory_space<hbm>>
      %dma_wait3A_991 = arith.constant 0 : i32
      %dma_wait3A_992 = tpu.memref_slice %arg5[%dma_wait3A_991, %multiple_of3A_868] : memref<32x1000000xf32, #tpu.memory_space<hbm>> -> memref<32x128xf32, #tpu.memory_space<hbm>>
      tpu.wait_dma2 semaphore(%arg32 : memref<!tpu.dma_semaphore, #tpu.memory_space<semaphore_mem>>) src(%dma_wait3A_992 : memref<32x128xf32, #tpu.memory_space<hbm>>) dst(%arg26 : memref<32x128xf32, #tpu.memory_space<vmem>>)
      %dma_wait3A_993 = arith.constant 0 : i32
      %dma_wait3A_994 = tpu.memref_slice %arg7[%dma_wait3A_993, %multiple_of3A_868] : memref<32x1000000xf32, #tpu.memory_space<hbm>> -> memref<32x128xf32, #tpu.memory_space<hbm>>
      %dma_wait3A_995 = arith.constant 0 : i32
      %dma_wait3A_996 = tpu.memref_slice %arg7[%dma_wait3A_995, %multiple_of3A_868] : memref<32x1000000xf32, #tpu.memory_space<hbm>> -> memref<32x128xf32, #tpu.memory_space<hbm>>
      tpu.wait_dma2 semaphore(%arg32 : memref<!tpu.dma_semaphore, #tpu.memory_space<semaphore_mem>>) src(%dma_wait3A_996 : memref<32x128xf32, #tpu.memory_space<hbm>>) dst(%arg29 : memref<32x128xf32, #tpu.memory_space<vmem>>)
      %mul3A_997 = arith.constant 16 : i32
      %mul3A_998 = arith.muli %scan3A_12, %mul3A_997 : i32
      %add3A_999 = arith.constant 14 : i32
      %add3A_1000 = arith.addi %mul3A_998, %add3A_999 : i32
      %broadcast_in_dim3A_1001 = vector.broadcast %add3A_1000 : i32 to vector<16xi32>
      %and3A_1002 = arith.constant 127 : i32
      %and3A_1003 = arith.andi %squeeze3A_48, %and3A_1002 : i32
      %broadcast_in_dim3A_1004 = vector.broadcast %and3A_1003 : i32 to vector<16xi32>
      %and3A_1005 = arith.constant 127 : i32
      %and3A_1006 = arith.andi %squeeze3A_80, %and3A_1005 : i32
      %broadcast_in_dim3A_1007 = vector.broadcast %and3A_1006 : i32 to vector<16xi32>
      %gather3A_1008 = tpu.vector_load_idx %arg20[%iota3A, %broadcast_in_dim3A_1004] : memref<32x128xf32, #tpu.memory_space<vmem>>[vector<16xi32>, vector<16xi32>], vector<16xf32>,
      %gather3A_1009 = tpu.vector_load_idx %arg20[%add3A_5, %broadcast_in_dim3A_1004] : memref<32x128xf32, #tpu.memory_space<vmem>>[vector<16xi32>, vector<16xi32>], vector<16xf32>,
      tpu.vector_store_idx %arg14[%iota3A, %broadcast_in_dim3A_1001], %gather3A_1008 : memref<32x512xf32, #tpu.memory_space<vmem>>[vector<16xi32>, vector<16xi32>], vector<16xf32>,
      tpu.vector_store_idx %arg14[%add3A_5, %broadcast_in_dim3A_1001], %gather3A_1009 : memref<32x512xf32, #tpu.memory_space<vmem>>[vector<16xi32>, vector<16xi32>], vector<16xf32>,
      %gather3A_1010 = tpu.vector_load_idx %arg23[%iota3A, %broadcast_in_dim3A_1004] : memref<32x128xf32, #tpu.memory_space<vmem>>[vector<16xi32>, vector<16xi32>], vector<16xf32>,
      %gather3A_1011 = tpu.vector_load_idx %arg23[%add3A_5, %broadcast_in_dim3A_1004] : memref<32x128xf32, #tpu.memory_space<vmem>>[vector<16xi32>, vector<16xi32>], vector<16xf32>,
      tpu.vector_store_idx %arg16[%iota3A, %broadcast_in_dim3A_1001], %gather3A_1010 : memref<32x512xf32, #tpu.memory_space<vmem>>[vector<16xi32>, vector<16xi32>], vector<16xf32>,
      tpu.vector_store_idx %arg16[%add3A_5, %broadcast_in_dim3A_1001], %gather3A_1011 : memref<32x512xf32, #tpu.memory_space<vmem>>[vector<16xi32>, vector<16xi32>], vector<16xf32>,
      %gather3A_1012 = tpu.vector_load_idx %arg26[%iota3A, %broadcast_in_dim3A_1007] : memref<32x128xf32, #tpu.memory_space<vmem>>[vector<16xi32>, vector<16xi32>], vector<16xf32>,
      %gather3A_1013 = tpu.vector_load_idx %arg26[%add3A_5, %broadcast_in_dim3A_1007] : memref<32x128xf32, #tpu.memory_space<vmem>>[vector<16xi32>, vector<16xi32>], vector<16xf32>,
      tpu.vector_store_idx %arg15[%iota3A, %broadcast_in_dim3A_1001], %gather3A_1012 : memref<32x512xf32, #tpu.memory_space<vmem>>[vector<16xi32>, vector<16xi32>], vector<16xf32>,
      tpu.vector_store_idx %arg15[%add3A_5, %broadcast_in_dim3A_1001], %gather3A_1013 : memref<32x512xf32, #tpu.memory_space<vmem>>[vector<16xi32>, vector<16xi32>], vector<16xf32>,
      %gather3A_1014 = tpu.vector_load_idx %arg29[%iota3A, %broadcast_in_dim3A_1007] : memref<32x128xf32, #tpu.memory_space<vmem>>[vector<16xi32>, vector<16xi32>], vector<16xf32>,
      %gather3A_1015 = tpu.vector_load_idx %arg29[%add3A_5, %broadcast_in_dim3A_1007] : memref<32x128xf32, #tpu.memory_space<vmem>>[vector<16xi32>, vector<16xi32>], vector<16xf32>,
      tpu.vector_store_idx %arg17[%iota3A, %broadcast_in_dim3A_1001], %gather3A_1014 : memref<32x512xf32, #tpu.memory_space<vmem>>[vector<16xi32>, vector<16xi32>], vector<16xf32>,
      tpu.vector_store_idx %arg17[%add3A_5, %broadcast_in_dim3A_1001], %gather3A_1015 : memref<32x512xf32, #tpu.memory_space<vmem>>[vector<16xi32>, vector<16xi32>], vector<16xf32>,
      %dma_wait3A_1016 = arith.constant 0 : i32
      %dma_wait3A_1017 = tpu.memref_slice %arg4[%dma_wait3A_1016, %multiple_of3A_924] : memref<32x1000000xf32, #tpu.memory_space<hbm>> -> memref<32x128xf32, #tpu.memory_space<hbm>>
      %dma_wait3A_1018 = arith.constant 0 : i32
      %dma_wait3A_1019 = tpu.memref_slice %arg4[%dma_wait3A_1018, %multiple_of3A_924] : memref<32x1000000xf32, #tpu.memory_space<hbm>> -> memref<32x128xf32, #tpu.memory_space<hbm>>
      tpu.wait_dma2 semaphore(%arg30 : memref<!tpu.dma_semaphore, #tpu.memory_space<semaphore_mem>>) src(%dma_wait3A_1019 : memref<32x128xf32, #tpu.memory_space<hbm>>) dst(%arg18 : memref<32x128xf32, #tpu.memory_space<vmem>>)
      %dma_wait3A_1020 = arith.constant 0 : i32
      %dma_wait3A_1021 = tpu.memref_slice %arg6[%dma_wait3A_1020, %multiple_of3A_924] : memref<32x1000000xf32, #tpu.memory_space<hbm>> -> memref<32x128xf32, #tpu.memory_space<hbm>>
      %dma_wait3A_1022 = arith.constant 0 : i32
      %dma_wait3A_1023 = tpu.memref_slice %arg6[%dma_wait3A_1022, %multiple_of3A_924] : memref<32x1000000xf32, #tpu.memory_space<hbm>> -> memref<32x128xf32, #tpu.memory_space<hbm>>
      tpu.wait_dma2 semaphore(%arg30 : memref<!tpu.dma_semaphore, #tpu.memory_space<semaphore_mem>>) src(%dma_wait3A_1023 : memref<32x128xf32, #tpu.memory_space<hbm>>) dst(%arg21 : memref<32x128xf32, #tpu.memory_space<vmem>>)
      %dma_wait3A_1024 = arith.constant 0 : i32
      %dma_wait3A_1025 = tpu.memref_slice %arg5[%dma_wait3A_1024, %multiple_of3A_929] : memref<32x1000000xf32, #tpu.memory_space<hbm>> -> memref<32x128xf32, #tpu.memory_space<hbm>>
      %dma_wait3A_1026 = arith.constant 0 : i32
      %dma_wait3A_1027 = tpu.memref_slice %arg5[%dma_wait3A_1026, %multiple_of3A_929] : memref<32x1000000xf32, #tpu.memory_space<hbm>> -> memref<32x128xf32, #tpu.memory_space<hbm>>
      tpu.wait_dma2 semaphore(%arg30 : memref<!tpu.dma_semaphore, #tpu.memory_space<semaphore_mem>>) src(%dma_wait3A_1027 : memref<32x128xf32, #tpu.memory_space<hbm>>) dst(%arg24 : memref<32x128xf32, #tpu.memory_space<vmem>>)
      %dma_wait3A_1028 = arith.constant 0 : i32
      %dma_wait3A_1029 = tpu.memref_slice %arg7[%dma_wait3A_1028, %multiple_of3A_929] : memref<32x1000000xf32, #tpu.memory_space<hbm>> -> memref<32x128xf32, #tpu.memory_space<hbm>>
      %dma_wait3A_1030 = arith.constant 0 : i32
      %dma_wait3A_1031 = tpu.memref_slice %arg7[%dma_wait3A_1030, %multiple_of3A_929] : memref<32x1000000xf32, #tpu.memory_space<hbm>> -> memref<32x128xf32, #tpu.memory_space<hbm>>
      tpu.wait_dma2 semaphore(%arg30 : memref<!tpu.dma_semaphore, #tpu.memory_space<semaphore_mem>>) src(%dma_wait3A_1031 : memref<32x128xf32, #tpu.memory_space<hbm>>) dst(%arg27 : memref<32x128xf32, #tpu.memory_space<vmem>>)
      %mul3A_1032 = arith.constant 16 : i32
      %mul3A_1033 = arith.muli %scan3A_12, %mul3A_1032 : i32
      %add3A_1034 = arith.constant 15 : i32
      %add3A_1035 = arith.addi %mul3A_1033, %add3A_1034 : i32
      %broadcast_in_dim3A_1036 = vector.broadcast %add3A_1035 : i32 to vector<16xi32>
      %and3A_1037 = arith.constant 127 : i32
      %and3A_1038 = arith.andi %squeeze3A_50, %and3A_1037 : i32
      %broadcast_in_dim3A_1039 = vector.broadcast %and3A_1038 : i32 to vector<16xi32>
      %and3A_1040 = arith.constant 127 : i32
      %and3A_1041 = arith.andi %squeeze3A_82, %and3A_1040 : i32
      %broadcast_in_dim3A_1042 = vector.broadcast %and3A_1041 : i32 to vector<16xi32>
      %gather3A_1043 = tpu.vector_load_idx %arg18[%iota3A, %broadcast_in_dim3A_1039] : memref<32x128xf32, #tpu.memory_space<vmem>>[vector<16xi32>, vector<16xi32>], vector<16xf32>,
      %gather3A_1044 = tpu.vector_load_idx %arg18[%add3A_5, %broadcast_in_dim3A_1039] : memref<32x128xf32, #tpu.memory_space<vmem>>[vector<16xi32>, vector<16xi32>], vector<16xf32>,
      tpu.vector_store_idx %arg14[%iota3A, %broadcast_in_dim3A_1036], %gather3A_1043 : memref<32x512xf32, #tpu.memory_space<vmem>>[vector<16xi32>, vector<16xi32>], vector<16xf32>,
      tpu.vector_store_idx %arg14[%add3A_5, %broadcast_in_dim3A_1036], %gather3A_1044 : memref<32x512xf32, #tpu.memory_space<vmem>>[vector<16xi32>, vector<16xi32>], vector<16xf32>,
      %gather3A_1045 = tpu.vector_load_idx %arg21[%iota3A, %broadcast_in_dim3A_1039] : memref<32x128xf32, #tpu.memory_space<vmem>>[vector<16xi32>, vector<16xi32>], vector<16xf32>,
      %gather3A_1046 = tpu.vector_load_idx %arg21[%add3A_5, %broadcast_in_dim3A_1039] : memref<32x128xf32, #tpu.memory_space<vmem>>[vector<16xi32>, vector<16xi32>], vector<16xf32>,
      tpu.vector_store_idx %arg16[%iota3A, %broadcast_in_dim3A_1036], %gather3A_1045 : memref<32x512xf32, #tpu.memory_space<vmem>>[vector<16xi32>, vector<16xi32>], vector<16xf32>,
      tpu.vector_store_idx %arg16[%add3A_5, %broadcast_in_dim3A_1036], %gather3A_1046 : memref<32x512xf32, #tpu.memory_space<vmem>>[vector<16xi32>, vector<16xi32>], vector<16xf32>,
      %gather3A_1047 = tpu.vector_load_idx %arg24[%iota3A, %broadcast_in_dim3A_1042] : memref<32x128xf32, #tpu.memory_space<vmem>>[vector<16xi32>, vector<16xi32>], vector<16xf32>,
      %gather3A_1048 = tpu.vector_load_idx %arg24[%add3A_5, %broadcast_in_dim3A_1042] : memref<32x128xf32, #tpu.memory_space<vmem>>[vector<16xi32>, vector<16xi32>], vector<16xf32>,
      tpu.vector_store_idx %arg15[%iota3A, %broadcast_in_dim3A_1036], %gather3A_1047 : memref<32x512xf32, #tpu.memory_space<vmem>>[vector<16xi32>, vector<16xi32>], vector<16xf32>,
      tpu.vector_store_idx %arg15[%add3A_5, %broadcast_in_dim3A_1036], %gather3A_1048 : memref<32x512xf32, #tpu.memory_space<vmem>>[vector<16xi32>, vector<16xi32>], vector<16xf32>,
      %gather3A_1049 = tpu.vector_load_idx %arg27[%iota3A, %broadcast_in_dim3A_1042] : memref<32x128xf32, #tpu.memory_space<vmem>>[vector<16xi32>, vector<16xi32>], vector<16xf32>,
      %gather3A_1050 = tpu.vector_load_idx %arg27[%add3A_5, %broadcast_in_dim3A_1042] : memref<32x128xf32, #tpu.memory_space<vmem>>[vector<16xi32>, vector<16xi32>], vector<16xf32>,
      tpu.vector_store_idx %arg17[%iota3A, %broadcast_in_dim3A_1036], %gather3A_1049 : memref<32x512xf32, #tpu.memory_space<vmem>>[vector<16xi32>, vector<16xi32>], vector<16xf32>,
      tpu.vector_store_idx %arg17[%add3A_5, %broadcast_in_dim3A_1036], %gather3A_1050 : memref<32x512xf32, #tpu.memory_space<vmem>>[vector<16xi32>, vector<16xi32>], vector<16xf32>,
      %scan3A_1051 = arith.constant 0 : i32
      scf.yield %scan3A_1051 : i32
    }
    %scan3A_11 = arith.constant 32 : i32
    "tpu.region"() ({
      %run_scoped3A = tpu.sem_alloc : memref<!tpu.dma_semaphore, #tpu.memory_space<semaphore_mem>>
      %dma_start3A = arith.constant 0 : i32
      %dma_start3A_12 = tpu.memref_slice %arg8[%dma_start3A, %mul3A_2] : memref<32x16384xf32, #tpu.memory_space<hbm>> -> memref<32x512xf32, #tpu.memory_space<hbm>>
      %dma_start3A_13 = arith.constant 0 : i32
      %dma_start3A_14 = tpu.memref_slice %arg8[%dma_start3A_13, %mul3A_2] : memref<32x16384xf32, #tpu.memory_space<hbm>> -> memref<32x512xf32, #tpu.memory_space<hbm>>
      tpu.enqueue_dma source(%arg14 : memref<32x512xf32, #tpu.memory_space<vmem>>) target(%dma_start3A_14 : memref<32x512xf32, #tpu.memory_space<hbm>>) target_semaphore(%run_scoped3A : memref<!tpu.dma_semaphore, #tpu.memory_space<semaphore_mem>>)
      %dma_wait3A = arith.constant 0 : i32
      %dma_wait3A_15 = tpu.memref_slice %arg8[%dma_wait3A, %mul3A_2] : memref<32x16384xf32, #tpu.memory_space<hbm>> -> memref<32x512xf32, #tpu.memory_space<hbm>>
      %dma_wait3A_16 = arith.constant 0 : i32
      %dma_wait3A_17 = tpu.memref_slice %arg8[%dma_wait3A_16, %mul3A_2] : memref<32x16384xf32, #tpu.memory_space<hbm>> -> memref<32x512xf32, #tpu.memory_space<hbm>>
      tpu.wait_dma2 semaphore(%run_scoped3A : memref<!tpu.dma_semaphore, #tpu.memory_space<semaphore_mem>>) src(%arg14 : memref<32x512xf32, #tpu.memory_space<vmem>>) dst(%dma_wait3A_17 : memref<32x512xf32, #tpu.memory_space<hbm>>)
      tpu.yield
    }) : () -> ()
    "tpu.region"() ({
      %run_scoped3A = tpu.sem_alloc : memref<!tpu.dma_semaphore, #tpu.memory_space<semaphore_mem>>
      %dma_start3A = arith.constant 0 : i32
      %dma_start3A_12 = tpu.memref_slice %arg10[%dma_start3A, %mul3A_2] : memref<32x16384xf32, #tpu.memory_space<hbm>> -> memref<32x512xf32, #tpu.memory_space<hbm>>
      %dma_start3A_13 = arith.constant 0 : i32
      %dma_start3A_14 = tpu.memref_slice %arg10[%dma_start3A_13, %mul3A_2] : memref<32x16384xf32, #tpu.memory_space<hbm>> -> memref<32x512xf32, #tpu.memory_space<hbm>>
      tpu.enqueue_dma source(%arg16 : memref<32x512xf32, #tpu.memory_space<vmem>>) target(%dma_start3A_14 : memref<32x512xf32, #tpu.memory_space<hbm>>) target_semaphore(%run_scoped3A : memref<!tpu.dma_semaphore, #tpu.memory_space<semaphore_mem>>)
      %dma_wait3A = arith.constant 0 : i32
      %dma_wait3A_15 = tpu.memref_slice %arg10[%dma_wait3A, %mul3A_2] : memref<32x16384xf32, #tpu.memory_space<hbm>> -> memref<32x512xf32, #tpu.memory_space<hbm>>
      %dma_wait3A_16 = arith.constant 0 : i32
      %dma_wait3A_17 = tpu.memref_slice %arg10[%dma_wait3A_16, %mul3A_2] : memref<32x16384xf32, #tpu.memory_space<hbm>> -> memref<32x512xf32, #tpu.memory_space<hbm>>
      tpu.wait_dma2 semaphore(%run_scoped3A : memref<!tpu.dma_semaphore, #tpu.memory_space<semaphore_mem>>) src(%arg16 : memref<32x512xf32, #tpu.memory_space<vmem>>) dst(%dma_wait3A_17 : memref<32x512xf32, #tpu.memory_space<hbm>>)
      tpu.yield
    }) : () -> ()
    "tpu.region"() ({
      %run_scoped3A = tpu.sem_alloc : memref<!tpu.dma_semaphore, #tpu.memory_space<semaphore_mem>>
      %dma_start3A = arith.constant 0 : i32
      %dma_start3A_12 = tpu.memref_slice %arg9[%dma_start3A, %mul3A_2] : memref<32x16384xf32, #tpu.memory_space<hbm>> -> memref<32x512xf32, #tpu.memory_space<hbm>>
      %dma_start3A_13 = arith.constant 0 : i32
      %dma_start3A_14 = tpu.memref_slice %arg9[%dma_start3A_13, %mul3A_2] : memref<32x16384xf32, #tpu.memory_space<hbm>> -> memref<32x512xf32, #tpu.memory_space<hbm>>
      tpu.enqueue_dma source(%arg15 : memref<32x512xf32, #tpu.memory_space<vmem>>) target(%dma_start3A_14 : memref<32x512xf32, #tpu.memory_space<hbm>>) target_semaphore(%run_scoped3A : memref<!tpu.dma_semaphore, #tpu.memory_space<semaphore_mem>>)
      %dma_wait3A = arith.constant 0 : i32
      %dma_wait3A_15 = tpu.memref_slice %arg9[%dma_wait3A, %mul3A_2] : memref<32x16384xf32, #tpu.memory_space<hbm>> -> memref<32x512xf32, #tpu.memory_space<hbm>>
      %dma_wait3A_16 = arith.constant 0 : i32
      %dma_wait3A_17 = tpu.memref_slice %arg9[%dma_wait3A_16, %mul3A_2] : memref<32x16384xf32, #tpu.memory_space<hbm>> -> memref<32x512xf32, #tpu.memory_space<hbm>>
      tpu.wait_dma2 semaphore(%run_scoped3A : memref<!tpu.dma_semaphore, #tpu.memory_space<semaphore_mem>>) src(%arg15 : memref<32x512xf32, #tpu.memory_space<vmem>>) dst(%dma_wait3A_17 : memref<32x512xf32, #tpu.memory_space<hbm>>)
      tpu.yield
    }) : () -> ()
    "tpu.region"() ({
      %run_scoped3A = tpu.sem_alloc : memref<!tpu.dma_semaphore, #tpu.memory_space<semaphore_mem>>
      %dma_start3A = arith.constant 0 : i32
      %dma_start3A_12 = tpu.memref_slice %arg11[%dma_start3A, %mul3A_2] : memref<32x16384xf32, #tpu.memory_space<hbm>> -> memref<32x512xf32, #tpu.memory_space<hbm>>
      %dma_start3A_13 = arith.constant 0 : i32
      %dma_start3A_14 = tpu.memref_slice %arg11[%dma_start3A_13, %mul3A_2] : memref<32x16384xf32, #tpu.memory_space<hbm>> -> memref<32x512xf32, #tpu.memory_space<hbm>>
      tpu.enqueue_dma source(%arg17 : memref<32x512xf32, #tpu.memory_space<vmem>>) target(%dma_start3A_14 : memref<32x512xf32, #tpu.memory_space<hbm>>) target_semaphore(%run_scoped3A : memref<!tpu.dma_semaphore, #tpu.memory_space<semaphore_mem>>)
      %dma_wait3A = arith.constant 0 : i32
      %dma_wait3A_15 = tpu.memref_slice %arg11[%dma_wait3A, %mul3A_2] : memref<32x16384xf32, #tpu.memory_space<hbm>> -> memref<32x512xf32, #tpu.memory_space<hbm>>
      %dma_wait3A_16 = arith.constant 0 : i32
      %dma_wait3A_17 = tpu.memref_slice %arg11[%dma_wait3A_16, %mul3A_2] : memref<32x16384xf32, #tpu.memory_space<hbm>> -> memref<32x512xf32, #tpu.memory_space<hbm>>
      tpu.wait_dma2 semaphore(%run_scoped3A : memref<!tpu.dma_semaphore, #tpu.memory_space<semaphore_mem>>) src(%arg17 : memref<32x512xf32, #tpu.memory_space<vmem>>) dst(%dma_wait3A_17 : memref<32x512xf32, #tpu.memory_space<hbm>>)
      tpu.yield
    }) : () -> ()
    return
  }
}

module attributes {stable_mosaic.version = 14 : i64} {
  func.func @body(%arg0: i32, %arg1: memref<32x8192xf32, #tpu.memory_space<vmem>>, %arg2: memref<32x8192xf32, #tpu.memory_space<vmem>>, %arg3: memref<32x8192xf32, #tpu.memory_space<vmem>>, %arg4: memref<32x8192xf32, #tpu.memory_space<vmem>>, %arg5: memref<128x64xf32, #tpu.memory_space<vmem>>, %arg6: memref<128x1xf32, #tpu.memory_space<vmem>>, %arg7: memref<64x128xf32, #tpu.memory_space<vmem>>, %arg8: memref<64x1xf32, #tpu.memory_space<vmem>>, %arg9: memref<32x64xf32, #tpu.memory_space<vmem>>, %arg10: memref<32x1xf32, #tpu.memory_space<vmem>>, %arg11: memref<1x32xf32, #tpu.memory_space<vmem>>, %arg12: memref<1x32xf32, #tpu.memory_space<vmem>>, %arg13: memref<1x1xf32, #tpu.memory_space<vmem>>, %arg14: memref<1x8192xf32, #tpu.memory_space<vmem>>) attributes {dimension_semantics = [#tpu.dimension_semantics<arbitrary>], iteration_bounds = array<i64: 2>, scalar_prefetch = 0 : i64, scratch_operands = 0 : i64, tpu.core_type = #tpu.core_type<tc>, window_params = [{transform_indices = @transform_0, window_bounds = array<i64: 32, 8192>}, {transform_indices = @transform_1, window_bounds = array<i64: 32, 8192>}, {transform_indices = @transform_2, window_bounds = array<i64: 32, 8192>}, {transform_indices = @transform_3, window_bounds = array<i64: 32, 8192>}, {pipeline_mode = #tpu.pipeline_mode<synchronous>, transform_indices = @transform_4, window_bounds = array<i64: 128, 64>}, {pipeline_mode = #tpu.pipeline_mode<synchronous>, transform_indices = @transform_5, window_bounds = array<i64: 128, 1>}, {pipeline_mode = #tpu.pipeline_mode<synchronous>, transform_indices = @transform_6, window_bounds = array<i64: 64, 128>}, {pipeline_mode = #tpu.pipeline_mode<synchronous>, transform_indices = @transform_7, window_bounds = array<i64: 64, 1>}, {pipeline_mode = #tpu.pipeline_mode<synchronous>, transform_indices = @transform_8, window_bounds = array<i64: 32, 64>}, {pipeline_mode = #tpu.pipeline_mode<synchronous>, transform_indices = @transform_9, window_bounds = array<i64: 32, 1>}, {pipeline_mode = #tpu.pipeline_mode<synchronous>, transform_indices = @transform_10, window_bounds = array<i64: 1, 32>}, {pipeline_mode = #tpu.pipeline_mode<synchronous>, transform_indices = @transform_11, window_bounds = array<i64: 1, 32>}, {pipeline_mode = #tpu.pipeline_mode<synchronous>, transform_indices = @transform_12, window_bounds = array<i64: 1, 1>}, {transform_indices = @transform_13, window_bounds = array<i64: 1, 8192>}]} {
    %get3A = arith.constant 0 : index
    %get3A_0 = arith.constant 0 : index
    %get3A_1 = vector.load %arg1[%get3A, %get3A_0] : memref<32x8192xf32, #tpu.memory_space<vmem>>, vector<32x8192xf32>
    %get3A_2 = arith.constant 0 : index
    %get3A_3 = arith.constant 0 : index
    %get3A_4 = vector.load %arg2[%get3A_2, %get3A_3] : memref<32x8192xf32, #tpu.memory_space<vmem>>, vector<32x8192xf32>
    %mul3A = arith.mulf %get3A_1, %get3A_4 : vector<32x8192xf32>
    %get3A_5 = arith.constant 0 : index
    %get3A_6 = arith.constant 0 : index
    %get3A_7 = vector.load %arg3[%get3A_5, %get3A_6] : memref<32x8192xf32, #tpu.memory_space<vmem>>, vector<32x8192xf32>
    %get3A_8 = arith.constant 0 : index
    %get3A_9 = arith.constant 0 : index
    %get3A_10 = vector.load %arg4[%get3A_8, %get3A_9] : memref<32x8192xf32, #tpu.memory_space<vmem>>, vector<32x8192xf32>
    %concatenate3A = tpu.concatenate %get3A_7, %get3A_10 in 0 : vector<32x8192xf32>, vector<32x8192xf32> -> vector<64x8192xf32>
    %get3A_11 = arith.constant 0 : index
    %get3A_12 = arith.constant 0 : index
    %get3A_13 = vector.load %arg5[%get3A_11, %get3A_12] : memref<128x64xf32, #tpu.memory_space<vmem>>, vector<128x64xf32>
    %dot_general3A = arith.constant dense<0.000000e+00> : vector<128x8192xf32>
    %dot_general3A_14 = tpu.matmul %get3A_13, %concatenate3A, %dot_general3A {dimension_numbers = #tpu.dot_dimension_numbers<[1], [0], [0], [1], [0, 0, 1, 1], [], []>, transpose_lhs_hint = false} : vector<128x64xf32>, vector<64x8192xf32>, vector<128x8192xf32> -> vector<128x8192xf32>
    %get3A_15 = arith.constant 0 : index
    %get3A_16 = arith.constant 0 : index
    %get3A_17 = vector.load %arg6[%get3A_15, %get3A_16] : memref<128x1xf32, #tpu.memory_space<vmem>>, vector<128x1xf32>
    %add3A = vector.broadcast %get3A_17 : vector<128x1xf32> to vector<128x8192xf32>
    %add3A_18 = arith.addf %dot_general3A_14, %add3A : vector<128x8192xf32>
    %max3A = arith.constant 0.000000e+00 : f32
    %max3A_19 = vector.broadcast %max3A : f32 to vector<128x8192xf32>
    %max3A_20 = arith.maximumf %add3A_18, %max3A_19 : vector<128x8192xf32>
    %get3A_21 = arith.constant 0 : index
    %get3A_22 = arith.constant 0 : index
    %get3A_23 = vector.load %arg7[%get3A_21, %get3A_22] : memref<64x128xf32, #tpu.memory_space<vmem>>, vector<64x128xf32>
    %dot_general3A_24 = arith.constant dense<0.000000e+00> : vector<64x8192xf32>
    %dot_general3A_25 = tpu.matmul %get3A_23, %max3A_20, %dot_general3A_24 {dimension_numbers = #tpu.dot_dimension_numbers<[1], [0], [0], [1], [0, 0, 1, 1], [], []>, transpose_lhs_hint = false} : vector<64x128xf32>, vector<128x8192xf32>, vector<64x8192xf32> -> vector<64x8192xf32>
    %get3A_26 = arith.constant 0 : index
    %get3A_27 = arith.constant 0 : index
    %get3A_28 = vector.load %arg8[%get3A_26, %get3A_27] : memref<64x1xf32, #tpu.memory_space<vmem>>, vector<64x1xf32>
    %add3A_29 = vector.broadcast %get3A_28 : vector<64x1xf32> to vector<64x8192xf32>
    %add3A_30 = arith.addf %dot_general3A_25, %add3A_29 : vector<64x8192xf32>
    %max3A_31 = arith.constant 0.000000e+00 : f32
    %max3A_32 = vector.broadcast %max3A_31 : f32 to vector<64x8192xf32>
    %max3A_33 = arith.maximumf %add3A_30, %max3A_32 : vector<64x8192xf32>
    %get3A_34 = arith.constant 0 : index
    %get3A_35 = arith.constant 0 : index
    %get3A_36 = vector.load %arg9[%get3A_34, %get3A_35] : memref<32x64xf32, #tpu.memory_space<vmem>>, vector<32x64xf32>
    %dot_general3A_37 = arith.constant dense<0.000000e+00> : vector<32x8192xf32>
    %dot_general3A_38 = tpu.matmul %get3A_36, %max3A_33, %dot_general3A_37 {dimension_numbers = #tpu.dot_dimension_numbers<[1], [0], [0], [1], [0, 0, 1, 1], [], []>, transpose_lhs_hint = false} : vector<32x64xf32>, vector<64x8192xf32>, vector<32x8192xf32> -> vector<32x8192xf32>
    %get3A_39 = arith.constant 0 : index
    %get3A_40 = arith.constant 0 : index
    %get3A_41 = vector.load %arg10[%get3A_39, %get3A_40] : memref<32x1xf32, #tpu.memory_space<vmem>>, vector<32x1xf32>
    %add3A_42 = vector.broadcast %get3A_41 : vector<32x1xf32> to vector<32x8192xf32>
    %add3A_43 = arith.addf %dot_general3A_38, %add3A_42 : vector<32x8192xf32>
    %max3A_44 = arith.constant 0.000000e+00 : f32
    %max3A_45 = vector.broadcast %max3A_44 : f32 to vector<32x8192xf32>
    %max3A_46 = arith.maximumf %add3A_43, %max3A_45 : vector<32x8192xf32>
    %get3A_47 = arith.constant 0 : index
    %get3A_48 = arith.constant 0 : index
    %get3A_49 = vector.load %arg11[%get3A_47, %get3A_48] : memref<1x32xf32, #tpu.memory_space<vmem>>, vector<1x32xf32>
    %dot_general3A_50 = arith.constant dense<0.000000e+00> : vector<1x8192xf32>
    %dot_general3A_51 = tpu.matmul %get3A_49, %mul3A, %dot_general3A_50 {dimension_numbers = #tpu.dot_dimension_numbers<[1], [0], [0], [1], [0, 0, 1, 1], [], []>, transpose_lhs_hint = false} : vector<1x32xf32>, vector<32x8192xf32>, vector<1x8192xf32> -> vector<1x8192xf32>
    %get3A_52 = arith.constant 0 : index
    %get3A_53 = arith.constant 0 : index
    %get3A_54 = vector.load %arg12[%get3A_52, %get3A_53] : memref<1x32xf32, #tpu.memory_space<vmem>>, vector<1x32xf32>
    %dot_general3A_55 = arith.constant dense<0.000000e+00> : vector<1x8192xf32>
    %dot_general3A_56 = tpu.matmul %get3A_54, %max3A_46, %dot_general3A_55 {dimension_numbers = #tpu.dot_dimension_numbers<[1], [0], [0], [1], [0, 0, 1, 1], [], []>, transpose_lhs_hint = false} : vector<1x32xf32>, vector<32x8192xf32>, vector<1x8192xf32> -> vector<1x8192xf32>
    %add3A_57 = arith.addf %dot_general3A_51, %dot_general3A_56 : vector<1x8192xf32>
    %get3A_58 = arith.constant 0 : index
    %get3A_59 = arith.constant 0 : index
    %get3A_60 = vector.load %arg13[%get3A_58, %get3A_59] : memref<1x1xf32, #tpu.memory_space<vmem>>, vector<1x1xf32>
    %add3A_61 = vector.broadcast %get3A_60 : vector<1x1xf32> to vector<1x8192xf32>
    %add3A_62 = arith.addf %add3A_57, %add3A_61 : vector<1x8192xf32>
    %neg3A = arith.constant 0.000000e+00 : f32
    %neg3A_63 = vector.broadcast %neg3A : f32 to vector<1x8192xf32>
    %neg3A_64 = arith.subf %neg3A_63, %add3A_62 : vector<1x8192xf32>
    %exp3A = math.exp %neg3A_64 : vector<1x8192xf32>
    %add3A_65 = arith.constant 1.000000e+00 : f32
    %add3A_66 = vector.broadcast %add3A_65 : f32 to vector<1x8192xf32>
    %add3A_67 = arith.addf %add3A_66, %exp3A : vector<1x8192xf32>
    %div3A = arith.constant 1.000000e+00 : f32
    %div3A_68 = vector.broadcast %div3A : f32 to vector<1x8192xf32>
    %div3A_69 = arith.divf %div3A_68, %add3A_67 : vector<1x8192xf32>
    %swap3A = arith.constant 0 : index
    %swap3A_70 = arith.constant 0 : index
    %swap3A_71 = vector.load %arg14[%swap3A, %swap3A_70] : memref<1x8192xf32, #tpu.memory_space<vmem>>, vector<1x8192xf32>
    tpu.vector_store %arg14[%swap3A, %swap3A_70], %div3A_69 {strides = array<i32>} : memref<1x8192xf32, #tpu.memory_space<vmem>>, vector<1x8192xf32>,
    return
  }
  func.func @transform_0(%arg0: i32) -> (i32, i32) {
    %c0_i32 = arith.constant 0 : i32
    %c0_i32_0 = arith.constant 0 : i32
    return %c0_i32, %arg0 : i32, i32
  }
  func.func @transform_1(%arg0: i32) -> (i32, i32) {
    %c0_i32 = arith.constant 0 : i32
    %c0_i32_0 = arith.constant 0 : i32
    return %c0_i32, %arg0 : i32, i32
  }
  func.func @transform_2(%arg0: i32) -> (i32, i32) {
    %c0_i32 = arith.constant 0 : i32
    %c0_i32_0 = arith.constant 0 : i32
    return %c0_i32, %arg0 : i32, i32
  }
  func.func @transform_3(%arg0: i32) -> (i32, i32) {
    %c0_i32 = arith.constant 0 : i32
    %c0_i32_0 = arith.constant 0 : i32
    return %c0_i32, %arg0 : i32, i32
  }
  func.func @transform_4(%arg0: i32) -> (i32, i32) {
    %c0_i32 = arith.constant 0 : i32
    %c0_i32_0 = arith.constant 0 : i32
    %c0_i32_1 = arith.constant 0 : i32
    return %c0_i32, %c0_i32_0 : i32, i32
  }
  func.func @transform_5(%arg0: i32) -> (i32, i32) {
    %c0_i32 = arith.constant 0 : i32
    %c0_i32_0 = arith.constant 0 : i32
    %c0_i32_1 = arith.constant 0 : i32
    return %c0_i32, %c0_i32_0 : i32, i32
  }
  func.func @transform_6(%arg0: i32) -> (i32, i32) {
    %c0_i32 = arith.constant 0 : i32
    %c0_i32_0 = arith.constant 0 : i32
    %c0_i32_1 = arith.constant 0 : i32
    return %c0_i32, %c0_i32_0 : i32, i32
  }
  func.func @transform_7(%arg0: i32) -> (i32, i32) {
    %c0_i32 = arith.constant 0 : i32
    %c0_i32_0 = arith.constant 0 : i32
    %c0_i32_1 = arith.constant 0 : i32
    return %c0_i32, %c0_i32_0 : i32, i32
  }
  func.func @transform_8(%arg0: i32) -> (i32, i32) {
    %c0_i32 = arith.constant 0 : i32
    %c0_i32_0 = arith.constant 0 : i32
    %c0_i32_1 = arith.constant 0 : i32
    return %c0_i32, %c0_i32_0 : i32, i32
  }
  func.func @transform_9(%arg0: i32) -> (i32, i32) {
    %c0_i32 = arith.constant 0 : i32
    %c0_i32_0 = arith.constant 0 : i32
    %c0_i32_1 = arith.constant 0 : i32
    return %c0_i32, %c0_i32_0 : i32, i32
  }
  func.func @transform_10(%arg0: i32) -> (i32, i32) {
    %c0_i32 = arith.constant 0 : i32
    %c0_i32_0 = arith.constant 0 : i32
    %c0_i32_1 = arith.constant 0 : i32
    return %c0_i32, %c0_i32_0 : i32, i32
  }
  func.func @transform_11(%arg0: i32) -> (i32, i32) {
    %c0_i32 = arith.constant 0 : i32
    %c0_i32_0 = arith.constant 0 : i32
    %c0_i32_1 = arith.constant 0 : i32
    return %c0_i32, %c0_i32_0 : i32, i32
  }
  func.func @transform_12(%arg0: i32) -> (i32, i32) {
    %c0_i32 = arith.constant 0 : i32
    %c0_i32_0 = arith.constant 0 : i32
    %c0_i32_1 = arith.constant 0 : i32
    return %c0_i32, %c0_i32_0 : i32, i32
  }
  func.func @transform_13(%arg0: i32) -> (i32, i32) {
    %c0_i32 = arith.constant 0 : i32
    %c0_i32_0 = arith.constant 0 : i32
    return %c0_i32, %arg0 : i32, i32
  }
}

</mosaic_0001>

<sc_bundles>
// kernel: kernel.4.cloned.1.call-start
scs
__scs_entry_jumppad:
0x0: {  	(pc) =	sbr.rel $0x88, $3  }
0x1: {  	(tag) =	ssettag $0x0;
	lr =	simm.s32 $0x1  }
0x2: {  	[smem:$0x3F93] =	sst lr;
	_ =	strace $0xD0000000  }
0x3: {  	_ = 	snop  }
0x4: {  	_ = 	snop  }
0x5: {  	_ = 	snop  }
0x6: {  	_ = 	snop  }
0x7: {  	_ = 	snop  }
__scs_overlays_trampoline_lowered:
0x8: {  	[smem:$0x3FA2] =	sst s0  }
0x9: {  	[smem:$0x3FA3] =	sst s1  }
0xa: {  	[smem:$0x3FA4] =	sst s2  }
0xb: {  	[smem:$0x3FA5] =	sst s3  }
0xc: {  	[smem:$0x3FA6] =	sst s4  }
0xd: {  	[smem:$0x3FA7] =	sst s5  }
0xe: {  	[smem:$0x3FA8] =	sst s6  }
0xf: {  	[smem:$0x3FA9] =	sst s7  }
0x10: {  	[smem:$0x3FAA] =	sst s8  }
0x11: {  	[smem:$0x3FAB] =	sst s9;
	s0 =	simm.s32 @!p0 $0x0  }
0x12: {  	s1 =	sld [smem:$0x3F91];
	s0 =	simm.s32 @p0 $0x1  }
0x13: {  	[smem:$0x3FAC] =	sst s0;
	s0 =	simm.s32 @!p1 $0x0  }
0x14: {  	s2 =	sld [smem:$0x3F90];
	s0 =	simm.s32 @p1 $0x1  }
0x15: {  	[smem:$0x3FAD] =	sst s0;
	s0 =	simm.s32 @!p2 $0x0  }
0x16: {  	s3 =	sld [smem:$0x3FDB];
	s0 =	simm.s32 @p2 $0x1  }
0x17: {  	s4 =	simm.s32 $0x1BF5;
	[smem:$0x3FAF] =	sst s0  }
0x18: {  	s0 =	sld [smem:$0x3F92];
	_ =	swait.ge [sflag:s4], $0x0  }
0x19: {  	s7 =	sld [smem:$0x3F93]  }
0x1a: {  	s8 =	sadd.s32 $0xFFFFE003, lr  }
0x1b: {  	s9 =	sadd.s32 $0xFFFFFEF7, lr;
	s5 =	simm.s32 $0xFFFFFFFF;
	p2 =	slt.u32 s8, $0xFFFFF086  }
0x1c: {  	p1 =	slt.u32 s9, $0xF7A;
	s5 =	simm.s32 @!p2 $0x0  }
0x1d: {  	s5 =	simm.s32 @p1 $0x1;
	p0 =	seq.s32 s7, s2  }
0x1e: {  	s7 =	smul.u32 @!p0 $0xF7A, s2;
	p2 =	seq.s32 @!p0 s5, $0x0  }
0x1f: {  	s9 =	smul.u32 $0xF7A, s1;
	s8 =	simm.s32 @!p0 $0x1BF5;
	p2 =	por !p2, p0  }
0x20: {  	[sflag:s8] =	ssyncset.s32 @!p0 $0xFFFFF086;
	s6 =	sadd.s32 @!p0 s3, s7;
	s7 =	simm.s32 @!p0 $0x108  }
0x21: {  	s3 =	sadd.s32 s3, s9;
	s6 =	sadd.s32 @!p0 $0x88, s6;
	s7 =	simm.s32 @p2 $0x1082  }
0x22: {  	[simem:s7], [sflag:s8] =	dma.local @!p0 [hbm:s6], $0xF7A  }
0x23: {  	s9 =	sor.u32 $0xD0000000, s2;
	s6 =	simm.s32 $0x108;
	_ =	swait.ge @!p0 [sflag:s8], $0x0  }
0x24: {  	s3 =	sadd.s32 $0x88, s3;
	s6 =	simm.s32 @!p1 $0x1082;
	[sflag:s4] =	ssyncset.s32 $0xFFFFF086  }
0x25: {  	[simem:s6], [sflag:s4] =	dma.local [hbm:s3], $0xF7A  }
0x26: {  	[smem:$0x3F93] =	sst s1;
	(tag) =	ssettag s2;
	_ =	strace s9  }
0x27: {  	s1 =	sld [smem:$0x3FA3]  }
0x28: {  	s2 =	sld [smem:$0x3FA4]  }
0x29: {  	s4 =	sld [smem:$0x3FA6]  }
0x2a: {  	p0 =	seq.s32 s5, $0x0;
	s5 =	sld [smem:$0x3FA7]  }
0x2b: {  	s6 =	sld [smem:$0x3FA8]  }
0x2c: {  	s7 =	sld [smem:$0x3FA9]  }
0x2d: {  	s3 =	simm.s32 $0x108;
	s8 =	sld [smem:$0x3FAA]  }
0x2e: {  	s3 =	simm.s32 @!p0 $0x1082;
	s9 =	sld [smem:$0x3FAB]  }
0x2f: {  	lr =	sadd.s32 s0, s3;
	s0 =	sld [smem:$0x3FA2]  }
0x30: {  	s3 =	sld [smem:$0x3FA5]  }
0x31: {  	[smem:$0x3FAE] =	sst s10  }
0x32: {  	s10 =	sld [smem:$0x3FAC];
	_ =	sdelay $0x3  }
0x33: {  	p0 =	seq.s32 s10, $0x1;
	s10 =	sld [smem:$0x3FAE];
	_ =	sdelay $0x3  }
0x34: {  	[smem:$0x3FAE] =	sst s10  }
0x35: {  	s10 =	sld [smem:$0x3FAD];
	_ =	sdelay $0x3  }
0x36: {  	p1 =	seq.s32 s10, $0x1;
	s10 =	sld [smem:$0x3FAE];
	_ =	sdelay $0x3  }
0x37: {  	[smem:$0x3FAE] =	sst s10  }
0x38: {  	s10 =	sld [smem:$0x3FAF]  }
0x39: {  	_ = 	snop;
	(pc) =	sbr.ind lr, $3  }
0x3a: {  	_ = 	snop  }
0x3b: {  	_ = 	snop  }
0x3c: {  	p2 =	seq.s32 s10, $0x1;
	s10 =	sld [smem:$0x3FAE]  }
0x3d: {  	_ =	shalt  }
0x3e: {  	_ =	shalt  }
0x3f: {  	_ =	shalt  }
0x40: {  	_ =	shalt  }
0x41: {  	_ =	shalt  }
0x42: {  	_ =	shalt  }
0x43: {  	_ =	shalt  }
0x44: {  	_ =	shalt  }
0x45: {  	_ =	shalt  }
0x46: {  	_ =	shalt  }
0x47: {  	_ =	shalt  }
0x48: {  	_ =	shalt  }
0x49: {  	_ =	shalt  }
0x4a: {  	_ =	shalt  }
0x4b: {  	_ =	shalt  }
0x4c: {  	_ =	shalt  }
0x4d: {  	_ =	shalt  }
0x4e: {  	_ =	shalt  }
0x4f: {  	_ =	shalt  }
0x50: {  	_ =	shalt  }
0x51: {  	_ =	shalt  }
0x52: {  	_ =	shalt  }
0x53: {  	_ =	shalt  }
0x54: {  	_ =	shalt  }
0x55: {  	_ =	shalt  }
0x56: {  	_ =	shalt  }
0x57: {  	_ =	shalt  }
0x58: {  	_ =	shalt  }
0x59: {  	_ =	shalt  }
0x5a: {  	_ =	shalt  }
0x5b: {  	_ =	shalt  }
0x5c: {  	_ =	shalt  }
0x5d: {  	_ =	shalt  }
0x5e: {  	_ =	shalt  }
0x5f: {  	_ =	shalt  }
0x60: {  	_ =	shalt  }
0x61: {  	_ =	shalt  }
0x62: {  	_ =	shalt  }
0x63: {  	_ =	shalt  }
0x64: {  	_ =	shalt  }
0x65: {  	_ =	shalt  }
0x66: {  	_ =	shalt  }
0x67: {  	_ =	shalt  }
0x68: {  	_ =	shalt  }
0x69: {  	_ =	shalt  }
0x6a: {  	_ =	shalt  }
0x6b: {  	_ =	shalt  }
0x6c: {  	_ =	shalt  }
0x6d: {  	_ =	shalt  }
0x6e: {  	_ =	shalt  }
0x6f: {  	_ =	shalt  }
0x70: {  	_ =	shalt  }
0x71: {  	_ =	shalt  }
0x72: {  	_ =	shalt  }
0x73: {  	_ =	shalt  }
0x74: {  	_ =	shalt  }
0x75: {  	_ =	shalt  }
0x76: {  	_ =	shalt  }
0x77: {  	_ =	shalt  }
0x78: {  	_ =	shalt  }
0x79: {  	_ =	shalt  }
0x7a: {  	_ =	shalt  }
0x7b: {  	_ =	shalt  }
0x7c: {  	_ =	shalt  }
0x7d: {  	_ =	shalt  }
0x7e: {  	_ =	shalt  }
0x7f: {  	_ =	shalt  }
0x80: {  	_ =	shalt  }
0x81: {  	_ =	shalt  }
0x82: {  	_ =	shalt  }
0x83: {  	_ =	shalt  }
0x84: {  	_ =	shalt  }
0x85: {  	_ =	shalt  }
0x86: {  	_ =	shalt  }
0x87: {  	_ =	shalt  }
.Lfunc_end0:
.L_simem_size_0:
called_computation_lowered:
.L_overlay_start_0:
0x88: {  	s2 =	sld [smem:$0x3FD9]  }
0x89: {  	s3 =	sld [smem:$0x3FFE];
	_ =	sdelay $0x1  }
0x8a: {  	s1 =	srdreg.scid  }
0x8b: {  	s0 =	sand.u32 $0x1, s1  }
0x8c: {  	s17 =	sshll.u32 s0, $0xA;
	s2 =	sadd.s32 s3, s2  }
0x8d: {  	s2 =	sadd.s32 s2, s17  }
0x8e: {  	[smem:$0x3FBA] =	sst s2  }
0x8f: {  	_ = 	snop  }
0x90: {  	s2 =	sld [smem:$0x3FC9]  }
0x91: {  	s18 =	sld [smem:$0x3FC8]  }
0x92: {  	s4 =	sld [smem:$0x3FC7]  }
0x93: {  	s5 =	sld [smem:$0x3FC6]  }
0x94: {  	s6 =	sld [smem:$0x3FC5]  }
0x95: {  	s7 =	sld [smem:$0x3FC4];
	(tm) =	ssettm $0x1  }
0x96: {  	s8 =	sld [smem:$0x3FFB];
	_ =	sdelay $0x3  }
0x97: {  	_ =	strace s8  }
0x98: {  	s8 =	sld [smem:$0x3FFC];
	_ =	sdelay $0x3  }
0x99: {  	_ =	strace s8  }
0x9a: {  	s8 =	sld [smem:$0x3FFD];
	_ =	sdelay $0x3  }
0x9b: {  	_ =	strace s8  }
0x9c: {  	_ =	strace $0x8FFFFFFF  }
0x9d: {  	s19 =	sld [smem:$0x3FDB];
	_ =	sdelay $0x1  }
0x9e: {  	s9 =	simm.s32 $_scs_section_size  }
0x9f: {  	s10 =	simm.s32 $_size__tile_overlayer_lowered;
	s11 =	simm.s32 $_tile_overlayer_lowered  }
0xa0: {  	s22 =	simm.s32 $0x1BFF;
	s21 =	sshll.u32 s11, $0x1;
	s8 =	sadd.s32 s9, s19  }
0xa1: {  	s12 =	simm.s32 $0x0;
	s20 =	sshll.u32 s10, $0x1;
	s10 =	sadd.s32 s21, s8  }
0xa2: {  	[timem:s12], [sflag:s22] =	dma.local [hbm:s10], s20  }
0xa3: {  	_ =	swait.ge [sflag:s22], s20  }
0xa4: {  	s9 =	ssub.s32 $0x0, s20;
	[sflag:s22] =	ssyncset.done $0x0  }
0xa5: {  	[sflag:s22] =	ssyncadd.s32 s9;
	_ =	sdelay $0x1  }
0xa6: {  	s23 =	simm.s32 $0x1B8B  }
0xa7: {  	_ =	swait.ge [sflag:s23], $0x1  }
0xa8: {  	[sflag:s23] =	ssyncset.done $0x0  }
0xa9: {  	s25 =	simm.s32 $0x1B8E;
	s24 =	sld [smem:$0x3FFE];
	[sflag:s23] =	ssyncadd.s32 $0xFFFFFFFF  }
0xaa: {  	s26 =	simm.s32 $execute0_lowered;
	[smem:$0x3FD2] =	sst s25  }
0xab: {  	s10 =	sshll.u32 s26, $0x1;
	_ =	strace $0x80000046;
	[dreg:$0x1] =	wrdreg $0xFFFFFFFF  }
0xac: {  	s28 =	simm.s32 $_size_execute0_lowered;
	s8 =	sadd.s32 s8, s10;
	[dreg:$0x0] =	wrdreg $0x0  }
0xad: {  	s10 =	sshll.u32 s28, $0x1;
	[dreg:$0x2] =	wrdreg s8  }
0xae: {  	[dreg:$0x3] =	wrdreg s10  }
0xaf: {  	[dreg:$0x4] =	wrdreg $0xC0  }
0xb0: {  	_ =	task [dreg:s12], $0x5FFFF  }
0xb1: {  	[dreg:$0x1] =	wrdreg $0xFFFFFFFF  }
0xb2: {  	[dreg:$0x0] =	wrdreg $0x60  }
0xb3: {  	[dreg:$0x2] =	wrdreg s2  }
0xb4: {  	[dreg:$0x3] =	wrdreg s18  }
0xb5: {  	[dreg:$0x4] =	wrdreg s4  }
0xb6: {  	[dreg:$0x5] =	wrdreg s5  }
0xb7: {  	[dreg:$0x6] =	wrdreg s6  }
0xb8: {  	[dreg:$0x7] =	wrdreg s7  }
0xb9: {  	[dreg:$0x8] =	wrdreg s24  }
0xba: {  	[dreg:$0x9] =	wrdreg $0x9  }
0xbb: {  	_ =	task.clear_ibuf [dreg:s12], $0xAFFFF;
	_ =	strace $0x90000046  }
0xbc: {  	s29 =	simm.s32 $0x9;
	_ =	strace $0x80000048  }
0xbd: {  	_ =	swait.ge [sflag:s29], $0x1  }
0xbe: {  	[sflag:s29] =	ssyncadd.s32 $0xFFFFFFFF  }
0xbf: {  	_ =	strace $0x90000048  }
0xc0: {  	_ =	sfence  }
0xc1: {  	s30 =	sld [smem:$0x0];
	_ =	sdelay $0x2  }
0xc2: {  	s31 =	sshll.u32 s1, $0xD;
	s1 =	sshrl.u32 s1, $0x2  }
0xc3: {  	s3 =	sand.u32 $0x4000, s31;
	s1 =	sadd.s32 s1, s30  }
0xc4: {  	s0 =	sor.u32 s3, s0;
	s1 =	sshll.u32 s1, $0x11  }
0xc5: {  	s0 =	sor.u32 s1, s0  }
0xc6: {  	s0 =	sadd.s32 $0x8F2B, s0  }
0xc7: {  	[sflag:s0] =	ssyncadd.remote.s32 $0x1  }
0xc8: {  	_ =	sfence.sel $0xFFFF  }
0xc9: {  	[dreg:$0x0] =	wrdreg $0xFFFFFFFF;
	(pc) =	sbr.abs _section_cstart, $3  }
0xca: {  	[dreg:$0x1] =	wrdreg $0xFFFFFFFF  }
0xcb: {  	_ =	task.clear_ibuf [dreg:s12], $0x2FFFF;
	_ =	strace $0x9FFFFFFF  }
0xcc: {  	(tm) =	ssettm $0x7FFFFFFF  }
0xcd: {  	_ =	shalt  }
tec
execute0_lowered:
.L_overlay_start_1:
0x0: {  	(tag) =	ssettag $0x1  }
0x1: {  	s0 =	rddreg [dreg:$0x0]  }
0x2: {  	s1 =	rddreg [dreg:$0x1]  }
0x3: {  	s8 =	rddreg [dreg:$0x2]  }
0x4: {  	s10 =	rddreg [dreg:$0x3]  }
0x5: {  	s21 =	rddreg [dreg:$0x4]  }
0x6: {  	s22 =	rddreg [dreg:$0x5];
	v1 =	vimm.s32 $0x1380;
	vm0 =	vcmask $0x300  }
0x7: {  	s2 =	rddreg [dreg:$0x6];
	v2 =	vimm.s32 $0x3380;
	vm1 =	vcmask $0x704;
	vm15 =	vcmask $0xB08  }
0x8: {  	s3 =	srdreg.scid;
	s4 =	stileid.u32;
	s6 =	simm.s32 $0x0;
	vm4 =	vcmask $0xF0C;
	v1 =	vsel vm0, $0x0, v1;
	v2 =	vsel vm0, $0x2000, v2  }
0x9: {  	v0 =	vlaneseq.u32;
	s15 =	simm.s32 $0x400;
	s16 =	simm.s32 $0x7A1400;
	s14 =	simm.s32 $0x10400;
	v1 =	vsel vm1, $0x80, v1;
	v2 =	vsel vm1, $0x2080, v2  }
0xa: {  	vm5 =	vcmask $0x1310;
	s17 =	simm.s32 $0x11400;
	s29 =	simm.s32 $0x17400;
	s28 =	simm.s32 $0x1A400;
	v1 =	vsel vm15, $0x100, v1;
	v2 =	vsel vm15, $0x2100, v2  }
0xb: {  	vm6 =	vcmask $0x1714;
	s30 =	simm.s32 $0x1;
	s7 =	simm.s32 $0x3;
	s3 =	sand.u32 $0x1, s3;
	v1 =	vsel vm4, $0x180, v1;
	v2 =	vsel vm4, $0x2180, v2  }
0xc: {  	vm7 =	vcmask $0x1B18;
	s4 =	sshll.u32 s4, $0xA;
	[smem:$0x7FF] =	sst s6;
	s5 =	sshll.u32 s3, $0x9;
	v1 =	vsel vm5, $0x200, v1;
	v2 =	vsel vm5, $0x2200, v2  }
0xd: {  	vm8 =	vcmask $0x1F1C;
	s6 =	simm.s32 $0x2;
	s3 =	ssub.s32 $0x2, s3;
	s4 =	sor.u32 s5, s4;
	v1 =	vsel vm6, $0x280, v1;
	v2 =	vsel vm6, $0x2280, v2  }
0xe: {  	vm9 =	vcmask $0x2320;
	_ =	strace $0x80000047;
	s18 =	sshrl.u32 s3, $0x1;
	s19 =	sshrl.u32 s4, $0x3;
	v1 =	vsel vm7, $0x300, v1;
	v2 =	vsel vm7, $0x2300, v2  }
0xf: {  	vm10 =	vcmask $0x2724;
	s5 =	simm.s32 $0xC400;
	s2 =	sadd.s32 s4, s2;
	s0 =	sadd.s32 s0, s19;
	v1 =	vsel vm8, $0x380, v1;
	v2 =	vsel vm8, $0x2380, v2  }
0x10: {  	vm11 =	vcmask $0x2B28;
	s3 =	ssub.s32 s3, s18;
	s20 =	sadd.s32 s1, s19;
	[dreg:$0x8] =	wrdreg s0;
	v1 =	vsel vm9, $0x1000, v1;
	v2 =	vsel vm9, $0x3000, v2  }
0x11: {  	vm12 =	vcmask $0x2F2C;
	s18 =	simm.s32 $0x13400;
	s23 =	sadd.s32 $0x2000, s2;
	[dreg:$0x9] =	wrdreg s20;
	v1 =	vsel vm10, $0x1080, v1;
	v2 =	vsel vm10, $0x3080, v2  }
0x12: {  	vm13 =	vcmask $0x3330;
	s4 =	simm.s32 $0x4400;
	s24 =	sadd.s32 $0x22000, s2;
	[dreg:$0xa] =	wrdreg s23;
	v1 =	vsel vm11, $0x1100, v1;
	v2 =	vsel vm11, $0x3100, v2  }
0x13: {  	vm14 =	vcmask $0x3734;
	s25 =	sadd.s32 $0x12000, s2;
	s26 =	sadd.s32 $0x32000, s2;
	[dreg:$0xb] =	wrdreg s24;
	v1 =	vsel vm12, $0x1180, v1;
	v2 =	vsel vm12, $0x3180, v2  }
0x14: {  	v0 =	vmul.u32 $0x80, v0;
	s31 =	smax.u32 s3, $0x1;
	s2 =	simm.s32 $0x4;
	[dreg:$0xc] =	wrdreg s25;
	v1 =	vsel vm13, $0x1200, v1;
	v2 =	vsel vm13, $0x3200, v2  }
0x15: {  	vm15 =	vcmask $0x3B38;
	s19 =	simm.s32 $0x16400;
	s1 =	simm.s32 $0x0;
	[dreg:$0xd] =	wrdreg s26;
	v3 =	vsel vm14, $0x1280, v1;
	v4 =	vsel vm14, $0x3280, v2  }
0x16: {  	[dreg:$0xe] =	wrdreg s31;
	s20 =	simm.s32 $0x19400;
	s24 =	simm.s32 $0x14400;
	v1 =	vor.u32 $0x800, v0;
	v2 =	vsel vm15, $0x1300, v3;
	v3 =	vsel vm15, $0x3300, v4  }
.LBB2_1:
0x17: {  	[dreg:$0xf] =	wrdreg s1  }
0x18: {  	s0 =	simm.s32 $0x0;
	s26 =	rddreg [dreg:$0x8]  }
0x19: {  	[tilespmem:s0], [sflag:$0x4] =	stream.linear.gather [hbm4b:s26+s0], $0x200, $0x38;
	[tilespmem:$0x1C400] =	vst v63  }
0x1a: {  	_ =	swait.ge [sflag:s2], $0x200  }
0x1b: {  	[sflag:s2] =	ssyncset.done $0x0  }
0x1c: {  	s3 =	simm.s32 $0x200;
	s31 =	rddreg [dreg:$0x9];
	[sflag:s2] =	ssyncadd.s32 $0xFFFFFE00  }
0x1d: {  	[tilespmem:s3], [sflag:$0x4] =	stream.linear.gather [hbm4b:s31+s0], $0x200, $0x38;
	[tilespmem:$0x1C400] =	vst v63  }
0x1e: {  	_ =	swait.ge [sflag:s2], $0x200  }
0x1f: {  	[sflag:s2] =	ssyncset.done $0x0  }
0x20: {  	s12 =	simm.s32 $0xF;
	s0 =	simm.s32 $0x0;
	[sflag:s2] =	ssyncadd.s32 $0xFFFFFE00  }
.LBB2_2:
0x21: {  	v4 =	vld [tilespmem:s0+$0x0];
	_ =	sdelay $0x4  }
0x22: {  	(v2sf) =	vpush v4, $0x0  }
0x23: {  	(v2sf) =	vpush v4, $0x1  }
0x24: {  	(v2sf) =	vpush v4, $0x2  }
0x25: {  	(v2sf) =	vpush v4, $0x3  }
0x26: {  	(v2sf) =	vpush v4, $0x4  }
0x27: {  	(v2sf) =	vpush v4, $0x5;
	_ =	sdelay $0x9  }
0x28: {  	s13 =	spop (v2sf);
	(v2sf) =	vpush v4, $0x6  }
0x29: {  	s11 =	spop (v2sf);
	(v2sf) =	vpush v4, $0x7  }
0x2a: {  	s1 =	spop (v2sf);
	(v2sf) =	vpush v4, $0x8  }
0x2b: {  	s9 =	spop (v2sf);
	(v2sf) =	vpush v4, $0x9  }
0x2c: {  	s25 =	spop (v2sf);
	(v2sf) =	vpush v4, $0xA  }
0x2d: {  	s26 =	spop (v2sf);
	(v2sf) =	vpush v4, $0xB  }
0x2e: {  	v5 =	vld [tilespmem:s3+$0x0];
	(v2sf) =	vpush v4, $0xC  }
0x2f: {  	(v2sf) =	vpush v4, $0xD  }
0x30: {  	(v2sf) =	vpush v4, $0xE  }
0x31: {  	(v2sf) =	vpush v4, $0xF;
	_ =	sdelay $0x1  }
0x32: {  	(v2sf) =	vpush v5, $0x0;
	_ =	sdelay $0x3  }
0x33: {  	[dreg:$0x11] =	wrdreg s0;
	s31 =	spop (v2sf)  }
0x34: {  	[dreg:$0x10] =	wrdreg s3;
	s2 =	spop (v2sf)  }
0x35: {  	[smem:$0x7F7] =	sst s25;
	s3 =	spop (v2sf)  }
0x36: {  	[smem:$0x7F8] =	sst s26;
	s23 =	spop (v2sf)  }
0x37: {  	[smem:$0x7F9] =	sst s31;
	s25 =	spop (v2sf)  }
0x38: {  	(v2sf) =	vpush v5, $0x1;
	[smem:$0x7FA] =	sst s2;
	s26 =	spop (v2sf)  }
0x39: {  	[dreg:$0x1f] =	wrdreg s3;
	s31 =	spop (v2sf)  }
0x3a: {  	[dreg:$0x1d] =	wrdreg s23;
	s2 =	spop (v2sf)  }
0x3b: {  	[dreg:$0x15] =	wrdreg s2;
	s3 =	spop (v2sf);
	s2 =	sand.u32 $0xFFFFF80, s13  }
0x3c: {  	[dreg:$0x1b] =	wrdreg s25;
	s23 =	spop (v2sf);
	s25 =	sadd.s32 s8, s2  }
0x3d: {  	[tilespmem:s14], [sflag:$0x1] =	stream.strided.gather [hbm4b:s25+s15], $0x1000, s16, s15, $0x38;
	[tilespmem:$0x1C400] =	vst v63  }
0x3e: {  	[dreg:$0x12] =	wrdreg s23;
	s23 =	spop (v2sf)  }
0x3f: {  	[dreg:$0x19] =	wrdreg s26;
	s2 =	sadd.s32 s21, s2;
	(v2sf) =	vpush v5, $0x2;
	s26 =	sand.u32 $0xFFFFF80, s23  }
0x40: {  	(v2sf) =	vpush v5, $0x3;
	[tilespmem:s18], [sflag:$0x1] =	stream.strided.gather [hbm4b:s2+s15], $0x1000, s16, s15, $0x38;
	[tilespmem:$0x1C400] =	vst v63  }
0x41: {  	[dreg:$0x17] =	wrdreg s31;
	s31 =	sadd.s32 s10, s26  }
0x42: {  	(v2sf) =	vpush v5, $0x4;
	[tilespmem:s19], [sflag:$0x1] =	stream.strided.gather [hbm4b:s31+s15], $0x1000, s16, s15, $0x38;
	[tilespmem:$0x1C400] =	vst v63  }
0x43: {  	[dreg:$0x13] =	wrdreg s3;
	s14 =	sand.u32 $0xFFFFF80, s11;
	s2 =	sadd.s32 s22, s26;
	(v2sf) =	vpush v5, $0x5  }
0x44: {  	(v2sf) =	vpush v5, $0x6;
	[tilespmem:s20], [sflag:$0x1] =	stream.strided.gather [hbm4b:s2+s15], $0x1000, s16, s15, $0x38;
	[tilespmem:$0x1C400] =	vst v63  }
0x45: {  	s18 =	sadd.s32 s8, s14;
	(v2sf) =	vpush v5, $0x7  }
0x46: {  	[tilespmem:s17], [sflag:$0x2] =	stream.strided.gather [hbm4b:s18+s15], $0x1000, s16, s15, $0x38;
	[tilespmem:$0x1C400] =	vst v63  }
0x47: {  	s3 =	spop (v2sf)  }
0x48: {  	s2 =	sadd.s32 s21, s14;
	s19 =	sand.u32 $0xFFFFF80, s3  }
0x49: {  	(v2sf) =	vpush v5, $0x8;
	[tilespmem:s24], [sflag:$0x2] =	stream.strided.gather [hbm4b:s2+s15], $0x1000, s16, s15, $0x38;
	[tilespmem:$0x1C400] =	vst v63  }
0x4a: {  	s20 =	sadd.s32 s10, s19  }
0x4b: {  	[tilespmem:s29], [sflag:$0x2] =	stream.strided.gather [hbm4b:s20+s15], $0x1000, s16, s15, $0x38;
	[tilespmem:$0x1C400] =	vst v63  }
0x4c: {  	s26 =	smov.u32 s8;
	(v2sf) =	vpush v5, $0x9;
	s8 =	sadd.s32 s22, s19  }
0x4d: {  	(v2sf) =	vpush v5, $0xA;
	[tilespmem:s28], [sflag:$0x2] =	stream.strided.gather [hbm4b:s8+s15], $0x1000, s16, s15, $0x38;
	[tilespmem:$0x1C400] =	vst v63  }
0x4e: {  	s0 =	simm.s32 $0x12400;
	s24 =	sand.u32 $0xFFFFF80, s1;
	(v2sf) =	vpush v5, $0xB;
	s2 =	spop (v2sf)  }
0x4f: {  	s25 =	sadd.s32 s26, s24;
	(v2sf) =	vpush v5, $0xC;
	s29 =	smov.u32 s21;
	s17 =	spop (v2sf)  }
0x50: {  	(v2sf) =	vpush v5, $0xD;
	[tilespmem:s0], [sflag:$0x3] =	stream.strided.gather [hbm4b:s25+s15], $0x1000, s16, s15, $0x38;
	[tilespmem:$0x1C400] =	vst v63  }
0x51: {  	s21 =	sadd.s32 s29, s24;
	(v2sf) =	vpush v5, $0xE;
	s31 =	spop (v2sf)  }
0x52: {  	s24 =	simm.s32 $0x15400;
	s28 =	smov.u32 s10;
	(v2sf) =	vpush v5, $0xF;
	s10 =	spop (v2sf)  }
0x53: {  	[tilespmem:s24], [sflag:$0x3] =	stream.strided.gather [hbm4b:s21+s15], $0x1000, s16, s15, $0x38;
	[tilespmem:$0x1C400] =	vst v63  }
0x54: {  	s21 =	spop (v2sf)  }
0x55: {  	s24 =	sand.u32 $0xFFFFF80, s2;
	s25 =	spop (v2sf)  }
0x56: {  	s0 =	simm.s32 $0x18400;
	[smem:$0x7FB] =	sst s25;
	s25 =	sadd.s32 s28, s24  }
0x57: {  	[tilespmem:s0], [sflag:$0x3] =	stream.strided.gather [hbm4b:s25+s15], $0x1000, s16, s15, $0x38;
	[tilespmem:$0x1C400] =	vst v63  }
0x58: {  	s25 =	spop (v2sf)  }
0x59: {  	s24 =	sadd.s32 s22, s24;
	[smem:$0x7FC] =	sst s25;
	s25 =	simm.s32 $0x1B400  }
0x5a: {  	[tilespmem:s25], [sflag:$0x3] =	stream.strided.gather [hbm4b:s24+s15], $0x1000, s16, s15, $0x38;
	[tilespmem:$0x1C400] =	vst v63  }
0x5b: {  	s25 =	spop (v2sf)  }
0x5c: {  	[smem:$0x7FD] =	sst s25;
	s24 =	spop (v2sf)  }
0x5d: {  	[dreg:$0x1e] =	wrdreg s24;
	s25 =	spop (v2sf)  }
0x5e: {  	[dreg:$0x1c] =	wrdreg s25;
	s24 =	spop (v2sf)  }
0x5f: {  	[dreg:$0x1a] =	wrdreg s24;
	s25 =	spop (v2sf)  }
0x60: {  	[dreg:$0x18] =	wrdreg s25;
	s24 =	spop (v2sf)  }
0x61: {  	[dreg:$0x16] =	wrdreg s24;
	s25 =	spop (v2sf)  }
0x62: {  	[dreg:$0x14] =	wrdreg s25  }
0x63: {  	_ =	swait.ge [sflag:s30], $0x1000  }
0x64: {  	[sflag:s30] =	ssyncset.done $0x0  }
0x65: {  	[sflag:s30] =	ssyncadd.s32 $0xFFFFF000  }
0x66: {  	_ =	swait.ge [sflag:s30], $0x1000  }
0x67: {  	[sflag:s30] =	ssyncset.done $0x0  }
0x68: {  	[sflag:s30] =	ssyncadd.s32 $0xFFFFF000  }
0x69: {  	s13 =	sand.u32 $0x7F, s13;
	_ =	swait.ge [sflag:s30], $0x1000  }
0x6a: {  	v4 =	vor.u32 s13, v0;
	s0 =	sadd.s32 $0xFFFFFFF1, s12;
	[sflag:s30] =	ssyncset.done $0x0  }
0x6b: {  	v6 =	vor.u32 s13, v1;
	v5 =	vmov s0;
	[sflag:s30] =	ssyncadd.s32 $0xFFFFF000  }
0x6c: {  	v7 =	vshll.u32 v5, $0x3;
	_ =	swait.ge [sflag:s30], $0x1000  }
0x6d: {  	v5 =	vand.u32 $0x70, v5;
	v7 =	vand.u32 $0xC00, v7;
	[sflag:s30] =	ssyncset.done $0x0  }
0x6e: {  	s18 =	simm.s32 $0x10400;
	v5 =	vor.u32 v5, v7;
	[sflag:s30] =	ssyncadd.s32 $0xFFFFF000  }
0x6f: {  	v8 =	vor.u32 v2, v5;
	v60 =	vld.idx.msk [tilespmem:v4+s18+$0x0], $0xffff  }
0x70: {  	v5 =	vor.u32 v3, v5;
	v9 =	vld.idx.msk [tilespmem:v6+s18+$0x0], $0xffff;
	_ =	sdelay $0x3  }
0x71: {  	[tilespmem:v8+s15+$0x0] =	vst.idx.msk $0xffff, v60  }
0x72: {  	s19 =	simm.s32 $0x13400;
	[tilespmem:v5+s15+$0x0] =	vst.idx.msk $0xffff, v9  }
0x73: {  	v4 =	vld.idx.msk [tilespmem:v4+s19+$0x0], $0xffff  }
0x74: {  	s25 =	sand.u32 $0x7F, s23;
	v6 =	vld.idx.msk [tilespmem:v6+s19+$0x0], $0xffff  }
0x75: {  	v61 =	vor.u32 s25, v0  }
0x76: {  	v62 =	vor.u32 s25, v1  }
0x77: {  	s25 =	simm.s32 $0x8400  }
0x78: {  	[tilespmem:v8+s25+$0x0] =	vst.idx.msk $0xffff, v4  }
0x79: {  	s19 =	simm.s32 $0x16400;
	[tilespmem:v5+s25+$0x0] =	vst.idx.msk $0xffff, v6  }
0x7a: {  	v4 =	vld.idx.msk [tilespmem:v61+s19+$0x0], $0xffff  }
0x7b: {  	v6 =	vld.idx.msk [tilespmem:v62+s19+$0x0], $0xffff;
	_ =	sdelay $0x3  }
0x7c: {  	[tilespmem:v8+s4+$0x0] =	vst.idx.msk $0xffff, v4  }
0x7d: {  	s8 =	simm.s32 $0x19400;
	[tilespmem:v5+s4+$0x0] =	vst.idx.msk $0xffff, v6  }
0x7e: {  	v4 =	vld.idx.msk [tilespmem:v61+s8+$0x0], $0xffff  }
0x7f: {  	v6 =	vld.idx.msk [tilespmem:v62+s8+$0x0], $0xffff;
	_ =	sdelay $0x3  }
0x80: {  	s13 =	sand.u32 $0xFFFFF80, s9;
	[tilespmem:v8+s5+$0x0] =	vst.idx.msk $0xffff, v4  }
0x81: {  	s0 =	sadd.s32 s26, s13;
	[tilespmem:v5+s5+$0x0] =	vst.idx.msk $0xffff, v6  }
0x82: {  	[tilespmem:s18], [sflag:$0x1] =	stream.strided.gather [hbm4b:s0+s15], $0x1000, s16, s15, $0x38;
	[tilespmem:$0x1C400] =	vst v63  }
0x83: {  	s13 =	sadd.s32 s29, s13;
	s18 =	simm.s32 $0x13400  }
0x84: {  	[tilespmem:s18], [sflag:$0x1] =	stream.strided.gather [hbm4b:s13+s15], $0x1000, s16, s15, $0x38;
	[tilespmem:$0x1C400] =	vst v63  }
0x85: {  	s13 =	sand.u32 $0xFFFFF80, s17  }
0x86: {  	s0 =	sadd.s32 s28, s13  }
0x87: {  	[tilespmem:s19], [sflag:$0x1] =	stream.strided.gather [hbm4b:s0+s15], $0x1000, s16, s15, $0x38;
	[tilespmem:$0x1C400] =	vst v63  }
0x88: {  	s13 =	sadd.s32 s22, s13  }
0x89: {  	[tilespmem:s8], [sflag:$0x1] =	stream.strided.gather [hbm4b:s13+s15], $0x1000, s16, s15, $0x38;
	[tilespmem:$0x1C400] =	vst v63  }
0x8a: {  	_ =	swait.ge [sflag:s6], $0x1000  }
0x8b: {  	[sflag:s6] =	ssyncset.done $0x0  }
0x8c: {  	[sflag:s6] =	ssyncadd.s32 $0xFFFFF000  }
0x8d: {  	_ =	swait.ge [sflag:s6], $0x1000  }
0x8e: {  	[sflag:s6] =	ssyncset.done $0x0  }
0x8f: {  	[sflag:s6] =	ssyncadd.s32 $0xFFFFF000  }
0x90: {  	s11 =	sand.u32 $0x7F, s11;
	_ =	swait.ge [sflag:s6], $0x1000  }
0x91: {  	v4 =	vor.u32 s11, v0;
	s0 =	sadd.s32 $0xFFFFFFF2, s12;
	[sflag:s6] =	ssyncset.done $0x0  }
0x92: {  	v63 =	vor.u32 s11, v1;
	v5 =	vmov s0;
	[sflag:s6] =	ssyncadd.s32 $0xFFFFF000  }
0x93: {  	v12 =	vshll.u32 v5, $0x3;
	_ =	swait.ge [sflag:s6], $0x1000  }
0x94: {  	v5 =	vand.u32 $0x71, v5;
	v7 =	vand.u32 $0xC00, v12;
	[sflag:s6] =	ssyncset.done $0x0  }
0x95: {  	s14 =	simm.s32 $0x11400;
	v5 =	vor.u32 v5, v7;
	[sflag:s6] =	ssyncadd.s32 $0xFFFFF000  }
0x96: {  	v14 =	vor.u32 v2, v5;
	v13 =	vld.idx.msk [tilespmem:v4+s14+$0x0], $0xffff  }
0x97: {  	v5 =	vor.u32 v3, v5;
	v15 =	vld.idx.msk [tilespmem:v63+s14+$0x0], $0xffff;
	_ =	sdelay $0x3  }
0x98: {  	[tilespmem:v14+s15+$0x0] =	vst.idx.msk $0xffff, v13  }
0x99: {  	s24 =	simm.s32 $0x14400;
	[tilespmem:v5+s15+$0x0] =	vst.idx.msk $0xffff, v15  }
0x9a: {  	v4 =	vld.idx.msk [tilespmem:v4+s24+$0x0], $0xffff  }
0x9b: {  	s3 =	sand.u32 $0x7F, s3;
	v6 =	vld.idx.msk [tilespmem:v63+s24+$0x0], $0xffff  }
0x9c: {  	v16 =	vor.u32 s3, v0  }
0x9d: {  	v17 =	vor.u32 s3, v1;
	_ =	sdelay $0x1  }
0x9e: {  	[tilespmem:v14+s25+$0x0] =	vst.idx.msk $0xffff, v4  }
0x9f: {  	s13 =	simm.s32 $0x17400;
	[tilespmem:v5+s25+$0x0] =	vst.idx.msk $0xffff, v6  }
0xa0: {  	v4 =	vld.idx.msk [tilespmem:v16+s13+$0x0], $0xffff  }
0xa1: {  	v6 =	vld.idx.msk [tilespmem:v17+s13+$0x0], $0xffff;
	_ =	sdelay $0x3  }
0xa2: {  	[tilespmem:v14+s4+$0x0] =	vst.idx.msk $0xffff, v4  }
0xa3: {  	s20 =	simm.s32 $0x1A400;
	[tilespmem:v5+s4+$0x0] =	vst.idx.msk $0xffff, v6  }
0xa4: {  	v4 =	vld.idx.msk [tilespmem:v16+s20+$0x0], $0xffff  }
0xa5: {  	v6 =	vld.idx.msk [tilespmem:v17+s20+$0x0], $0xffff  }
0xa6: {  	s13 =	sld [smem:$0x7F7];
	_ =	sdelay $0x2  }
0xa7: {  	s3 =	sand.u32 $0xFFFFF80, s13;
	[tilespmem:v14+s5+$0x0] =	vst.idx.msk $0xffff, v4  }
0xa8: {  	s23 =	sadd.s32 s26, s3;
	[tilespmem:v5+s5+$0x0] =	vst.idx.msk $0xffff, v6  }
0xa9: {  	[tilespmem:s14], [sflag:$0x2] =	stream.strided.gather [hbm4b:s23+s15], $0x1000, s16, s15, $0x38;
	[tilespmem:$0x1C400] =	vst v63  }
0xaa: {  	s3 =	sadd.s32 s29, s3  }
0xab: {  	[tilespmem:s24], [sflag:$0x2] =	stream.strided.gather [hbm4b:s3+s15], $0x1000, s16, s15, $0x38;
	[tilespmem:$0x1C400] =	vst v63  }
0xac: {  	s3 =	sand.u32 $0xFFFFF80, s31  }
0xad: {  	s0 =	simm.s32 $0x17400;
	s23 =	sadd.s32 s28, s3  }
0xae: {  	[tilespmem:s0], [sflag:$0x2] =	stream.strided.gather [hbm4b:s23+s15], $0x1000, s16, s15, $0x38;
	[tilespmem:$0x1C400] =	vst v63  }
0xaf: {  	s3 =	sadd.s32 s22, s3  }
0xb0: {  	[tilespmem:s20], [sflag:$0x2] =	stream.strided.gather [hbm4b:s3+s15], $0x1000, s16, s15, $0x38;
	[tilespmem:$0x1C400] =	vst v63  }
0xb1: {  	_ =	swait.ge [sflag:s7], $0x1000  }
0xb2: {  	[sflag:s7] =	ssyncset.done $0x0  }
0xb3: {  	[sflag:s7] =	ssyncadd.s32 $0xFFFFF000  }
0xb4: {  	_ =	swait.ge [sflag:s7], $0x1000  }
0xb5: {  	[sflag:s7] =	ssyncset.done $0x0  }
0xb6: {  	[sflag:s7] =	ssyncadd.s32 $0xFFFFF000  }
0xb7: {  	s1 =	sand.u32 $0x7F, s1;
	_ =	swait.ge [sflag:s7], $0x1000  }
0xb8: {  	v4 =	vor.u32 s1, v0;
	s0 =	sadd.s32 $0xFFFFFFF3, s12;
	[sflag:s7] =	ssyncset.done $0x0  }
0xb9: {  	v18 =	vor.u32 s1, v1;
	v5 =	vmov s0;
	[sflag:s7] =	ssyncadd.s32 $0xFFFFF000  }
0xba: {  	v19 =	vshll.u32 v5, $0x3;
	_ =	swait.ge [sflag:s7], $0x1000  }
0xbb: {  	v5 =	vand.u32 $0x72, v5;
	v7 =	vand.u32 $0xC00, v19;
	[sflag:s7] =	ssyncset.done $0x0  }
0xbc: {  	s23 =	simm.s32 $0x12400;
	v5 =	vor.u32 v5, v7;
	[sflag:s7] =	ssyncadd.s32 $0xFFFFF000  }
0xbd: {  	v21 =	vor.u32 v2, v5;
	v20 =	vld.idx.msk [tilespmem:v4+s23+$0x0], $0xffff  }
0xbe: {  	v5 =	vor.u32 v3, v5;
	v22 =	vld.idx.msk [tilespmem:v18+s23+$0x0], $0xffff;
	_ =	sdelay $0x3  }
0xbf: {  	[tilespmem:v21+s15+$0x0] =	vst.idx.msk $0xffff, v20  }
0xc0: {  	s3 =	simm.s32 $0x15400;
	[tilespmem:v5+s15+$0x0] =	vst.idx.msk $0xffff, v22  }
0xc1: {  	s11 =	sand.u32 $0x7F, s2;
	s2 =	simm.s32 $0x15400;
	v4 =	vld.idx.msk [tilespmem:v4+s3+$0x0], $0xffff  }
0xc2: {  	v6 =	vld.idx.msk [tilespmem:v18+s2+$0x0], $0xffff  }
0xc3: {  	v23 =	vor.u32 s11, v0  }
0xc4: {  	v24 =	vor.u32 s11, v1;
	_ =	sdelay $0x1  }
0xc5: {  	[tilespmem:v21+s25+$0x0] =	vst.idx.msk $0xffff, v4  }
0xc6: {  	s3 =	simm.s32 $0x18400;
	[tilespmem:v5+s25+$0x0] =	vst.idx.msk $0xffff, v6  }
0xc7: {  	s11 =	simm.s32 $0x18400;
	v4 =	vld.idx.msk [tilespmem:v23+s3+$0x0], $0xffff  }
0xc8: {  	v6 =	vld.idx.msk [tilespmem:v24+s11+$0x0], $0xffff;
	_ =	sdelay $0x3  }
0xc9: {  	[tilespmem:v21+s4+$0x0] =	vst.idx.msk $0xffff, v4  }
0xca: {  	s1 =	simm.s32 $0x1B400;
	[tilespmem:v5+s4+$0x0] =	vst.idx.msk $0xffff, v6  }
0xcb: {  	s2 =	simm.s32 $0x1B400;
	v4 =	vld.idx.msk [tilespmem:v23+s1+$0x0], $0xffff  }
0xcc: {  	v6 =	vld.idx.msk [tilespmem:v24+s2+$0x0], $0xffff  }
0xcd: {  	s11 =	sld [smem:$0x7F8];
	_ =	sdelay $0x2  }
0xce: {  	s3 =	sand.u32 $0xFFFFF80, s11;
	[tilespmem:v21+s5+$0x0] =	vst.idx.msk $0xffff, v4  }
0xcf: {  	s0 =	sadd.s32 s26, s3;
	[tilespmem:v5+s5+$0x0] =	vst.idx.msk $0xffff, v6  }
0xd0: {  	[tilespmem:s23], [sflag:$0x3] =	stream.strided.gather [hbm4b:s0+s15], $0x1000, s16, s15, $0x38;
	[tilespmem:$0x1C400] =	vst v63  }
0xd1: {  	s1 =	sadd.s32 s29, s3;
	s3 =	simm.s32 $0x15400  }
0xd2: {  	[tilespmem:s3], [sflag:$0x3] =	stream.strided.gather [hbm4b:s1+s15], $0x1000, s16, s15, $0x38;
	[tilespmem:$0x1C400] =	vst v63  }
0xd3: {  	s1 =	sand.u32 $0xFFFFF80, s10  }
0xd4: {  	s3 =	simm.s32 $0x18400;
	s0 =	sadd.s32 s28, s1  }
0xd5: {  	[tilespmem:s3], [sflag:$0x3] =	stream.strided.gather [hbm4b:s0+s15], $0x1000, s16, s15, $0x38;
	[tilespmem:$0x1C400] =	vst v63  }
0xd6: {  	s2 =	simm.s32 $0x1B400;
	s1 =	sadd.s32 s22, s1  }
0xd7: {  	[tilespmem:s2], [sflag:$0x3] =	stream.strided.gather [hbm4b:s1+s15], $0x1000, s16, s15, $0x38;
	[tilespmem:$0x1C400] =	vst v63  }
0xd8: {  	_ =	swait.ge [sflag:s30], $0x1000  }
0xd9: {  	[sflag:s30] =	ssyncset.done $0x0  }
0xda: {  	[sflag:s30] =	ssyncadd.s32 $0xFFFFF000  }
0xdb: {  	_ =	swait.ge [sflag:s30], $0x1000  }
0xdc: {  	[sflag:s30] =	ssyncset.done $0x0  }
0xdd: {  	[sflag:s30] =	ssyncadd.s32 $0xFFFFF000  }
0xde: {  	s3 =	sand.u32 $0x7F, s9;
	_ =	swait.ge [sflag:s30], $0x1000  }
0xdf: {  	s9 =	sadd.s32 $0xFFFFFFF4, s12;
	v4 =	vor.u32 s3, v0;
	[sflag:s30] =	ssyncset.done $0x0  }
0xe0: {  	v5 =	vmov s9;
	v25 =	vor.u32 s3, v1;
	[sflag:s30] =	ssyncadd.s32 $0xFFFFF000  }
0xe1: {  	v26 =	vshll.u32 v5, $0x3;
	_ =	swait.ge [sflag:s30], $0x1000  }
0xe2: {  	v5 =	vand.u32 $0x73, v5;
	v7 =	vand.u32 $0xC00, v26;
	[sflag:s30] =	ssyncset.done $0x0  }
0xe3: {  	s14 =	simm.s32 $0x10400;
	v5 =	vor.u32 v5, v7;
	[sflag:s30] =	ssyncadd.s32 $0xFFFFF000  }
0xe4: {  	v28 =	vor.u32 v2, v5;
	v27 =	vld.idx.msk [tilespmem:v4+s14+$0x0], $0xffff  }
0xe5: {  	v5 =	vor.u32 v3, v5;
	v29 =	vld.idx.msk [tilespmem:v25+s14+$0x0], $0xffff;
	_ =	sdelay $0x3  }
0xe6: {  	[tilespmem:v28+s15+$0x0] =	vst.idx.msk $0xffff, v27  }
0xe7: {  	[tilespmem:v5+s15+$0x0] =	vst.idx.msk $0xffff, v29  }
0xe8: {  	v4 =	vld.idx.msk [tilespmem:v4+s18+$0x0], $0xffff  }
0xe9: {  	s1 =	sand.u32 $0x7F, s17;
	v6 =	vld.idx.msk [tilespmem:v25+s18+$0x0], $0xffff  }
0xea: {  	v30 =	vor.u32 s1, v0  }
0xeb: {  	v31 =	vor.u32 s1, v1;
	_ =	sdelay $0x1  }
0xec: {  	[tilespmem:v28+s25+$0x0] =	vst.idx.msk $0xffff, v4  }
0xed: {  	[tilespmem:v5+s25+$0x0] =	vst.idx.msk $0xffff, v6  }
0xee: {  	v4 =	vld.idx.msk [tilespmem:v30+s19+$0x0], $0xffff  }
0xef: {  	v6 =	vld.idx.msk [tilespmem:v31+s19+$0x0], $0xffff;
	_ =	sdelay $0x3  }
0xf0: {  	[tilespmem:v28+s4+$0x0] =	vst.idx.msk $0xffff, v4  }
0xf1: {  	[tilespmem:v5+s4+$0x0] =	vst.idx.msk $0xffff, v6  }
0xf2: {  	v4 =	vld.idx.msk [tilespmem:v30+s8+$0x0], $0xffff  }
0xf3: {  	v6 =	vld.idx.msk [tilespmem:v31+s8+$0x0], $0xffff  }
0xf4: {  	s9 =	sld [smem:$0x7F9];
	_ =	sdelay $0x2  }
0xf5: {  	s2 =	sand.u32 $0xFFFFF80, s9;
	[tilespmem:v28+s5+$0x0] =	vst.idx.msk $0xffff, v4  }
0xf6: {  	s3 =	sadd.s32 s26, s2;
	[tilespmem:v5+s5+$0x0] =	vst.idx.msk $0xffff, v6  }
0xf7: {  	[tilespmem:s14], [sflag:$0x1] =	stream.strided.gather [hbm4b:s3+s15], $0x1000, s16, s15, $0x38;
	[tilespmem:$0x1C400] =	vst v63  }
0xf8: {  	s0 =	sadd.s32 s29, s2;
	s2 =	sand.u32 $0xFFFFF80, s21  }
0xf9: {  	[tilespmem:s18], [sflag:$0x1] =	stream.strided.gather [hbm4b:s0+s15], $0x1000, s16, s15, $0x38;
	[tilespmem:$0x1C400] =	vst v63  }
0xfa: {  	s3 =	sadd.s32 s28, s2  }
0xfb: {  	[tilespmem:s19], [sflag:$0x1] =	stream.strided.gather [hbm4b:s3+s15], $0x1000, s16, s15, $0x38;
	[tilespmem:$0x1C400] =	vst v63  }
0xfc: {  	s0 =	sadd.s32 s22, s2  }
0xfd: {  	[tilespmem:s8], [sflag:$0x1] =	stream.strided.gather [hbm4b:s0+s15], $0x1000, s16, s15, $0x38;
	[tilespmem:$0x1C400] =	vst v63  }
0xfe: {  	_ =	swait.ge [sflag:s6], $0x1000  }
0xff: {  	[sflag:s6] =	ssyncset.done $0x0  }
0x100: {  	[sflag:s6] =	ssyncadd.s32 $0xFFFFF000  }
0x101: {  	_ =	swait.ge [sflag:s6], $0x1000  }
0x102: {  	[sflag:s6] =	ssyncset.done $0x0  }
0x103: {  	[sflag:s6] =	ssyncadd.s32 $0xFFFFF000  }
0x104: {  	s8 =	sand.u32 $0x7F, s13;
	_ =	swait.ge [sflag:s6], $0x1000  }
0x105: {  	s13 =	sadd.s32 $0xFFFFFFF5, s12;
	v4 =	vor.u32 s8, v0;
	[sflag:s6] =	ssyncset.done $0x0  }
0x106: {  	v5 =	vmov s13;
	v32 =	vor.u32 s8, v1;
	[sflag:s6] =	ssyncadd.s32 $0xFFFFF000  }
0x107: {  	v33 =	vshll.u32 v5, $0x3;
	_ =	swait.ge [sflag:s6], $0x1000  }
0x108: {  	v5 =	vand.u32 $0x74, v5;
	v7 =	vand.u32 $0xC00, v33;
	[sflag:s6] =	ssyncset.done $0x0  }
0x109: {  	s17 =	simm.s32 $0x11400;
	v5 =	vor.u32 v5, v7;
	[sflag:s6] =	ssyncadd.s32 $0xFFFFF000  }
0x10a: {  	v35 =	vor.u32 v2, v5;
	v34 =	vld.idx.msk [tilespmem:v4+s17+$0x0], $0xffff  }
0x10b: {  	v5 =	vor.u32 v3, v5;
	v36 =	vld.idx.msk [tilespmem:v32+s17+$0x0], $0xffff;
	_ =	sdelay $0x3  }
0x10c: {  	[tilespmem:v35+s15+$0x0] =	vst.idx.msk $0xffff, v34  }
0x10d: {  	[tilespmem:v5+s15+$0x0] =	vst.idx.msk $0xffff, v36  }
0x10e: {  	v4 =	vld.idx.msk [tilespmem:v4+s24+$0x0], $0xffff  }
0x10f: {  	s31 =	sand.u32 $0x7F, s31;
	v6 =	vld.idx.msk [tilespmem:v32+s24+$0x0], $0xffff  }
0x110: {  	v37 =	vor.u32 s31, v0  }
0x111: {  	v38 =	vor.u32 s31, v1;
	_ =	sdelay $0x1  }
0x112: {  	[tilespmem:v35+s25+$0x0] =	vst.idx.msk $0xffff, v4  }
0x113: {  	s1 =	simm.s32 $0x17400;
	[tilespmem:v5+s25+$0x0] =	vst.idx.msk $0xffff, v6  }
0x114: {  	v4 =	vld.idx.msk [tilespmem:v37+s1+$0x0], $0xffff  }
0x115: {  	v6 =	vld.idx.msk [tilespmem:v38+s1+$0x0], $0xffff;
	_ =	sdelay $0x3  }
0x116: {  	[tilespmem:v35+s4+$0x0] =	vst.idx.msk $0xffff, v4  }
0x117: {  	[tilespmem:v5+s4+$0x0] =	vst.idx.msk $0xffff, v6  }
0x118: {  	v4 =	vld.idx.msk [tilespmem:v37+s20+$0x0], $0xffff  }
0x119: {  	v6 =	vld.idx.msk [tilespmem:v38+s20+$0x0], $0xffff  }
0x11a: {  	s8 =	smov.u32 s26;
	s26 =	sld [smem:$0x7FA];
	_ =	sdelay $0x2  }
0x11b: {  	s2 =	sand.u32 $0xFFFFF80, s26;
	[tilespmem:v35+s5+$0x0] =	vst.idx.msk $0xffff, v4  }
0x11c: {  	s3 =	sadd.s32 s8, s2;
	[tilespmem:v5+s5+$0x0] =	vst.idx.msk $0xffff, v6  }
0x11d: {  	[tilespmem:s17], [sflag:$0x2] =	stream.strided.gather [hbm4b:s3+s15], $0x1000, s16, s15, $0x38;
	[tilespmem:$0x1C400] =	vst v63  }
0x11e: {  	s3 =	sld [smem:$0x7FB]  }
0x11f: {  	s0 =	sadd.s32 s29, s2  }
0x120: {  	[tilespmem:s24], [sflag:$0x2] =	stream.strided.gather [hbm4b:s0+s15], $0x1000, s16, s15, $0x38;
	[tilespmem:$0x1C400] =	vst v63  }
0x121: {  	s13 =	sand.u32 $0xFFFFF80, s3  }
0x122: {  	s31 =	simm.s32 $0x17400;
	s2 =	sadd.s32 s28, s13  }
0x123: {  	[tilespmem:s31], [sflag:$0x2] =	stream.strided.gather [hbm4b:s2+s15], $0x1000, s16, s15, $0x38;
	[tilespmem:$0x1C400] =	vst v63  }
0x124: {  	s0 =	sadd.s32 s22, s13  }
0x125: {  	[tilespmem:s20], [sflag:$0x2] =	stream.strided.gather [hbm4b:s0+s15], $0x1000, s16, s15, $0x38;
	[tilespmem:$0x1C400] =	vst v63  }
0x126: {  	_ =	swait.ge [sflag:s7], $0x1000  }
0x127: {  	[sflag:s7] =	ssyncset.done $0x0  }
0x128: {  	[sflag:s7] =	ssyncadd.s32 $0xFFFFF000  }
0x129: {  	_ =	swait.ge [sflag:s7], $0x1000  }
0x12a: {  	[sflag:s7] =	ssyncset.done $0x0  }
0x12b: {  	[sflag:s7] =	ssyncadd.s32 $0xFFFFF000  }
0x12c: {  	s11 =	sand.u32 $0x7F, s11;
	_ =	swait.ge [sflag:s7], $0x1000  }
0x12d: {  	v4 =	vor.u32 s11, v0;
	s13 =	sadd.s32 $0xFFFFFFF6, s12;
	[sflag:s7] =	ssyncset.done $0x0  }
0x12e: {  	v39 =	vor.u32 s11, v1;
	v5 =	vmov s13;
	[sflag:s7] =	ssyncadd.s32 $0xFFFFF000  }
0x12f: {  	v40 =	vshll.u32 v5, $0x3;
	_ =	swait.ge [sflag:s7], $0x1000  }
0x130: {  	v5 =	vand.u32 $0x75, v5;
	v7 =	vand.u32 $0xC00, v40;
	[sflag:s7] =	ssyncset.done $0x0  }
0x131: {  	v5 =	vor.u32 v5, v7;
	[sflag:s7] =	ssyncadd.s32 $0xFFFFF000  }
0x132: {  	v42 =	vor.u32 v2, v5;
	v41 =	vld.idx.msk [tilespmem:v4+s23+$0x0], $0xffff  }
0x133: {  	v5 =	vor.u32 v3, v5;
	v43 =	vld.idx.msk [tilespmem:v39+s23+$0x0], $0xffff;
	_ =	sdelay $0x3  }
0x134: {  	[tilespmem:v42+s15+$0x0] =	vst.idx.msk $0xffff, v41  }
0x135: {  	s2 =	simm.s32 $0x15400;
	[tilespmem:v5+s15+$0x0] =	vst.idx.msk $0xffff, v43  }
0x136: {  	s13 =	simm.s32 $0x15400;
	v4 =	vld.idx.msk [tilespmem:v4+s2+$0x0], $0xffff  }
0x137: {  	s11 =	sand.u32 $0x7F, s10;
	v6 =	vld.idx.msk [tilespmem:v39+s13+$0x0], $0xffff  }
0x138: {  	v44 =	vor.u32 s11, v0  }
0x139: {  	v45 =	vor.u32 s11, v1;
	_ =	sdelay $0x1  }
0x13a: {  	[tilespmem:v42+s25+$0x0] =	vst.idx.msk $0xffff, v4  }
0x13b: {  	s2 =	simm.s32 $0x18400;
	[tilespmem:v5+s25+$0x0] =	vst.idx.msk $0xffff, v6  }
0x13c: {  	s11 =	simm.s32 $0x18400;
	v4 =	vld.idx.msk [tilespmem:v44+s2+$0x0], $0xffff  }
0x13d: {  	v6 =	vld.idx.msk [tilespmem:v45+s11+$0x0], $0xffff;
	_ =	sdelay $0x3  }
0x13e: {  	[tilespmem:v42+s4+$0x0] =	vst.idx.msk $0xffff, v4  }
0x13f: {  	s13 =	simm.s32 $0x1B400;
	[tilespmem:v5+s4+$0x0] =	vst.idx.msk $0xffff, v6  }
0x140: {  	s1 =	simm.s32 $0x1B400;
	v4 =	vld.idx.msk [tilespmem:v44+s13+$0x0], $0xffff  }
0x141: {  	v6 =	vld.idx.msk [tilespmem:v45+s1+$0x0], $0xffff;
	_ =	sdelay $0x2  }
0x142: {  	s13 =	rddreg [dreg:$0x1f]  }
0x143: {  	s2 =	sand.u32 $0xFFFFF80, s13;
	[tilespmem:v42+s5+$0x0] =	vst.idx.msk $0xffff, v4  }
0x144: {  	s11 =	sadd.s32 s8, s2;
	[tilespmem:v5+s5+$0x0] =	vst.idx.msk $0xffff, v6  }
0x145: {  	[tilespmem:s23], [sflag:$0x3] =	stream.strided.gather [hbm4b:s11+s15], $0x1000, s16, s15, $0x38;
	[tilespmem:$0x1C400] =	vst v63  }
0x146: {  	s0 =	sadd.s32 s29, s2;
	s23 =	simm.s32 $0x15400  }
0x147: {  	[tilespmem:s23], [sflag:$0x3] =	stream.strided.gather [hbm4b:s0+s15], $0x1000, s16, s15, $0x38;
	[tilespmem:$0x1C400] =	vst v63  }
0x148: {  	s23 =	sld [smem:$0x7FC];
	_ =	sdelay $0x2  }
0x149: {  	s10 =	smov.u32 s28;
	s0 =	sand.u32 $0xFFFFF80, s23  }
0x14a: {  	s11 =	simm.s32 $0x18400;
	s2 =	sadd.s32 s10, s0  }
0x14b: {  	[tilespmem:s11], [sflag:$0x3] =	stream.strided.gather [hbm4b:s2+s15], $0x1000, s16, s15, $0x38;
	[tilespmem:$0x1C400] =	vst v63  }
0x14c: {  	s0 =	sadd.s32 s22, s0;
	s2 =	simm.s32 $0x1B400  }
0x14d: {  	[tilespmem:s2], [sflag:$0x3] =	stream.strided.gather [hbm4b:s0+s15], $0x1000, s16, s15, $0x38;
	[tilespmem:$0x1C400] =	vst v63  }
0x14e: {  	_ =	swait.ge [sflag:s30], $0x1000  }
0x14f: {  	[sflag:s30] =	ssyncset.done $0x0  }
0x150: {  	[sflag:s30] =	ssyncadd.s32 $0xFFFFF000  }
0x151: {  	_ =	swait.ge [sflag:s30], $0x1000  }
0x152: {  	[sflag:s30] =	ssyncset.done $0x0  }
0x153: {  	[sflag:s30] =	ssyncadd.s32 $0xFFFFF000  }
0x154: {  	s9 =	sand.u32 $0x7F, s9;
	_ =	swait.ge [sflag:s30], $0x1000  }
0x155: {  	v4 =	vor.u32 s9, v0;
	s11 =	sadd.s32 $0xFFFFFFF7, s12;
	[sflag:s30] =	ssyncset.done $0x0  }
0x156: {  	v46 =	vor.u32 s9, v1;
	v5 =	vmov s11;
	[sflag:s30] =	ssyncadd.s32 $0xFFFFF000  }
0x157: {  	v47 =	vshll.u32 v5, $0x3;
	_ =	swait.ge [sflag:s30], $0x1000  }
0x158: {  	v5 =	vand.u32 $0x76, v5;
	v7 =	vand.u32 $0xC00, v47;
	[sflag:s30] =	ssyncset.done $0x0  }
0x159: {  	v5 =	vor.u32 v5, v7;
	[sflag:s30] =	ssyncadd.s32 $0xFFFFF000  }
0x15a: {  	v49 =	vor.u32 v2, v5;
	v48 =	vld.idx.msk [tilespmem:v4+s14+$0x0], $0xffff  }
0x15b: {  	v5 =	vor.u32 v3, v5;
	v50 =	vld.idx.msk [tilespmem:v46+s14+$0x0], $0xffff;
	_ =	sdelay $0x3  }
0x15c: {  	[tilespmem:v49+s15+$0x0] =	vst.idx.msk $0xffff, v48  }
0x15d: {  	[tilespmem:v5+s15+$0x0] =	vst.idx.msk $0xffff, v50  }
0x15e: {  	v4 =	vld.idx.msk [tilespmem:v4+s18+$0x0], $0xffff  }
0x15f: {  	s1 =	sand.u32 $0x7F, s21;
	v6 =	vld.idx.msk [tilespmem:v46+s18+$0x0], $0xffff  }
0x160: {  	v51 =	vor.u32 s1, v0  }
0x161: {  	v52 =	vor.u32 s1, v1;
	_ =	sdelay $0x1  }
0x162: {  	[tilespmem:v49+s25+$0x0] =	vst.idx.msk $0xffff, v4  }
0x163: {  	[tilespmem:v5+s25+$0x0] =	vst.idx.msk $0xffff, v6  }
0x164: {  	v4 =	vld.idx.msk [tilespmem:v51+s19+$0x0], $0xffff  }
0x165: {  	v6 =	vld.idx.msk [tilespmem:v52+s19+$0x0], $0xffff;
	_ =	sdelay $0x3  }
0x166: {  	[tilespmem:v49+s4+$0x0] =	vst.idx.msk $0xffff, v4  }
0x167: {  	s20 =	simm.s32 $0x19400;
	[tilespmem:v5+s4+$0x0] =	vst.idx.msk $0xffff, v6  }
0x168: {  	v4 =	vld.idx.msk [tilespmem:v51+s20+$0x0], $0xffff  }
0x169: {  	v6 =	vld.idx.msk [tilespmem:v52+s20+$0x0], $0xffff;
	_ =	sdelay $0x2  }
0x16a: {  	s9 =	rddreg [dreg:$0x1d]  }
0x16b: {  	s2 =	sand.u32 $0xFFFFF80, s9;
	[tilespmem:v49+s5+$0x0] =	vst.idx.msk $0xffff, v4  }
0x16c: {  	s11 =	sadd.s32 s8, s2;
	[tilespmem:v5+s5+$0x0] =	vst.idx.msk $0xffff, v6  }
0x16d: {  	[tilespmem:s14], [sflag:$0x1] =	stream.strided.gather [hbm4b:s11+s15], $0x1000, s16, s15, $0x38;
	[tilespmem:$0x1C400] =	vst v63  }
0x16e: {  	s11 =	sld [smem:$0x7FD]  }
0x16f: {  	s0 =	sadd.s32 s29, s2  }
0x170: {  	[tilespmem:s18], [sflag:$0x1] =	stream.strided.gather [hbm4b:s0+s15], $0x1000, s16, s15, $0x38;
	[tilespmem:$0x1C400] =	vst v63  }
0x171: {  	s0 =	sand.u32 $0xFFFFF80, s11  }
0x172: {  	s2 =	sadd.s32 s10, s0  }
0x173: {  	[tilespmem:s19], [sflag:$0x1] =	stream.strided.gather [hbm4b:s2+s15], $0x1000, s16, s15, $0x38;
	[tilespmem:$0x1C400] =	vst v63  }
0x174: {  	s0 =	sadd.s32 s22, s0  }
0x175: {  	[tilespmem:s20], [sflag:$0x1] =	stream.strided.gather [hbm4b:s0+s15], $0x1000, s16, s15, $0x38;
	[tilespmem:$0x1C400] =	vst v63  }
0x176: {  	_ =	swait.ge [sflag:s6], $0x1000  }
0x177: {  	[sflag:s6] =	ssyncset.done $0x0  }
0x178: {  	[sflag:s6] =	ssyncadd.s32 $0xFFFFF000  }
0x179: {  	_ =	swait.ge [sflag:s6], $0x1000  }
0x17a: {  	[sflag:s6] =	ssyncset.done $0x0  }
0x17b: {  	[sflag:s6] =	ssyncadd.s32 $0xFFFFF000  }
0x17c: {  	s2 =	sand.u32 $0x7F, s26;
	_ =	swait.ge [sflag:s6], $0x1000  }
0x17d: {  	s26 =	sadd.s32 $0xFFFFFFF8, s12;
	v4 =	vor.u32 s2, v0;
	[sflag:s6] =	ssyncset.done $0x0  }
0x17e: {  	v5 =	vmov s26;
	v53 =	vor.u32 s2, v1;
	[sflag:s6] =	ssyncadd.s32 $0xFFFFF000  }
0x17f: {  	v54 =	vshll.u32 v5, $0x3;
	_ =	swait.ge [sflag:s6], $0x1000  }
0x180: {  	v5 =	vand.u32 $0x77, v5;
	v7 =	vand.u32 $0xC00, v54;
	[sflag:s6] =	ssyncset.done $0x0  }
0x181: {  	v5 =	vor.u32 v5, v7;
	[sflag:s6] =	ssyncadd.s32 $0xFFFFF000  }
0x182: {  	v56 =	vor.u32 v2, v5;
	v55 =	vld.idx.msk [tilespmem:v4+s17+$0x0], $0xffff  }
0x183: {  	v5 =	vor.u32 v3, v5;
	v57 =	vld.idx.msk [tilespmem:v53+s17+$0x0], $0xffff;
	_ =	sdelay $0x3  }
0x184: {  	[tilespmem:v56+s15+$0x0] =	vst.idx.msk $0xffff, v55  }
0x185: {  	[tilespmem:v5+s15+$0x0] =	vst.idx.msk $0xffff, v57  }
0x186: {  	v4 =	vld.idx.msk [tilespmem:v4+s24+$0x0], $0xffff  }
0x187: {  	s1 =	sand.u32 $0x7F, s3;
	v6 =	vld.idx.msk [tilespmem:v53+s24+$0x0], $0xffff  }
0x188: {  	v58 =	vor.u32 s1, v0  }
0x189: {  	v59 =	vor.u32 s1, v1;
	_ =	sdelay $0x1  }
0x18a: {  	[tilespmem:v56+s25+$0x0] =	vst.idx.msk $0xffff, v4  }
0x18b: {  	[tilespmem:v5+s25+$0x0] =	vst.idx.msk $0xffff, v6  }
0x18c: {  	v4 =	vld.idx.msk [tilespmem:v58+s31+$0x0], $0xffff  }
0x18d: {  	v6 =	vld.idx.msk [tilespmem:v59+s31+$0x0], $0xffff;
	_ =	sdelay $0x3  }
0x18e: {  	[tilespmem:v56+s4+$0x0] =	vst.idx.msk $0xffff, v4  }
0x18f: {  	s28 =	simm.s32 $0x1A400;
	[tilespmem:v5+s4+$0x0] =	vst.idx.msk $0xffff, v6  }
0x190: {  	v4 =	vld.idx.msk [tilespmem:v58+s28+$0x0], $0xffff  }
0x191: {  	v6 =	vld.idx.msk [tilespmem:v59+s28+$0x0], $0xffff;
	_ =	sdelay $0x2  }
0x192: {  	s26 =	rddreg [dreg:$0x1b]  }
0x193: {  	s21 =	smov.u32 s29;
	s2 =	sand.u32 $0xFFFFF80, s26;
	[tilespmem:v56+s5+$0x0] =	vst.idx.msk $0xffff, v4  }
0x194: {  	s3 =	sadd.s32 s8, s2;
	s0 =	sadd.s32 s29, s2;
	s29 =	rddreg [dreg:$0x1e];
	[tilespmem:v5+s5+$0x0] =	vst.idx.msk $0xffff, v6  }
0x195: {  	[tilespmem:s17], [sflag:$0x2] =	stream.strided.gather [hbm4b:s3+s15], $0x1000, s16, s15, $0x38;
	[tilespmem:$0x1C400] =	vst v63  }
0x196: {  	s2 =	sand.u32 $0xFFFFF80, s29  }
0x197: {  	[tilespmem:s24], [sflag:$0x2] =	stream.strided.gather [hbm4b:s0+s15], $0x1000, s16, s15, $0x38;
	[tilespmem:$0x1C400] =	vst v63  }
0x198: {  	s3 =	sadd.s32 s10, s2  }
0x199: {  	[tilespmem:s31], [sflag:$0x2] =	stream.strided.gather [hbm4b:s3+s15], $0x1000, s16, s15, $0x38;
	[tilespmem:$0x1C400] =	vst v63  }
0x19a: {  	s0 =	sadd.s32 s22, s2  }
0x19b: {  	[tilespmem:s28], [sflag:$0x2] =	stream.strided.gather [hbm4b:s0+s15], $0x1000, s16, s15, $0x38;
	[tilespmem:$0x1C400] =	vst v63  }
0x19c: {  	_ =	swait.ge [sflag:s7], $0x1000  }
0x19d: {  	[sflag:s7] =	ssyncset.done $0x0  }
0x19e: {  	[sflag:s7] =	ssyncadd.s32 $0xFFFFF000  }
0x19f: {  	_ =	swait.ge [sflag:s7], $0x1000  }
0x1a0: {  	[sflag:s7] =	ssyncset.done $0x0  }
0x1a1: {  	[sflag:s7] =	ssyncadd.s32 $0xFFFFF000  }
0x1a2: {  	s2 =	sand.u32 $0x7F, s13;
	_ =	swait.ge [sflag:s7], $0x1000  }
0x1a3: {  	v4 =	vor.u32 s2, v0;
	s3 =	sadd.s32 $0xFFFFFFF9, s12;
	[sflag:s7] =	ssyncset.done $0x0  }
0x1a4: {  	v60 =	vor.u32 s2, v1;
	v5 =	vmov s3;
	[sflag:s7] =	ssyncadd.s32 $0xFFFFF000  }
0x1a5: {  	v61 =	vshll.u32 v5, $0x3;
	_ =	swait.ge [sflag:s7], $0x1000  }
0x1a6: {  	v5 =	vand.u32 $0x78, v5;
	v7 =	vand.u32 $0xC00, v61;
	[sflag:s7] =	ssyncset.done $0x0  }
0x1a7: {  	s13 =	simm.s32 $0x12400;
	v5 =	vor.u32 v5, v7;
	[sflag:s7] =	ssyncadd.s32 $0xFFFFF000  }
0x1a8: {  	v63 =	vor.u32 v2, v5;
	v62 =	vld.idx.msk [tilespmem:v4+s13+$0x0], $0xffff  }
0x1a9: {  	v5 =	vor.u32 v3, v5;
	v12 =	vld.idx.msk [tilespmem:v60+s13+$0x0], $0xffff;
	_ =	sdelay $0x3  }
0x1aa: {  	[tilespmem:v63+s15+$0x0] =	vst.idx.msk $0xffff, v62  }
0x1ab: {  	s1 =	simm.s32 $0x15400;
	[tilespmem:v5+s15+$0x0] =	vst.idx.msk $0xffff, v12  }
0x1ac: {  	s13 =	simm.s32 $0x15400;
	v4 =	vld.idx.msk [tilespmem:v4+s1+$0x0], $0xffff  }
0x1ad: {  	s3 =	sand.u32 $0x7F, s23;
	v6 =	vld.idx.msk [tilespmem:v60+s13+$0x0], $0xffff  }
0x1ae: {  	v13 =	vor.u32 s3, v0  }
0x1af: {  	v14 =	vor.u32 s3, v1;
	_ =	sdelay $0x1  }
0x1b0: {  	[tilespmem:v63+s25+$0x0] =	vst.idx.msk $0xffff, v4  }
0x1b1: {  	s23 =	simm.s32 $0x18400;
	[tilespmem:v5+s25+$0x0] =	vst.idx.msk $0xffff, v6  }
0x1b2: {  	s1 =	simm.s32 $0x18400;
	v4 =	vld.idx.msk [tilespmem:v13+s23+$0x0], $0xffff  }
0x1b3: {  	v6 =	vld.idx.msk [tilespmem:v14+s1+$0x0], $0xffff;
	_ =	sdelay $0x3  }
0x1b4: {  	[tilespmem:v63+s4+$0x0] =	vst.idx.msk $0xffff, v4  }
0x1b5: {  	s3 =	simm.s32 $0x1B400;
	[tilespmem:v5+s4+$0x0] =	vst.idx.msk $0xffff, v6  }
0x1b6: {  	s13 =	simm.s32 $0x1B400;
	v4 =	vld.idx.msk [tilespmem:v13+s3+$0x0], $0xffff  }
0x1b7: {  	v6 =	vld.idx.msk [tilespmem:v14+s13+$0x0], $0xffff;
	_ =	sdelay $0x2  }
0x1b8: {  	s13 =	rddreg [dreg:$0x19]  }
0x1b9: {  	s23 =	sand.u32 $0xFFFFF80, s13;
	[tilespmem:v63+s5+$0x0] =	vst.idx.msk $0xffff, v4  }
0x1ba: {  	s2 =	simm.s32 $0x12400;
	s3 =	sadd.s32 s8, s23;
	[tilespmem:v5+s5+$0x0] =	vst.idx.msk $0xffff, v6  }
0x1bb: {  	[tilespmem:s2], [sflag:$0x3] =	stream.strided.gather [hbm4b:s3+s15], $0x1000, s16, s15, $0x38;
	[tilespmem:$0x1C400] =	vst v63  }
0x1bc: {  	s0 =	sadd.s32 s21, s23;
	s23 =	simm.s32 $0x15400  }
0x1bd: {  	[tilespmem:s23], [sflag:$0x3] =	stream.strided.gather [hbm4b:s0+s15], $0x1000, s16, s15, $0x38;
	[tilespmem:$0x1C400] =	vst v63  }
0x1be: {  	s23 =	rddreg [dreg:$0x1c]  }
0x1bf: {  	s0 =	sand.u32 $0xFFFFF80, s23  }
0x1c0: {  	s3 =	simm.s32 $0x18400;
	s2 =	sadd.s32 s10, s0  }
0x1c1: {  	[tilespmem:s3], [sflag:$0x3] =	stream.strided.gather [hbm4b:s2+s15], $0x1000, s16, s15, $0x38;
	[tilespmem:$0x1C400] =	vst v63  }
0x1c2: {  	s0 =	sadd.s32 s22, s0;
	s3 =	simm.s32 $0x1B400  }
0x1c3: {  	[tilespmem:s3], [sflag:$0x3] =	stream.strided.gather [hbm4b:s0+s15], $0x1000, s16, s15, $0x38;
	[tilespmem:$0x1C400] =	vst v63  }
0x1c4: {  	_ =	swait.ge [sflag:s30], $0x1000  }
0x1c5: {  	[sflag:s30] =	ssyncset.done $0x0  }
0x1c6: {  	[sflag:s30] =	ssyncadd.s32 $0xFFFFF000  }
0x1c7: {  	_ =	swait.ge [sflag:s30], $0x1000  }
0x1c8: {  	[sflag:s30] =	ssyncset.done $0x0  }
0x1c9: {  	[sflag:s30] =	ssyncadd.s32 $0xFFFFF000  }
0x1ca: {  	s2 =	sand.u32 $0x7F, s9;
	_ =	swait.ge [sflag:s30], $0x1000  }
0x1cb: {  	v4 =	vor.u32 s2, v0;
	s3 =	sadd.s32 $0xFFFFFFFA, s12;
	[sflag:s30] =	ssyncset.done $0x0  }
0x1cc: {  	v15 =	vor.u32 s2, v1;
	v5 =	vmov s3;
	[sflag:s30] =	ssyncadd.s32 $0xFFFFF000  }
0x1cd: {  	v16 =	vshll.u32 v5, $0x3;
	_ =	swait.ge [sflag:s30], $0x1000  }
0x1ce: {  	v5 =	vand.u32 $0x79, v5;
	v7 =	vand.u32 $0xC00, v16;
	[sflag:s30] =	ssyncset.done $0x0  }
0x1cf: {  	v5 =	vor.u32 v5, v7;
	[sflag:s30] =	ssyncadd.s32 $0xFFFFF000  }
0x1d0: {  	v18 =	vor.u32 v2, v5;
	v17 =	vld.idx.msk [tilespmem:v4+s14+$0x0], $0xffff  }
0x1d1: {  	v5 =	vor.u32 v3, v5;
	v19 =	vld.idx.msk [tilespmem:v15+s14+$0x0], $0xffff;
	_ =	sdelay $0x3  }
0x1d2: {  	[tilespmem:v18+s15+$0x0] =	vst.idx.msk $0xffff, v17  }
0x1d3: {  	[tilespmem:v5+s15+$0x0] =	vst.idx.msk $0xffff, v19  }
0x1d4: {  	v4 =	vld.idx.msk [tilespmem:v4+s18+$0x0], $0xffff  }
0x1d5: {  	s9 =	sand.u32 $0x7F, s11;
	v6 =	vld.idx.msk [tilespmem:v15+s18+$0x0], $0xffff  }
0x1d6: {  	v20 =	vor.u32 s9, v0  }
0x1d7: {  	v21 =	vor.u32 s9, v1;
	_ =	sdelay $0x1  }
0x1d8: {  	[tilespmem:v18+s25+$0x0] =	vst.idx.msk $0xffff, v4  }
0x1d9: {  	[tilespmem:v5+s25+$0x0] =	vst.idx.msk $0xffff, v6  }
0x1da: {  	v4 =	vld.idx.msk [tilespmem:v20+s19+$0x0], $0xffff  }
0x1db: {  	v6 =	vld.idx.msk [tilespmem:v21+s19+$0x0], $0xffff;
	_ =	sdelay $0x3  }
0x1dc: {  	[tilespmem:v18+s4+$0x0] =	vst.idx.msk $0xffff, v4  }
0x1dd: {  	[tilespmem:v5+s4+$0x0] =	vst.idx.msk $0xffff, v6  }
0x1de: {  	v4 =	vld.idx.msk [tilespmem:v20+s20+$0x0], $0xffff  }
0x1df: {  	v6 =	vld.idx.msk [tilespmem:v21+s20+$0x0], $0xffff;
	_ =	sdelay $0x2  }
0x1e0: {  	s9 =	rddreg [dreg:$0x17]  }
0x1e1: {  	s11 =	sand.u32 $0xFFFFF80, s9;
	[tilespmem:v18+s5+$0x0] =	vst.idx.msk $0xffff, v4  }
0x1e2: {  	s2 =	sadd.s32 s8, s11;
	s0 =	sadd.s32 s21, s11;
	s11 =	rddreg [dreg:$0x1a];
	[tilespmem:v5+s5+$0x0] =	vst.idx.msk $0xffff, v6  }
0x1e3: {  	[tilespmem:s14], [sflag:$0x1] =	stream.strided.gather [hbm4b:s2+s15], $0x1000, s16, s15, $0x38;
	[tilespmem:$0x1C400] =	vst v63  }
0x1e4: {  	s3 =	sand.u32 $0xFFFFF80, s11  }
0x1e5: {  	[tilespmem:s18], [sflag:$0x1] =	stream.strided.gather [hbm4b:s0+s15], $0x1000, s16, s15, $0x38;
	[tilespmem:$0x1C400] =	vst v63  }
0x1e6: {  	s2 =	sadd.s32 s10, s3  }
0x1e7: {  	[tilespmem:s19], [sflag:$0x1] =	stream.strided.gather [hbm4b:s2+s15], $0x1000, s16, s15, $0x38;
	[tilespmem:$0x1C400] =	vst v63  }
0x1e8: {  	s0 =	sadd.s32 s22, s3  }
0x1e9: {  	[tilespmem:s20], [sflag:$0x1] =	stream.strided.gather [hbm4b:s0+s15], $0x1000, s16, s15, $0x38;
	[tilespmem:$0x1C400] =	vst v63  }
0x1ea: {  	_ =	swait.ge [sflag:s6], $0x1000  }
0x1eb: {  	[sflag:s6] =	ssyncset.done $0x0  }
0x1ec: {  	[sflag:s6] =	ssyncadd.s32 $0xFFFFF000  }
0x1ed: {  	_ =	swait.ge [sflag:s6], $0x1000  }
0x1ee: {  	[sflag:s6] =	ssyncset.done $0x0  }
0x1ef: {  	[sflag:s6] =	ssyncadd.s32 $0xFFFFF000  }
0x1f0: {  	s3 =	sand.u32 $0x7F, s26;
	_ =	swait.ge [sflag:s6], $0x1000  }
0x1f1: {  	s26 =	sadd.s32 $0xFFFFFFFB, s12;
	v4 =	vor.u32 s3, v0;
	[sflag:s6] =	ssyncset.done $0x0  }
0x1f2: {  	v5 =	vmov s26;
	v22 =	vor.u32 s3, v1;
	[sflag:s6] =	ssyncadd.s32 $0xFFFFF000  }
0x1f3: {  	v23 =	vshll.u32 v5, $0x3;
	_ =	swait.ge [sflag:s6], $0x1000  }
0x1f4: {  	v5 =	vand.u32 $0x7A, v5;
	v7 =	vand.u32 $0xC00, v23;
	[sflag:s6] =	ssyncset.done $0x0  }
0x1f5: {  	v5 =	vor.u32 v5, v7;
	[sflag:s6] =	ssyncadd.s32 $0xFFFFF000  }
0x1f6: {  	v25 =	vor.u32 v2, v5;
	v24 =	vld.idx.msk [tilespmem:v4+s17+$0x0], $0xffff  }
0x1f7: {  	v5 =	vor.u32 v3, v5;
	v26 =	vld.idx.msk [tilespmem:v22+s17+$0x0], $0xffff;
	_ =	sdelay $0x3  }
0x1f8: {  	[tilespmem:v25+s15+$0x0] =	vst.idx.msk $0xffff, v24  }
0x1f9: {  	[tilespmem:v5+s15+$0x0] =	vst.idx.msk $0xffff, v26  }
0x1fa: {  	v4 =	vld.idx.msk [tilespmem:v4+s24+$0x0], $0xffff  }
0x1fb: {  	s1 =	sand.u32 $0x7F, s29;
	v6 =	vld.idx.msk [tilespmem:v22+s24+$0x0], $0xffff  }
0x1fc: {  	v27 =	vor.u32 s1, v0  }
0x1fd: {  	v28 =	vor.u32 s1, v1;
	_ =	sdelay $0x1  }
0x1fe: {  	[tilespmem:v25+s25+$0x0] =	vst.idx.msk $0xffff, v4  }
0x1ff: {  	[tilespmem:v5+s25+$0x0] =	vst.idx.msk $0xffff, v6  }
0x200: {  	v4 =	vld.idx.msk [tilespmem:v27+s31+$0x0], $0xffff  }
0x201: {  	v6 =	vld.idx.msk [tilespmem:v28+s31+$0x0], $0xffff;
	_ =	sdelay $0x3  }
0x202: {  	[tilespmem:v25+s4+$0x0] =	vst.idx.msk $0xffff, v4  }
0x203: {  	[tilespmem:v5+s4+$0x0] =	vst.idx.msk $0xffff, v6  }
0x204: {  	v4 =	vld.idx.msk [tilespmem:v27+s28+$0x0], $0xffff  }
0x205: {  	v6 =	vld.idx.msk [tilespmem:v28+s28+$0x0], $0xffff;
	_ =	sdelay $0x2  }
0x206: {  	s26 =	rddreg [dreg:$0x15]  }
0x207: {  	s2 =	sand.u32 $0xFFFFF80, s26;
	[tilespmem:v25+s5+$0x0] =	vst.idx.msk $0xffff, v4  }
0x208: {  	s29 =	rddreg [dreg:$0x18];
	s3 =	sadd.s32 s8, s2;
	[tilespmem:v5+s5+$0x0] =	vst.idx.msk $0xffff, v6  }
0x209: {  	[tilespmem:s17], [sflag:$0x2] =	stream.strided.gather [hbm4b:s3+s15], $0x1000, s16, s15, $0x38;
	[tilespmem:$0x1C400] =	vst v63  }
0x20a: {  	s0 =	sadd.s32 s21, s2;
	s2 =	sand.u32 $0xFFFFF80, s29  }
0x20b: {  	[tilespmem:s24], [sflag:$0x2] =	stream.strided.gather [hbm4b:s0+s15], $0x1000, s16, s15, $0x38;
	[tilespmem:$0x1C400] =	vst v63  }
0x20c: {  	s3 =	sadd.s32 s10, s2  }
0x20d: {  	[tilespmem:s31], [sflag:$0x2] =	stream.strided.gather [hbm4b:s3+s15], $0x1000, s16, s15, $0x38;
	[tilespmem:$0x1C400] =	vst v63  }
0x20e: {  	s0 =	sadd.s32 s22, s2  }
0x20f: {  	[tilespmem:s28], [sflag:$0x2] =	stream.strided.gather [hbm4b:s0+s15], $0x1000, s16, s15, $0x38;
	[tilespmem:$0x1C400] =	vst v63  }
0x210: {  	_ =	swait.ge [sflag:s7], $0x1000  }
0x211: {  	[sflag:s7] =	ssyncset.done $0x0  }
0x212: {  	[sflag:s7] =	ssyncadd.s32 $0xFFFFF000  }
0x213: {  	_ =	swait.ge [sflag:s7], $0x1000  }
0x214: {  	[sflag:s7] =	ssyncset.done $0x0  }
0x215: {  	[sflag:s7] =	ssyncadd.s32 $0xFFFFF000  }
0x216: {  	s2 =	sand.u32 $0x7F, s13;
	_ =	swait.ge [sflag:s7], $0x1000  }
0x217: {  	v4 =	vor.u32 s2, v0;
	s3 =	sadd.s32 $0xFFFFFFFC, s12;
	[sflag:s7] =	ssyncset.done $0x0  }
0x218: {  	v29 =	vor.u32 s2, v1;
	v5 =	vmov s3;
	[sflag:s7] =	ssyncadd.s32 $0xFFFFF000  }
0x219: {  	v30 =	vshll.u32 v5, $0x3;
	_ =	swait.ge [sflag:s7], $0x1000  }
0x21a: {  	v5 =	vand.u32 $0x7B, v5;
	v7 =	vand.u32 $0xC00, v30;
	[sflag:s7] =	ssyncset.done $0x0  }
0x21b: {  	s13 =	simm.s32 $0x12400;
	v5 =	vor.u32 v5, v7;
	[sflag:s7] =	ssyncadd.s32 $0xFFFFF000  }
0x21c: {  	v32 =	vor.u32 v2, v5;
	v31 =	vld.idx.msk [tilespmem:v4+s13+$0x0], $0xffff  }
0x21d: {  	v5 =	vor.u32 v3, v5;
	v33 =	vld.idx.msk [tilespmem:v29+s13+$0x0], $0xffff;
	_ =	sdelay $0x3  }
0x21e: {  	[tilespmem:v32+s15+$0x0] =	vst.idx.msk $0xffff, v31  }
0x21f: {  	s1 =	simm.s32 $0x15400;
	[tilespmem:v5+s15+$0x0] =	vst.idx.msk $0xffff, v33  }
0x220: {  	s13 =	simm.s32 $0x15400;
	v4 =	vld.idx.msk [tilespmem:v4+s1+$0x0], $0xffff  }
0x221: {  	s2 =	sand.u32 $0x7F, s23;
	v6 =	vld.idx.msk [tilespmem:v29+s13+$0x0], $0xffff  }
0x222: {  	v34 =	vor.u32 s2, v0  }
0x223: {  	v35 =	vor.u32 s2, v1;
	_ =	sdelay $0x1  }
0x224: {  	[tilespmem:v32+s25+$0x0] =	vst.idx.msk $0xffff, v4  }
0x225: {  	s23 =	simm.s32 $0x18400;
	[tilespmem:v5+s25+$0x0] =	vst.idx.msk $0xffff, v6  }
0x226: {  	s1 =	simm.s32 $0x18400;
	v4 =	vld.idx.msk [tilespmem:v34+s23+$0x0], $0xffff  }
0x227: {  	v6 =	vld.idx.msk [tilespmem:v35+s1+$0x0], $0xffff;
	_ =	sdelay $0x3  }
0x228: {  	[tilespmem:v32+s4+$0x0] =	vst.idx.msk $0xffff, v4  }
0x229: {  	s2 =	simm.s32 $0x1B400;
	[tilespmem:v5+s4+$0x0] =	vst.idx.msk $0xffff, v6  }
0x22a: {  	s13 =	simm.s32 $0x1B400;
	v4 =	vld.idx.msk [tilespmem:v34+s2+$0x0], $0xffff  }
0x22b: {  	v6 =	vld.idx.msk [tilespmem:v35+s13+$0x0], $0xffff;
	_ =	sdelay $0x2  }
0x22c: {  	s13 =	rddreg [dreg:$0x13]  }
0x22d: {  	s23 =	sand.u32 $0xFFFFF80, s13;
	[tilespmem:v32+s5+$0x0] =	vst.idx.msk $0xffff, v4  }
0x22e: {  	s3 =	simm.s32 $0x12400;
	s2 =	sadd.s32 s8, s23;
	[tilespmem:v5+s5+$0x0] =	vst.idx.msk $0xffff, v6  }
0x22f: {  	[tilespmem:s3], [sflag:$0x3] =	stream.strided.gather [hbm4b:s2+s15], $0x1000, s16, s15, $0x38;
	[tilespmem:$0x1C400] =	vst v63  }
0x230: {  	s0 =	sadd.s32 s21, s23;
	s23 =	simm.s32 $0x15400  }
0x231: {  	[tilespmem:s23], [sflag:$0x3] =	stream.strided.gather [hbm4b:s0+s15], $0x1000, s16, s15, $0x38;
	[tilespmem:$0x1C400] =	vst v63  }
0x232: {  	s23 =	rddreg [dreg:$0x16]  }
0x233: {  	s0 =	sand.u32 $0xFFFFF80, s23  }
0x234: {  	s2 =	simm.s32 $0x18400;
	s1 =	sadd.s32 s10, s0  }
0x235: {  	[tilespmem:s2], [sflag:$0x3] =	stream.strided.gather [hbm4b:s1+s15], $0x1000, s16, s15, $0x38;
	[tilespmem:$0x1C400] =	vst v63  }
0x236: {  	s0 =	sadd.s32 s22, s0;
	s2 =	simm.s32 $0x1B400  }
0x237: {  	[tilespmem:s2], [sflag:$0x3] =	stream.strided.gather [hbm4b:s0+s15], $0x1000, s16, s15, $0x38;
	[tilespmem:$0x1C400] =	vst v63  }
0x238: {  	_ =	swait.ge [sflag:s30], $0x1000  }
0x239: {  	[sflag:s30] =	ssyncset.done $0x0  }
0x23a: {  	[sflag:s30] =	ssyncadd.s32 $0xFFFFF000  }
0x23b: {  	_ =	swait.ge [sflag:s30], $0x1000  }
0x23c: {  	[sflag:s30] =	ssyncset.done $0x0  }
0x23d: {  	[sflag:s30] =	ssyncadd.s32 $0xFFFFF000  }
0x23e: {  	s2 =	sand.u32 $0x7F, s9;
	_ =	swait.ge [sflag:s30], $0x1000  }
0x23f: {  	s9 =	sadd.s32 $0xFFFFFFFD, s12;
	v4 =	vor.u32 s2, v0;
	[sflag:s30] =	ssyncset.done $0x0  }
0x240: {  	v5 =	vmov s9;
	v36 =	vor.u32 s2, v1;
	[sflag:s30] =	ssyncadd.s32 $0xFFFFF000  }
0x241: {  	v37 =	vshll.u32 v5, $0x3;
	_ =	swait.ge [sflag:s30], $0x1000  }
0x242: {  	v5 =	vand.u32 $0x7C, v5;
	v7 =	vand.u32 $0xC00, v37;
	[sflag:s30] =	ssyncset.done $0x0  }
0x243: {  	v5 =	vor.u32 v5, v7;
	[sflag:s30] =	ssyncadd.s32 $0xFFFFF000  }
0x244: {  	v39 =	vor.u32 v2, v5;
	v38 =	vld.idx.msk [tilespmem:v4+s14+$0x0], $0xffff  }
0x245: {  	v5 =	vor.u32 v3, v5;
	v40 =	vld.idx.msk [tilespmem:v36+s14+$0x0], $0xffff;
	_ =	sdelay $0x3  }
0x246: {  	[tilespmem:v39+s15+$0x0] =	vst.idx.msk $0xffff, v38  }
0x247: {  	[tilespmem:v5+s15+$0x0] =	vst.idx.msk $0xffff, v40  }
0x248: {  	v4 =	vld.idx.msk [tilespmem:v4+s18+$0x0], $0xffff  }
0x249: {  	s1 =	sand.u32 $0x7F, s11;
	v6 =	vld.idx.msk [tilespmem:v36+s18+$0x0], $0xffff  }
0x24a: {  	v41 =	vor.u32 s1, v0  }
0x24b: {  	v42 =	vor.u32 s1, v1;
	_ =	sdelay $0x1  }
0x24c: {  	[tilespmem:v39+s25+$0x0] =	vst.idx.msk $0xffff, v4  }
0x24d: {  	[tilespmem:v5+s25+$0x0] =	vst.idx.msk $0xffff, v6  }
0x24e: {  	v4 =	vld.idx.msk [tilespmem:v41+s19+$0x0], $0xffff  }
0x24f: {  	v6 =	vld.idx.msk [tilespmem:v42+s19+$0x0], $0xffff;
	_ =	sdelay $0x3  }
0x250: {  	[tilespmem:v39+s4+$0x0] =	vst.idx.msk $0xffff, v4  }
0x251: {  	[tilespmem:v5+s4+$0x0] =	vst.idx.msk $0xffff, v6  }
0x252: {  	v4 =	vld.idx.msk [tilespmem:v41+s20+$0x0], $0xffff  }
0x253: {  	v6 =	vld.idx.msk [tilespmem:v42+s20+$0x0], $0xffff;
	_ =	sdelay $0x2  }
0x254: {  	s9 =	rddreg [dreg:$0x12]  }
0x255: {  	s2 =	sand.u32 $0xFFFFF80, s9;
	[tilespmem:v39+s5+$0x0] =	vst.idx.msk $0xffff, v4  }
0x256: {  	s11 =	sadd.s32 s8, s2;
	[tilespmem:v5+s5+$0x0] =	vst.idx.msk $0xffff, v6  }
0x257: {  	[tilespmem:s14], [sflag:$0x1] =	stream.strided.gather [hbm4b:s11+s15], $0x1000, s16, s15, $0x38;
	[tilespmem:$0x1C400] =	vst v63  }
0x258: {  	s0 =	sadd.s32 s21, s2;
	s11 =	rddreg [dreg:$0x14]  }
0x259: {  	[tilespmem:s18], [sflag:$0x1] =	stream.strided.gather [hbm4b:s0+s15], $0x1000, s16, s15, $0x38;
	[tilespmem:$0x1C400] =	vst v63  }
0x25a: {  	s0 =	sand.u32 $0xFFFFF80, s11  }
0x25b: {  	s2 =	sadd.s32 s10, s0  }
0x25c: {  	[tilespmem:s19], [sflag:$0x1] =	stream.strided.gather [hbm4b:s2+s15], $0x1000, s16, s15, $0x38;
	[tilespmem:$0x1C400] =	vst v63  }
0x25d: {  	s0 =	sadd.s32 s22, s0  }
0x25e: {  	[tilespmem:s20], [sflag:$0x1] =	stream.strided.gather [hbm4b:s0+s15], $0x1000, s16, s15, $0x38;
	[tilespmem:$0x1C400] =	vst v63  }
0x25f: {  	_ =	swait.ge [sflag:s6], $0x1000  }
0x260: {  	[sflag:s6] =	ssyncset.done $0x0  }
0x261: {  	[sflag:s6] =	ssyncadd.s32 $0xFFFFF000  }
0x262: {  	_ =	swait.ge [sflag:s6], $0x1000  }
0x263: {  	[sflag:s6] =	ssyncset.done $0x0  }
0x264: {  	[sflag:s6] =	ssyncadd.s32 $0xFFFFF000  }
0x265: {  	s26 =	sand.u32 $0x7F, s26;
	_ =	swait.ge [sflag:s6], $0x1000  }
0x266: {  	v4 =	vor.u32 s26, v0;
	s2 =	sadd.s32 $0xFFFFFFFE, s12;
	[sflag:s6] =	ssyncset.done $0x0  }
0x267: {  	v43 =	vor.u32 s26, v1;
	v5 =	vmov s2;
	[sflag:s6] =	ssyncadd.s32 $0xFFFFF000  }
0x268: {  	v44 =	vshll.u32 v5, $0x3;
	_ =	swait.ge [sflag:s6], $0x1000  }
0x269: {  	v5 =	vand.u32 $0x7D, v5;
	v7 =	vand.u32 $0xC00, v44;
	[sflag:s6] =	ssyncset.done $0x0  }
0x26a: {  	v5 =	vor.u32 v5, v7;
	[sflag:s6] =	ssyncadd.s32 $0xFFFFF000  }
0x26b: {  	v46 =	vor.u32 v2, v5;
	v45 =	vld.idx.msk [tilespmem:v4+s17+$0x0], $0xffff  }
0x26c: {  	v5 =	vor.u32 v3, v5;
	v47 =	vld.idx.msk [tilespmem:v43+s17+$0x0], $0xffff;
	_ =	sdelay $0x3  }
0x26d: {  	[tilespmem:v46+s15+$0x0] =	vst.idx.msk $0xffff, v45  }
0x26e: {  	[tilespmem:v5+s15+$0x0] =	vst.idx.msk $0xffff, v47  }
0x26f: {  	v4 =	vld.idx.msk [tilespmem:v4+s24+$0x0], $0xffff  }
0x270: {  	s26 =	sand.u32 $0x7F, s29;
	v6 =	vld.idx.msk [tilespmem:v43+s24+$0x0], $0xffff  }
0x271: {  	v48 =	vor.u32 s26, v0  }
0x272: {  	v49 =	vor.u32 s26, v1;
	_ =	sdelay $0x1  }
0x273: {  	[tilespmem:v46+s25+$0x0] =	vst.idx.msk $0xffff, v4  }
0x274: {  	[tilespmem:v5+s25+$0x0] =	vst.idx.msk $0xffff, v6  }
0x275: {  	v4 =	vld.idx.msk [tilespmem:v48+s31+$0x0], $0xffff  }
0x276: {  	v6 =	vld.idx.msk [tilespmem:v49+s31+$0x0], $0xffff;
	_ =	sdelay $0x3  }
0x277: {  	[tilespmem:v46+s4+$0x0] =	vst.idx.msk $0xffff, v4  }
0x278: {  	[tilespmem:v5+s4+$0x0] =	vst.idx.msk $0xffff, v6  }
0x279: {  	v4 =	vld.idx.msk [tilespmem:v48+s28+$0x0], $0xffff  }
0x27a: {  	v6 =	vld.idx.msk [tilespmem:v49+s28+$0x0], $0xffff;
	_ =	sdelay $0x3  }
0x27b: {  	[tilespmem:v46+s5+$0x0] =	vst.idx.msk $0xffff, v4  }
0x27c: {  	[tilespmem:v5+s5+$0x0] =	vst.idx.msk $0xffff, v6  }
0x27d: {  	_ =	swait.ge [sflag:s7], $0x1000  }
0x27e: {  	[sflag:s7] =	ssyncset.done $0x0  }
0x27f: {  	[sflag:s7] =	ssyncadd.s32 $0xFFFFF000  }
0x280: {  	_ =	swait.ge [sflag:s7], $0x1000  }
0x281: {  	[sflag:s7] =	ssyncset.done $0x0  }
0x282: {  	[sflag:s7] =	ssyncadd.s32 $0xFFFFF000  }
0x283: {  	s31 =	sand.u32 $0x7F, s13;
	_ =	swait.ge [sflag:s7], $0x1000  }
0x284: {  	s2 =	sadd.s32 $0xFFFFFFFF, s12;
	v4 =	vor.u32 s31, v0;
	[sflag:s7] =	ssyncset.done $0x0  }
0x285: {  	v50 =	vor.u32 s31, v1;
	v5 =	vmov s2;
	[sflag:s7] =	ssyncadd.s32 $0xFFFFF000  }
0x286: {  	v51 =	vshll.u32 v5, $0x3;
	_ =	swait.ge [sflag:s7], $0x1000  }
0x287: {  	v5 =	vand.u32 $0x7E, v5;
	v7 =	vand.u32 $0xC00, v51;
	[sflag:s7] =	ssyncset.done $0x0  }
0x288: {  	v5 =	vor.u32 v5, v7;
	[sflag:s7] =	ssyncadd.s32 $0xFFFFF000  }
0x289: {  	v53 =	vor.u32 v2, v5;
	v52 =	vld.idx.msk [tilespmem:v4+s3+$0x0], $0xffff  }
0x28a: {  	v5 =	vor.u32 v3, v5;
	v54 =	vld.idx.msk [tilespmem:v50+s3+$0x0], $0xffff;
	_ =	sdelay $0x3  }
0x28b: {  	[tilespmem:v53+s15+$0x0] =	vst.idx.msk $0xffff, v52  }
0x28c: {  	s26 =	simm.s32 $0x15400;
	[tilespmem:v5+s15+$0x0] =	vst.idx.msk $0xffff, v54  }
0x28d: {  	v4 =	vld.idx.msk [tilespmem:v4+s26+$0x0], $0xffff  }
0x28e: {  	s31 =	sand.u32 $0x7F, s23;
	v6 =	vld.idx.msk [tilespmem:v50+s26+$0x0], $0xffff  }
0x28f: {  	v55 =	vor.u32 s31, v0  }
0x290: {  	v56 =	vor.u32 s31, v1;
	_ =	sdelay $0x1  }
0x291: {  	[tilespmem:v53+s25+$0x0] =	vst.idx.msk $0xffff, v4  }
0x292: {  	s13 =	simm.s32 $0x18400;
	[tilespmem:v5+s25+$0x0] =	vst.idx.msk $0xffff, v6  }
0x293: {  	v4 =	vld.idx.msk [tilespmem:v55+s13+$0x0], $0xffff  }
0x294: {  	v6 =	vld.idx.msk [tilespmem:v56+s13+$0x0], $0xffff;
	_ =	sdelay $0x3  }
0x295: {  	[tilespmem:v53+s4+$0x0] =	vst.idx.msk $0xffff, v4  }
0x296: {  	s3 =	simm.s32 $0x1B400;
	[tilespmem:v5+s4+$0x0] =	vst.idx.msk $0xffff, v6  }
0x297: {  	v4 =	vld.idx.msk [tilespmem:v55+s3+$0x0], $0xffff  }
0x298: {  	v6 =	vld.idx.msk [tilespmem:v56+s3+$0x0], $0xffff;
	_ =	sdelay $0x3  }
0x299: {  	[tilespmem:v53+s5+$0x0] =	vst.idx.msk $0xffff, v4  }
0x29a: {  	[tilespmem:v5+s5+$0x0] =	vst.idx.msk $0xffff, v6  }
0x29b: {  	s2 =	rddreg [dreg:$0x10];
	_ =	swait.ge [sflag:s30], $0x1000  }
0x29c: {  	[sflag:s30] =	ssyncset.done $0x0  }
0x29d: {  	[sflag:s30] =	ssyncadd.s32 $0xFFFFF000  }
0x29e: {  	_ =	swait.ge [sflag:s30], $0x1000  }
0x29f: {  	[sflag:s30] =	ssyncset.done $0x0  }
0x2a0: {  	[sflag:s30] =	ssyncadd.s32 $0xFFFFF000  }
0x2a1: {  	s23 =	sand.u32 $0x7F, s9;
	_ =	swait.ge [sflag:s30], $0x1000  }
0x2a2: {  	v4 =	vor.u32 s23, v0;
	[sflag:s30] =	ssyncset.done $0x0  }
0x2a3: {  	v57 =	vmov s12;
	v5 =	vor.u32 s23, v1;
	[sflag:s30] =	ssyncadd.s32 $0xFFFFF000  }
0x2a4: {  	v58 =	vshll.u32 v57, $0x3;
	_ =	swait.ge [sflag:s30], $0x1000  }
0x2a5: {  	v7 =	vand.u32 $0xC00, v58;
	v6 =	vand.u32 $0x7F, v57;
	[sflag:s30] =	ssyncset.done $0x0  }
0x2a6: {  	v6 =	vor.u32 v6, v7;
	[sflag:s30] =	ssyncadd.s32 $0xFFFFF000  }
0x2a7: {  	v60 =	vor.u32 v2, v6;
	v59 =	vld.idx.msk [tilespmem:v4+s14+$0x0], $0xffff  }
0x2a8: {  	v6 =	vor.u32 v3, v6;
	v61 =	vld.idx.msk [tilespmem:v5+s14+$0x0], $0xffff;
	_ =	sdelay $0x3  }
0x2a9: {  	[tilespmem:v60+s15+$0x0] =	vst.idx.msk $0xffff, v59  }
0x2aa: {  	[tilespmem:v6+s15+$0x0] =	vst.idx.msk $0xffff, v61  }
0x2ab: {  	v4 =	vld.idx.msk [tilespmem:v4+s18+$0x0], $0xffff  }
0x2ac: {  	s26 =	sand.u32 $0x7F, s11;
	v5 =	vld.idx.msk [tilespmem:v5+s18+$0x0], $0xffff  }
0x2ad: {  	v62 =	vor.u32 s26, v0  }
0x2ae: {  	v63 =	vor.u32 s26, v1;
	_ =	sdelay $0x1  }
0x2af: {  	[tilespmem:v60+s25+$0x0] =	vst.idx.msk $0xffff, v4  }
0x2b0: {  	[tilespmem:v6+s25+$0x0] =	vst.idx.msk $0xffff, v5  }
0x2b1: {  	v4 =	vld.idx.msk [tilespmem:v62+s19+$0x0], $0xffff  }
0x2b2: {  	v5 =	vld.idx.msk [tilespmem:v63+s19+$0x0], $0xffff;
	_ =	sdelay $0x3  }
0x2b3: {  	[tilespmem:v60+s4+$0x0] =	vst.idx.msk $0xffff, v4  }
0x2b4: {  	[tilespmem:v6+s4+$0x0] =	vst.idx.msk $0xffff, v5  }
0x2b5: {  	v4 =	vld.idx.msk [tilespmem:v62+s20+$0x0], $0xffff  }
0x2b6: {  	p0 =	sne.s32 s12, $0x1FF;
	v5 =	vld.idx.msk [tilespmem:v63+s20+$0x0], $0xffff  }
.Ltmp0:
0x2b7: {  	_ = 	snop;
	(pc) =	sbr.rel @p0 .LBB2_2-.Ltmp0, $4  }
0x2b8: {  	_ = 	snop  }
0x2b9: {  	s29 =	simm.s32 $0x17400;
	s12 =	sadd.s32 $0x10, s12  }
0x2ba: {  	s9 =	simm.s32 $0xC400;
	s11 =	simm.s32 $0x4400;
	s31 =	rddreg [dreg:$0x11];
	[tilespmem:v60+s5+$0x0] =	vst.idx.msk $0xffff, v4  }
0x2bb: {  	s13 =	simm.s32 $0x8400;
	s3 =	sadd.s32 $0x10, s2;
	s0 =	sadd.s32 $0x10, s31;
	[tilespmem:v6+s5+$0x0] =	vst.idx.msk $0xffff, v5  }
0x2bc: {  	s0 =	rddreg [dreg:$0xa]  }
0x2bd: {  	s1 =	simm.s32 $0x1000;
	s3 =	simm.s32 $0x20000;
	s2 =	simm.s32 $0x4  }
0x2be: {  	[hbm4b:s0+s1] =	stream.strided.scatter [tilespmem:s15], [sflag:$0x4], $0x4000, s3, s1, $0x38;
	[tilespmem:$0x1C400] =	vst v63  }
0x2bf: {  	_ =	swait.ge [sflag:s2], $0x4000  }
0x2c0: {  	[sflag:s2] =	ssyncset.done $0x0  }
0x2c1: {  	s12 =	rddreg [dreg:$0xb];
	[sflag:s2] =	ssyncadd.s32 $0xFFFFC000  }
0x2c2: {  	[hbm4b:s12+s1] =	stream.strided.scatter [tilespmem:s13], [sflag:$0x4], $0x4000, s3, s1, $0x38;
	[tilespmem:$0x1C400] =	vst v63  }
0x2c3: {  	_ =	swait.ge [sflag:s2], $0x4000  }
0x2c4: {  	[sflag:s2] =	ssyncset.done $0x0  }
0x2c5: {  	s23 =	rddreg [dreg:$0xc];
	[sflag:s2] =	ssyncadd.s32 $0xFFFFC000  }
0x2c6: {  	[hbm4b:s23+s1] =	stream.strided.scatter [tilespmem:s11], [sflag:$0x4], $0x4000, s3, s1, $0x38;
	[tilespmem:$0x1C400] =	vst v63  }
0x2c7: {  	_ =	swait.ge [sflag:s2], $0x4000  }
0x2c8: {  	[sflag:s2] =	ssyncset.done $0x0  }
0x2c9: {  	s25 =	rddreg [dreg:$0xd];
	[sflag:s2] =	ssyncadd.s32 $0xFFFFC000  }
0x2ca: {  	[hbm4b:s25+s1] =	stream.strided.scatter [tilespmem:s9], [sflag:$0x4], $0x4000, s3, s1, $0x38;
	[tilespmem:$0x1C400] =	vst v63  }
0x2cb: {  	_ =	swait.ge [sflag:s2], $0x4000  }
0x2cc: {  	s26 =	rddreg [dreg:$0xf]  }
0x2cd: {  	s31 =	rddreg [dreg:$0xe];
	s1 =	sadd.s32 $0x1, s26  }
0x2ce: {  	p0 =	sne.s32 s1, s31  }
.Ltmp1:
0x2cf: {  	_ = 	snop;
	(pc) =	sbr.rel @p0 .LBB2_1-.Ltmp1, $3  }
0x2d0: {  	_ =	sdelay $0x1  }
0x2d1: {  	[sflag:s2] =	ssyncset.done $0x0  }
0x2d2: {  	[sflag:s2] =	ssyncadd.s32 $0xFFFFC000  }
0x2d3: {  	_ =	sfence.sel $0x180000  }
0x2d4: {  	[bflag:$0x0] =	sbarrier.arrive $0xFFFF  }
0x2d5: {  	_ =	strace $0x90000047  }
0x2d6: {  	s0 =	stileid.u32;
	[bflag:$0x2] =	sbarrier.arrive $0xFFFF  }
0x2d7: {  	p0 =	sne.s32 s0, $0x0;
	s0 =	rddreg [dreg:$0x7]  }
0x2d8: {  	s0 =	sadd.s32 @!p0 $0x100000, s0  }
0x2d9: {  	[sflag:s0] =	ssyncadd.tile.s32 @!p0 $0x1;
	_ =	shalt  }
.Lfunc_end2:
_tile_overlayer_lowered:
.L_overlay_start_2:
0x2da: {  	(tag) =	ssettag $0x2  }
0x2db: {  	s0 =	rddreg [dreg:$0x0];
	s2 =	stileid.u32  }
0x2dc: {  	s1 =	rddreg [dreg:$0x1];
	p0 =	sne.s32 s2, $0x0  }
0x2dd: {  	s3 =	rddreg [dreg:$0x2];
	[bflag:$0x3] =	sbarrier.arrive $0xFFFF;
	s2 =	simm.s32 @!p0 $0x1C04  }
0x2de: {  	[timem:s3], [sflag:s2] =	dma.local @!p0 [hbm:s0], s1  }
0x2df: {  	s0 =	simm.s32 @!p0 $0x4  }
0x2e0: {  	_ =	swait.ge @!p0 [sflag:s0], s1  }
0x2e1: {  	s1 =	ssub.s32 @!p0 $0x0, s1;
	[sflag:s0] =	ssyncset.done @!p0 $0x0  }
0x2e2: {  	[sflag:s0] =	ssyncadd.s32 @!p0 s1  }
0x2e3: {  	[bflag:$0x3] =	sbarrier.arrive $0xFFFF  }
0x2e4: {  	_ =	shalt  }

</sc_bundles>
